<compile_context>
chip_gen: v7x
topology: tpu7x:2x2x1
jax: 0.10.2.dev20260603
libtpu: 0.0.44.dev20260713+nightly
codegen_flags: <defaults>
</compile_context>

<pallas_src>
import functools

import jax
import jax.numpy as jnp
from jax import lax
from jax.experimental import pallas as pl
from jax.experimental.pallas import tpu as pltpu
from jax.experimental.pallas import tpu_sc as plsc

_E = 8
_H = 1024
_I = 512
_T = 2048
_K = 2
_P = _T * _K

_B = 128
_S = _P + _E * _B
_NB = _S // _B

_Q = 4
_QD = _H // _Q
_W = 128


@functools.cache
def _vector_mesh():
    return plsc.VectorSubcoreMesh(core_axis_name="c", subcore_axis_name="s",
                                  num_cores=2, num_subcores=16)


def _sc_gather_body(table_hbm, idx_hbm, out_hbm):
    def body(i_vmem, o_vmem):
        pltpu.sync_copy(table_hbm.at[i_vmem.at[0]], o_vmem)

    pltpu.emit_pipeline(
        body,
        grid=(_S * _Q // _W,),
        in_specs=[pl.BlockSpec((1, _W), lambda i: (0, i))],
        out_specs=[pl.BlockSpec((_W, _QD), lambda i: (i, 0))],
        core_axis_name=("c", "s"),
        dimension_semantics=(pltpu.PARALLEL,),
    )(idx_hbm, out_hbm)


def _sc_gather(table_q, src_q):
    out = pl.kernel(
        _sc_gather_body,
        out_type=jax.ShapeDtypeStruct((_S * _Q, _QD), jnp.float32),
        mesh=_vector_mesh(),
    )(table_q, src_q.reshape(1, _S * _Q))
    return out.reshape(_S, _H)


def _sc_invert_body(dest_hbm, w_hbm, src_out, roww_out,
                    dest_v, w_v, srcbuf, rowwbuf):
    wid = lax.axis_index("s") * 2 + lax.axis_index("c")

    @pl.when(wid == 0)
    def _():
        pltpu.sync_copy(dest_hbm, dest_v)
        pltpu.sync_copy(w_hbm, w_v)
        zero_i = jnp.zeros((16,), jnp.int32)
        zero_f = jnp.zeros((16,), jnp.float32)

        @pl.loop(0, _S, step=16)
        def _zero(j):
            srcbuf[pl.ds(j, 16)] = zero_i
            rowwbuf[pl.ds(j, 16)] = zero_f

        @pl.loop(0, _P, step=16)
        def _scatter(p):
            d = dest_v[pl.ds(p, 16)]
            tok = lax.shift_right_logical(p + lax.iota(jnp.int32, 16), 1)
            plsc.store_scatter(srcbuf, [d], tok)
            plsc.store_scatter(rowwbuf, [d], w_v[pl.ds(p, 16)])

        pltpu.sync_copy(srcbuf, src_out)
        pltpu.sync_copy(rowwbuf, roww_out)


def _sc_invert(dest, w_flat):
    import dataclasses
    cp = pltpu.CompilerParams()
    if "needs_layout_passes" in pltpu.CompilerParams.__dataclass_fields__:
        cp = dataclasses.replace(cp, needs_layout_passes=False)
    return pl.kernel(
        _sc_invert_body,
        compiler_params=cp,
        out_type=(jax.ShapeDtypeStruct((_S,), jnp.int32),
                  jax.ShapeDtypeStruct((_S,), jnp.float32)),
        mesh=_vector_mesh(),
        scratch_types=[
            pltpu.VMEM((_P,), jnp.int32),
            pltpu.VMEM((_P,), jnp.float32),
            pltpu.VMEM((_S,), jnp.int32),
            pltpu.VMEM((_S,), jnp.float32),
        ],
    )(dest, w_flat)


def _ffn_kernel(be_ref, xs_ref, w_ref, gup_ref, down_ref, ys_ref):
    e = be_ref[pl.program_id(0)]
    x = xs_ref[...].astype(jnp.bfloat16)
    gu = lax.dot_general(
        x, gup_ref[e],
        (((1,), (1,)), ((), ())),
        preferred_element_type=jnp.float32,
    )
    gate = gu[:, :_I]
    up = gu[:, _I:]
    h = (gate * jax.nn.sigmoid(gate) * up).astype(jnp.bfloat16)
    y = lax.dot_general(
        h, down_ref[e],
        (((1,), (1,)), ((), ())),
        preferred_element_type=jnp.float32,
    )
    ys_ref[...] = y * w_ref[...]


def _tc_ffn(block_expert, xs, row_w, gup16, down16):
    grid_spec = pltpu.PrefetchScalarGridSpec(
        num_scalar_prefetch=1,
        grid=(_NB,),
        in_specs=[
            pl.BlockSpec((_B, _H), lambda b, be: (b, 0)),
            pl.BlockSpec((_B, 1), lambda b, be: (b, 0)),
            pl.BlockSpec((_E, 2 * _I, _H), lambda b, be: (0, 0, 0)),
            pl.BlockSpec((_E, _H, _I), lambda b, be: (0, 0, 0)),
        ],
        out_specs=pl.BlockSpec((_B, _H), lambda b, be: (b, 0)),
    )
    return pl.pallas_call(
        _ffn_kernel,
        grid_spec=grid_spec,
        out_shape=jax.ShapeDtypeStruct((_S, _H), jnp.float32),
        compiler_params=pltpu.CompilerParams(
            vmem_limit_bytes=100 * 1024 * 1024,
        ),
    )(block_expert, xs, row_w, gup16, down16)


def _sc_combine_body(ys_hbm, p0_hbm, p1_hbm, out_hbm, buf1, sem):
    def body(i0_vmem, i1_vmem, o_vmem):
        cp1 = pltpu.async_copy(ys_hbm.at[i1_vmem.at[0]], buf1, sem)
        pltpu.sync_copy(ys_hbm.at[i0_vmem.at[0]], o_vmem)
        cp1.wait()

        @pl.loop(0, _W)
        def _rows(r):
            for u in range(0, _QD, 16):
                slc = (pl.ds(r, 1), pl.ds(u, 16))
                o_vmem.at[slc][...] = o_vmem.at[slc][...] + buf1.at[slc][...]

    pltpu.emit_pipeline(
        body,
        grid=(_T * _Q // _W,),
        in_specs=[pl.BlockSpec((1, _W), lambda i: (0, i)),
                  pl.BlockSpec((1, _W), lambda i: (0, i))],
        out_specs=[pl.BlockSpec((_W, _QD), lambda i: (i, 0))],
        core_axis_name=("c", "s"),
        dimension_semantics=(pltpu.PARALLEL,),
    )(p0_hbm, p1_hbm, out_hbm)


def _sc_combine(ys_q, p0_q, p1_q):
    out = pl.kernel(
        _sc_combine_body,
        out_type=jax.ShapeDtypeStruct((_T * _Q, _QD), jnp.float32),
        mesh=_vector_mesh(),
        scratch_types=[
            pltpu.VMEM((_W, _QD), jnp.float32),
            pltpu.SemaphoreType.DMA,
        ],
    )(ys_q, p0_q.reshape(1, _T * _Q), p1_q.reshape(1, _T * _Q))
    return out.reshape(_T, _H)


def kernel(hidden_states, top_k_index, top_k_weights, gate_up_proj, down_proj):
    gup16 = gate_up_proj.astype(jnp.bfloat16)
    down16 = down_proj.astype(jnp.bfloat16)

    e_flat = top_k_index.astype(jnp.int32).reshape(-1)
    w_flat = top_k_weights.reshape(-1)
    onehot = (e_flat[:, None] == jnp.arange(_E, dtype=jnp.int32)).astype(jnp.int32)
    csum = jnp.cumsum(onehot, axis=0)
    counts = csum[-1]
    rank = jnp.take_along_axis(csum, e_flat[:, None], axis=1)[:, 0] - 1
    pc = ((counts + _B - 1) // _B) * _B
    off = jnp.concatenate(
        [jnp.zeros((1,), jnp.int32), jnp.cumsum(pc)[:-1].astype(jnp.int32)])
    dest = off[e_flat] + rank
    src_token, row_w1 = _sc_invert(dest, w_flat)
    row_w = row_w1[:, None]
    cumblk = jnp.cumsum(pc // _B)
    block_expert = jnp.minimum(
        jnp.searchsorted(cumblk, jnp.arange(_NB, dtype=jnp.int32), side="right"),
        _E - 1).astype(jnp.int32)
    pos = dest.reshape(_T, _K)

    quarters = jnp.arange(_Q, dtype=jnp.int32)
    src_q = (src_token[:, None] * _Q + quarters).reshape(-1)
    p0_q = (pos[:, 0:1] * _Q + quarters).reshape(-1)
    p1_q = (pos[:, 1:2] * _Q + quarters).reshape(-1)

    table_q = hidden_states.reshape(_T * _Q, _QD)
    xs = _sc_gather(table_q, src_q)
    ys = _tc_ffn(block_expert, xs, row_w, gup16, down16)
    ys_q = ys.reshape(_S * _Q, _QD)
    return _sc_combine(ys_q, p0_q, p1_q)

# --- scband reference (transcript-rebuilt; emitter-appended) ---
"""Pipeline reference for scband-experts-25872882991284 (READ-ONLY COPY).

The authoritative reference and input builder live on the scoring server;
editing this copy changes nothing except your own understanding.
"""

import jax, jax.numpy as jnp
import numpy as np

NUM_EXPERTS = 8
HIDDEN = 1024
INTERMEDIATE = 512
TOKENS = 2048
TOP_K = 2


def setup_inputs(seed: int = 0) -> dict:
    key = jax.random.key(seed)
    k1, k2, k3, k4, k5 = jax.random.split(key, 5)
    hidden_states = jax.random.normal(k1, (TOKENS, HIDDEN), dtype=jnp.float32)
    top_k_index = jax.random.randint(k2, (TOKENS, TOP_K), 0, NUM_EXPERTS, dtype=jnp.int64)
    top_k_weights = jax.random.uniform(k3, (TOKENS, TOP_K), dtype=jnp.float32)
    gate_up_proj = jax.random.normal(k4, (NUM_EXPERTS, 2 * INTERMEDIATE, HIDDEN), dtype=jnp.float32) * 0.02
    down_proj = jax.random.normal(k5, (NUM_EXPERTS, HIDDEN, INTERMEDIATE), dtype=jnp.float32) * 0.02
    return {
        "hidden_states": hidden_states,
        "top_k_index": top_k_index,
        "top_k_weights": top_k_weights,
        "gate_up_proj": gate_up_proj,
        "down_proj": down_proj,
    }


def reference(hidden_states, top_k_index, top_k_weights, gate_up_proj, down_proj):
    # Faithful translation of the masked expert loop.
    # one_hot routing mask combined with top_k_weights gives, per token and
    # expert, the total routing weight (handles duplicate expert assignment
    # in top_k exactly like index_add_ accumulation in the torch code).
    num_experts = gate_up_proj.shape[0]
    one_hot = jax.nn.one_hot(top_k_index, num_experts, dtype=hidden_states.dtype)  # [T, K, E]
    combine = jnp.sum(one_hot * top_k_weights[..., None], axis=1)  # [T, E]
    final = jnp.zeros_like(hidden_states)
    for e in range(num_experts):
        gu = hidden_states @ gate_up_proj[e].T  # [T, 2I]
        gate, up = jnp.split(gu, 2, axis=-1)
        h = jax.nn.silu(gate) * up
        y = h @ down_proj[e].T  # [T, H]
        final = final + y * combine[:, e][:, None]
    return final

if __name__ == "__main__":
    import jax
    _d = setup_inputs()
    print(jax.jit(kernel)(*tuple(_d.values())))

</pallas_src>

<mosaic_0001>
#map = affine_map<(d0, d1) -> (0, 0)>
module attributes {stable_mosaic.version = 14 : i64} {
  func.func @_sc_combine_body(%arg0: i32, %arg1: i32, %arg2: memref<20480x256xf32, #tpu.memory_space<hbm>>, %arg3: memref<1x8192xi32, #tpu.memory_space<hbm>>, %arg4: memref<1x8192xi32, #tpu.memory_space<hbm>>, %arg5: memref<8192x256xf32, #tpu.memory_space<hbm>>, %arg6: memref<128x256xf32, #tpu.memory_space<vmem>>, %arg7: memref<!tpu.dma_semaphore, #tpu.memory_space<semaphore_mem>>) attributes {dimension_semantics = [#tpu.dimension_semantics<core_parallel>, #tpu.dimension_semantics<subcore_parallel>], iteration_bounds = array<i64: 2, 16>, scalar_prefetch = 0 : i64, scratch_operands = 2 : i64, tpu.core_type = #tpu.core_type<sc_vector_subcore>, window_params = [{transform_indices = #map}, {transform_indices = #map}, {transform_indices = #map}, {transform_indices = #map}]} {
    %mul3A = arith.constant 1 : i32
    %mul3A_0 = arith.muli %arg1, %mul3A : i32
    %add3A = arith.constant 0 : i32
    %add3A_1 = arith.addi %add3A, %mul3A_0 : i32
    %mul3A_2 = arith.constant 16 : i32
    %mul3A_3 = arith.muli %arg0, %mul3A_2 : i32
    %add3A_4 = arith.addi %add3A_1, %mul3A_3 : i32
    %mul3A_5 = arith.constant 2 : i32
    %mul3A_6 = arith.muli %add3A_4, %mul3A_5 : i32
    "tpu.region"() ({
      %run_scoped3A = memref.alloca() : memref<2x1x128xi32, #tpu.memory_space<vmem>>
      %run_scoped3A_7 = tpu.sem_alloc : memref<2x!tpu.dma_semaphore, #tpu.memory_space<semaphore_mem>>
      %run_scoped3A_8 = memref.alloca() : memref<2x1x128xi32, #tpu.memory_space<vmem>>
      %run_scoped3A_9 = tpu.sem_alloc : memref<2x!tpu.dma_semaphore, #tpu.memory_space<semaphore_mem>>
      %run_scoped3A_10 = memref.alloca() : memref<2x128x256xf32, #tpu.memory_space<vmem>>
      %run_scoped3A_11 = tpu.sem_alloc : memref<2x!tpu.dma_semaphore, #tpu.memory_space<semaphore_mem>>
      %add3A_12 = arith.constant 0 : i32
      %add3A_13 = arith.addi %add3A_12, %mul3A_6 : i32
      %select_n3A = arith.constant true
      %select_n3A_14 = arith.constant 0 : i32
      %select_n3A_15 = arith.constant -1 : i32
      %select_n3A_16 = arith.select %select_n3A, %select_n3A_15, %select_n3A_14 : i32
      %eq3A = arith.constant -1 : i32
      %eq3A_17 = arith.cmpi eq, %select_n3A_16, %eq3A : i32
      %select_n3A_18 = arith.constant 1 : i32
      %select_n3A_19 = arith.select %eq3A_17, %select_n3A_18, %select_n3A_16 : i32
      %add3A_20 = arith.addi %select_n3A_19, %mul3A_6 : i32
      %select_n3A_21 = arith.constant true
      %select_n3A_22 = arith.constant 0 : i32
      %select_n3A_23 = arith.constant 1 : i32
      %select_n3A_24 = arith.select %select_n3A_21, %select_n3A_23, %select_n3A_22 : i32
      %eq3A_25 = arith.constant 2 : i32
      %eq3A_26 = arith.cmpi eq, %select_n3A_24, %eq3A_25 : i32
      %select_n3A_27 = arith.constant 0 : i32
      %select_n3A_28 = arith.select %eq3A_26, %select_n3A_27, %select_n3A_24 : i32
      %add3A_29 = arith.addi %select_n3A_28, %mul3A_6 : i32
      %add3A_30 = arith.constant 1 : i32
      %add3A_31 = arith.addi %select_n3A_28, %add3A_30 : i32
      %select_n3A_32 = arith.constant true
      %select_n3A_33 = arith.select %select_n3A_32, %add3A_31, %select_n3A_28 : i32
      %eq3A_34 = arith.constant 2 : i32
      %eq3A_35 = arith.cmpi eq, %select_n3A_33, %eq3A_34 : i32
      %select_n3A_36 = arith.constant 0 : i32
      %select_n3A_37 = arith.select %eq3A_35, %select_n3A_36, %select_n3A_33 : i32
      %add3A_38 = arith.addi %select_n3A_37, %mul3A_6 : i32
      "tpu.trace_start"() <{level = 10 : i32, message = "ep_initialize_0"}> : () -> ()
      %rem3A = arith.constant 0 : i32
      %rem3A_39 = arith.constant 2 : i32
      %rem3A_40 = arith.remui %rem3A, %rem3A_39 : i32
      %mul3A_41 = arith.constant 128 : i32
      %mul3A_42 = arith.muli %mul3A_41, %add3A_13 : i32
      %dma_start3A = arith.constant 0 : i32
      %dma_start3A_43 = arith.constant 0 : i32
      %dma_start3A_44 = tpu.memref_slice %run_scoped3A[%rem3A_40, %dma_start3A, %dma_start3A_43] : memref<2x1x128xi32, #tpu.memory_space<vmem>> -> memref<1x1x128xi32, #tpu.memory_space<vmem>>
      %dma_start3A_45 = tpu.memref_squeeze %dma_start3A_44 : memref<1x1x128xi32, #tpu.memory_space<vmem>> -> memref<1x128xi32, #tpu.memory_space<vmem>>
      %dma_start3A_46 = arith.constant 0 : i32
      %dma_start3A_47 = tpu.memref_slice %arg3[%dma_start3A_46, %mul3A_42] : memref<1x8192xi32, #tpu.memory_space<hbm>> -> memref<1x128xi32, #tpu.memory_space<hbm>>
      %dma_start3A_48 = tpu.memref_slice %run_scoped3A_7[%rem3A_40] : memref<2x!tpu.dma_semaphore, #tpu.memory_space<semaphore_mem>> -> memref<1x!tpu.dma_semaphore, #tpu.memory_space<semaphore_mem>>
      %dma_start3A_49 = tpu.memref_squeeze %dma_start3A_48 : memref<1x!tpu.dma_semaphore, #tpu.memory_space<semaphore_mem>> -> memref<!tpu.dma_semaphore, #tpu.memory_space<semaphore_mem>>
      %dma_start3A_50 = arith.constant 0 : i32
      %dma_start3A_51 = arith.constant 0 : i32
      %dma_start3A_52 = tpu.memref_slice %run_scoped3A[%rem3A_40, %dma_start3A_50, %dma_start3A_51] : memref<2x1x128xi32, #tpu.memory_space<vmem>> -> memref<1x1x128xi32, #tpu.memory_space<vmem>>
      %dma_start3A_53 = tpu.memref_squeeze %dma_start3A_52 : memref<1x1x128xi32, #tpu.memory_space<vmem>> -> memref<1x128xi32, #tpu.memory_space<vmem>>
      %dma_start3A_54 = arith.constant 0 : i32
      %dma_start3A_55 = tpu.memref_slice %arg3[%dma_start3A_54, %mul3A_42] : memref<1x8192xi32, #tpu.memory_space<hbm>> -> memref<1x128xi32, #tpu.memory_space<hbm>>
      tpu.enqueue_dma source(%dma_start3A_55 : memref<1x128xi32, #tpu.memory_space<hbm>>) target(%dma_start3A_53 : memref<1x128xi32, #tpu.memory_space<vmem>>) target_semaphore(%dma_start3A_49 : memref<!tpu.dma_semaphore, #tpu.memory_space<semaphore_mem>>)
      %add3A_56 = arith.constant 0 : i32
      %add3A_57 = arith.constant 1 : i32
      %add3A_58 = arith.addi %add3A_56, %add3A_57 : i32
      %select_n3A_59 = arith.constant true
      %select_n3A_60 = arith.constant 0 : i32
      %select_n3A_61 = arith.select %select_n3A_59, %add3A_58, %select_n3A_60 : i32
      %rem3A_62 = arith.constant 0 : i32
      %rem3A_63 = arith.constant 2 : i32
      %rem3A_64 = arith.remui %rem3A_62, %rem3A_63 : i32
      %mul3A_65 = arith.constant 128 : i32
      %mul3A_66 = arith.muli %mul3A_65, %add3A_13 : i32
      %dma_start3A_67 = arith.constant 0 : i32
      %dma_start3A_68 = arith.constant 0 : i32
      %dma_start3A_69 = tpu.memref_slice %run_scoped3A_8[%rem3A_64, %dma_start3A_67, %dma_start3A_68] : memref<2x1x128xi32, #tpu.memory_space<vmem>> -> memref<1x1x128xi32, #tpu.memory_space<vmem>>
      %dma_start3A_70 = tpu.memref_squeeze %dma_start3A_69 : memref<1x1x128xi32, #tpu.memory_space<vmem>> -> memref<1x128xi32, #tpu.memory_space<vmem>>
      %dma_start3A_71 = arith.constant 0 : i32
      %dma_start3A_72 = tpu.memref_slice %arg4[%dma_start3A_71, %mul3A_66] : memref<1x8192xi32, #tpu.memory_space<hbm>> -> memref<1x128xi32, #tpu.memory_space<hbm>>
      %dma_start3A_73 = tpu.memref_slice %run_scoped3A_9[%rem3A_64] : memref<2x!tpu.dma_semaphore, #tpu.memory_space<semaphore_mem>> -> memref<1x!tpu.dma_semaphore, #tpu.memory_space<semaphore_mem>>
      %dma_start3A_74 = tpu.memref_squeeze %dma_start3A_73 : memref<1x!tpu.dma_semaphore, #tpu.memory_space<semaphore_mem>> -> memref<!tpu.dma_semaphore, #tpu.memory_space<semaphore_mem>>
      %dma_start3A_75 = arith.constant 0 : i32
      %dma_start3A_76 = arith.constant 0 : i32
      %dma_start3A_77 = tpu.memref_slice %run_scoped3A_8[%rem3A_64, %dma_start3A_75, %dma_start3A_76] : memref<2x1x128xi32, #tpu.memory_space<vmem>> -> memref<1x1x128xi32, #tpu.memory_space<vmem>>
      %dma_start3A_78 = tpu.memref_squeeze %dma_start3A_77 : memref<1x1x128xi32, #tpu.memory_space<vmem>> -> memref<1x128xi32, #tpu.memory_space<vmem>>
      %dma_start3A_79 = arith.constant 0 : i32
      %dma_start3A_80 = tpu.memref_slice %arg4[%dma_start3A_79, %mul3A_66] : memref<1x8192xi32, #tpu.memory_space<hbm>> -> memref<1x128xi32, #tpu.memory_space<hbm>>
      tpu.enqueue_dma source(%dma_start3A_80 : memref<1x128xi32, #tpu.memory_space<hbm>>) target(%dma_start3A_78 : memref<1x128xi32, #tpu.memory_space<vmem>>) target_semaphore(%dma_start3A_74 : memref<!tpu.dma_semaphore, #tpu.memory_space<semaphore_mem>>)
      %add3A_81 = arith.constant 0 : i32
      %add3A_82 = arith.constant 1 : i32
      %add3A_83 = arith.addi %add3A_81, %add3A_82 : i32
      %select_n3A_84 = arith.constant true
      %select_n3A_85 = arith.constant 0 : i32
      %select_n3A_86 = arith.select %select_n3A_84, %add3A_83, %select_n3A_85 : i32
      "tpu.trace_stop"() : () -> ()
      %scan3A = arith.constant 0 : i32
      %scan3A_87 = arith.constant 0 : i32
      %scan3A_88 = arith.constant 0 : i32
      %scan3A_89 = arith.constant 0 : i32
      %scan3A_90 = arith.constant 0 : i32
      %scan3A_91 = arith.constant 0 : i32
      %scan3A_92 = arith.constant 2 : i32
      %scan3A_93 = arith.addi %scan3A_91, %scan3A_92 : i32
      %scan3A_94 = arith.constant 1 : i32
      %scan3A_95:7 = scf.for %scan3A_149 = %scan3A_91 to %scan3A_93 step %scan3A_94 iter_args(%scan3A_150 = %select_n3A_61, %scan3A_151 = %scan3A, %scan3A_152 = %select_n3A_86, %scan3A_153 = %scan3A_87, %scan3A_154 = %scan3A_88, %scan3A_155 = %scan3A_89, %scan3A_156 = %scan3A_90) -> (i32, i32, i32, i32, i32, i32, i32)  : i32 {
        %eq3A_157 = arith.constant 0 : i32
        %eq3A_158 = arith.cmpi eq, %scan3A_149, %eq3A_157 : i32
        %eq3A_159 = arith.constant 1 : i32
        %eq3A_160 = arith.cmpi eq, %scan3A_149, %eq3A_159 : i32
        %add3A_161 = arith.addi %scan3A_156, %mul3A_6 : i32
        %sub3A_162 = arith.constant 1 : i32
        %sub3A_163 = arith.subi %scan3A_156, %sub3A_162 : i32
        %select_n3A_164 = arith.constant true
        %select_n3A_165 = arith.select %select_n3A_164, %sub3A_163, %scan3A_156 : i32
        %eq3A_166 = arith.constant -1 : i32
        %eq3A_167 = arith.cmpi eq, %select_n3A_165, %eq3A_166 : i32
        %select_n3A_168 = arith.constant 1 : i32
        %select_n3A_169 = arith.select %eq3A_167, %select_n3A_168, %select_n3A_165 : i32
        %add3A_170 = arith.addi %select_n3A_169, %mul3A_6 : i32
        %add3A_171 = arith.constant 1 : i32
        %add3A_172 = arith.addi %scan3A_156, %add3A_171 : i32
        %select_n3A_173 = arith.constant true
        %select_n3A_174 = arith.select %select_n3A_173, %add3A_172, %scan3A_156 : i32
        %eq3A_175 = arith.constant 2 : i32
        %eq3A_176 = arith.cmpi eq, %select_n3A_174, %eq3A_175 : i32
        %select_n3A_177 = arith.constant 0 : i32
        %select_n3A_178 = arith.select %eq3A_176, %select_n3A_177, %select_n3A_174 : i32
        %add3A_179 = arith.addi %select_n3A_178, %mul3A_6 : i32
        %add3A_180 = arith.constant 1 : i32
        %add3A_181 = arith.addi %select_n3A_178, %add3A_180 : i32
        %select_n3A_182 = arith.constant true
        %select_n3A_183 = arith.select %select_n3A_182, %add3A_181, %select_n3A_178 : i32
        %eq3A_184 = arith.constant 2 : i32
        %eq3A_185 = arith.cmpi eq, %select_n3A_183, %eq3A_184 : i32
        %select_n3A_186 = arith.constant 0 : i32
        %select_n3A_187 = arith.select %eq3A_185, %select_n3A_186, %select_n3A_183 : i32
        %add3A_188 = arith.addi %select_n3A_187, %mul3A_6 : i32
        %ne3A = arith.cmpi ne, %add3A_161, %add3A_179 : i32
        %or3A = arith.constant false
        %or3A_189 = arith.ori %or3A, %ne3A : i1
        %ge3A = arith.constant 1 : i32
        %ge3A_190 = arith.cmpi sge, %scan3A_149, %ge3A : i32
        %not3A = arith.constant true
        %not3A_191 = arith.xori %ge3A_190, %not3A : i1
        %and3A = arith.andi %or3A_189, %not3A_191 : i1
        %convert_element_type3A = arith.extui %and3A : i1 to i32
        %cond3A = arith.constant 0 : i32
        %cond3A_192 = arith.cmpi ne, %convert_element_type3A, %cond3A : i32
        scf.if %cond3A_192 {
          "tpu.trace_start"() <{level = 10 : i32, message = "ep_copy_in"}> : () -> ()
          %rem3A_373 = arith.constant 2 : i32
          %rem3A_374 = arith.remui %scan3A_150, %rem3A_373 : i32
          %mul3A_375 = arith.constant 128 : i32
          %mul3A_376 = arith.muli %mul3A_375, %add3A_179 : i32
          %dma_start3A_377 = arith.constant 0 : i32
          %dma_start3A_378 = arith.constant 0 : i32
          %dma_start3A_379 = tpu.memref_slice %run_scoped3A[%rem3A_374, %dma_start3A_377, %dma_start3A_378] : memref<2x1x128xi32, #tpu.memory_space<vmem>> -> memref<1x1x128xi32, #tpu.memory_space<vmem>>
          %dma_start3A_380 = tpu.memref_squeeze %dma_start3A_379 : memref<1x1x128xi32, #tpu.memory_space<vmem>> -> memref<1x128xi32, #tpu.memory_space<vmem>>
          %dma_start3A_381 = arith.constant 0 : i32
          %dma_start3A_382 = tpu.memref_slice %arg3[%dma_start3A_381, %mul3A_376] : memref<1x8192xi32, #tpu.memory_space<hbm>> -> memref<1x128xi32, #tpu.memory_space<hbm>>
          %dma_start3A_383 = tpu.memref_slice %run_scoped3A_7[%rem3A_374] : memref<2x!tpu.dma_semaphore, #tpu.memory_space<semaphore_mem>> -> memref<1x!tpu.dma_semaphore, #tpu.memory_space<semaphore_mem>>
          %dma_start3A_384 = tpu.memref_squeeze %dma_start3A_383 : memref<1x!tpu.dma_semaphore, #tpu.memory_space<semaphore_mem>> -> memref<!tpu.dma_semaphore, #tpu.memory_space<semaphore_mem>>
          %dma_start3A_385 = arith.constant 0 : i32
          %dma_start3A_386 = arith.constant 0 : i32
          %dma_start3A_387 = tpu.memref_slice %run_scoped3A[%rem3A_374, %dma_start3A_385, %dma_start3A_386] : memref<2x1x128xi32, #tpu.memory_space<vmem>> -> memref<1x1x128xi32, #tpu.memory_space<vmem>>
          %dma_start3A_388 = tpu.memref_squeeze %dma_start3A_387 : memref<1x1x128xi32, #tpu.memory_space<vmem>> -> memref<1x128xi32, #tpu.memory_space<vmem>>
          %dma_start3A_389 = arith.constant 0 : i32
          %dma_start3A_390 = tpu.memref_slice %arg3[%dma_start3A_389, %mul3A_376] : memref<1x8192xi32, #tpu.memory_space<hbm>> -> memref<1x128xi32, #tpu.memory_space<hbm>>
          tpu.enqueue_dma source(%dma_start3A_390 : memref<1x128xi32, #tpu.memory_space<hbm>>) target(%dma_start3A_388 : memref<1x128xi32, #tpu.memory_space<vmem>>) target_semaphore(%dma_start3A_384 : memref<!tpu.dma_semaphore, #tpu.memory_space<semaphore_mem>>)
          "tpu.trace_stop"() : () -> ()
        } else {
        }
        %and3A_193 = arith.constant true
        %and3A_194 = arith.andi %and3A, %and3A_193 : i1
        %add3A_195 = arith.constant 1 : i32
        %add3A_196 = arith.addi %scan3A_150, %add3A_195 : i32
        %select_n3A_197 = arith.select %and3A_194, %add3A_196, %scan3A_150 : i32
        %ne3A_198 = arith.cmpi ne, %add3A_161, %add3A_179 : i32
        %or3A_199 = arith.constant false
        %or3A_200 = arith.ori %or3A_199, %ne3A_198 : i1
        %ge3A_201 = arith.constant 1 : i32
        %ge3A_202 = arith.cmpi sge, %scan3A_149, %ge3A_201 : i32
        %not3A_203 = arith.constant true
        %not3A_204 = arith.xori %ge3A_202, %not3A_203 : i1
        %and3A_205 = arith.andi %or3A_200, %not3A_204 : i1
        %convert_element_type3A_206 = arith.extui %and3A_205 : i1 to i32
        %cond3A_207 = arith.constant 0 : i32
        %cond3A_208 = arith.cmpi ne, %convert_element_type3A_206, %cond3A_207 : i32
        scf.if %cond3A_208 {
          "tpu.trace_start"() <{level = 10 : i32, message = "ep_copy_in"}> : () -> ()
          %rem3A_373 = arith.constant 2 : i32
          %rem3A_374 = arith.remui %scan3A_152, %rem3A_373 : i32
          %mul3A_375 = arith.constant 128 : i32
          %mul3A_376 = arith.muli %mul3A_375, %add3A_179 : i32
          %dma_start3A_377 = arith.constant 0 : i32
          %dma_start3A_378 = arith.constant 0 : i32
          %dma_start3A_379 = tpu.memref_slice %run_scoped3A_8[%rem3A_374, %dma_start3A_377, %dma_start3A_378] : memref<2x1x128xi32, #tpu.memory_space<vmem>> -> memref<1x1x128xi32, #tpu.memory_space<vmem>>
          %dma_start3A_380 = tpu.memref_squeeze %dma_start3A_379 : memref<1x1x128xi32, #tpu.memory_space<vmem>> -> memref<1x128xi32, #tpu.memory_space<vmem>>
          %dma_start3A_381 = arith.constant 0 : i32
          %dma_start3A_382 = tpu.memref_slice %arg4[%dma_start3A_381, %mul3A_376] : memref<1x8192xi32, #tpu.memory_space<hbm>> -> memref<1x128xi32, #tpu.memory_space<hbm>>
          %dma_start3A_383 = tpu.memref_slice %run_scoped3A_9[%rem3A_374] : memref<2x!tpu.dma_semaphore, #tpu.memory_space<semaphore_mem>> -> memref<1x!tpu.dma_semaphore, #tpu.memory_space<semaphore_mem>>
          %dma_start3A_384 = tpu.memref_squeeze %dma_start3A_383 : memref<1x!tpu.dma_semaphore, #tpu.memory_space<semaphore_mem>> -> memref<!tpu.dma_semaphore, #tpu.memory_space<semaphore_mem>>
          %dma_start3A_385 = arith.constant 0 : i32
          %dma_start3A_386 = arith.constant 0 : i32
          %dma_start3A_387 = tpu.memref_slice %run_scoped3A_8[%rem3A_374, %dma_start3A_385, %dma_start3A_386] : memref<2x1x128xi32, #tpu.memory_space<vmem>> -> memref<1x1x128xi32, #tpu.memory_space<vmem>>
          %dma_start3A_388 = tpu.memref_squeeze %dma_start3A_387 : memref<1x1x128xi32, #tpu.memory_space<vmem>> -> memref<1x128xi32, #tpu.memory_space<vmem>>
          %dma_start3A_389 = arith.constant 0 : i32
          %dma_start3A_390 = tpu.memref_slice %arg4[%dma_start3A_389, %mul3A_376] : memref<1x8192xi32, #tpu.memory_space<hbm>> -> memref<1x128xi32, #tpu.memory_space<hbm>>
          tpu.enqueue_dma source(%dma_start3A_390 : memref<1x128xi32, #tpu.memory_space<hbm>>) target(%dma_start3A_388 : memref<1x128xi32, #tpu.memory_space<vmem>>) target_semaphore(%dma_start3A_384 : memref<!tpu.dma_semaphore, #tpu.memory_space<semaphore_mem>>)
          "tpu.trace_stop"() : () -> ()
        } else {
        }
        %and3A_209 = arith.constant true
        %and3A_210 = arith.andi %and3A_205, %and3A_209 : i1
        %add3A_211 = arith.constant 1 : i32
        %add3A_212 = arith.addi %scan3A_152, %add3A_211 : i32
        %select_n3A_213 = arith.select %and3A_210, %add3A_212, %scan3A_152 : i32
        %ne3A_214 = arith.cmpi ne, %add3A_161, %add3A_179 : i32
        %or3A_215 = arith.constant false
        %or3A_216 = arith.ori %or3A_215, %ne3A_214 : i1
        %or3A_217 = arith.constant false
        %or3A_218 = arith.ori %or3A_216, %or3A_217 : i1
        %ge3A_219 = arith.constant 1 : i32
        %ge3A_220 = arith.cmpi sge, %scan3A_149, %ge3A_219 : i32
        %not3A_221 = arith.constant true
        %not3A_222 = arith.xori %ge3A_220, %not3A_221 : i1
        %and3A_223 = arith.andi %or3A_218, %not3A_222 : i1
        %ne3A_224 = arith.cmpi ne, %add3A_161, %add3A_170 : i32
        %or3A_225 = arith.constant false
        %or3A_226 = arith.ori %or3A_225, %ne3A_224 : i1
        %or3A_227 = arith.ori %or3A_226, %eq3A_158 : i1
        %convert_element_type3A_228 = arith.extui %or3A_227 : i1 to i32
        %cond3A_229 = arith.constant 0 : i32
        %cond3A_230 = arith.cmpi ne, %convert_element_type3A_228, %cond3A_229 : i32
        scf.if %cond3A_230 {
          "tpu.trace_start"() <{level = 10 : i32, message = "ep_wait_in"}> : () -> ()
          %mul3A_373 = arith.constant 128 : i32
          %mul3A_374 = arith.muli %mul3A_373, %add3A_161 : i32
          %rem3A_375 = arith.constant 2 : i32
          %rem3A_376 = arith.remui %scan3A_151, %rem3A_375 : i32
          %dma_wait3A_377 = arith.constant 0 : i32
          %dma_wait3A_378 = arith.constant 0 : i32
          %dma_wait3A_379 = tpu.memref_slice %run_scoped3A[%rem3A_376, %dma_wait3A_377, %dma_wait3A_378] : memref<2x1x128xi32, #tpu.memory_space<vmem>> -> memref<1x1x128xi32, #tpu.memory_space<vmem>>
          %dma_wait3A_380 = tpu.memref_squeeze %dma_wait3A_379 : memref<1x1x128xi32, #tpu.memory_space<vmem>> -> memref<1x128xi32, #tpu.memory_space<vmem>>
          %dma_wait3A_381 = arith.constant 0 : i32
          %dma_wait3A_382 = tpu.memref_slice %arg3[%dma_wait3A_381, %mul3A_374] : memref<1x8192xi32, #tpu.memory_space<hbm>> -> memref<1x128xi32, #tpu.memory_space<hbm>>
          %dma_wait3A_383 = tpu.memref_slice %run_scoped3A_7[%rem3A_376] : memref<2x!tpu.dma_semaphore, #tpu.memory_space<semaphore_mem>> -> memref<1x!tpu.dma_semaphore, #tpu.memory_space<semaphore_mem>>
          %dma_wait3A_384 = tpu.memref_squeeze %dma_wait3A_383 : memref<1x!tpu.dma_semaphore, #tpu.memory_space<semaphore_mem>> -> memref<!tpu.dma_semaphore, #tpu.memory_space<semaphore_mem>>
          %dma_wait3A_385 = arith.constant 0 : i32
          %dma_wait3A_386 = arith.constant 0 : i32
          %dma_wait3A_387 = tpu.memref_slice %run_scoped3A[%rem3A_376, %dma_wait3A_385, %dma_wait3A_386] : memref<2x1x128xi32, #tpu.memory_space<vmem>> -> memref<1x1x128xi32, #tpu.memory_space<vmem>>
          %dma_wait3A_388 = tpu.memref_squeeze %dma_wait3A_387 : memref<1x1x128xi32, #tpu.memory_space<vmem>> -> memref<1x128xi32, #tpu.memory_space<vmem>>
          %dma_wait3A_389 = arith.constant 0 : i32
          %dma_wait3A_390 = tpu.memref_slice %arg3[%dma_wait3A_389, %mul3A_374] : memref<1x8192xi32, #tpu.memory_space<hbm>> -> memref<1x128xi32, #tpu.memory_space<hbm>>
          tpu.wait_dma2 semaphore(%dma_wait3A_384 : memref<!tpu.dma_semaphore, #tpu.memory_space<semaphore_mem>>) src(%dma_wait3A_390 : memref<1x128xi32, #tpu.memory_space<hbm>>) dst(%dma_wait3A_388 : memref<1x128xi32, #tpu.memory_space<vmem>>)
          "tpu.trace_stop"() : () -> ()
        } else {
        }
        %ne3A_231 = arith.cmpi ne, %add3A_161, %add3A_170 : i32
        %or3A_232 = arith.constant false
        %or3A_233 = arith.ori %or3A_232, %ne3A_231 : i1
        %or3A_234 = arith.ori %or3A_233, %eq3A_158 : i1
        %convert_element_type3A_235 = arith.extui %or3A_234 : i1 to i32
        %cond3A_236 = arith.constant 0 : i32
        %cond3A_237 = arith.cmpi ne, %convert_element_type3A_235, %cond3A_236 : i32
        scf.if %cond3A_237 {
          "tpu.trace_start"() <{level = 10 : i32, message = "ep_wait_in"}> : () -> ()
          %mul3A_373 = arith.constant 128 : i32
          %mul3A_374 = arith.muli %mul3A_373, %add3A_161 : i32
          %rem3A_375 = arith.constant 2 : i32
          %rem3A_376 = arith.remui %scan3A_153, %rem3A_375 : i32
          %dma_wait3A_377 = arith.constant 0 : i32
          %dma_wait3A_378 = arith.constant 0 : i32
          %dma_wait3A_379 = tpu.memref_slice %run_scoped3A_8[%rem3A_376, %dma_wait3A_377, %dma_wait3A_378] : memref<2x1x128xi32, #tpu.memory_space<vmem>> -> memref<1x1x128xi32, #tpu.memory_space<vmem>>
          %dma_wait3A_380 = tpu.memref_squeeze %dma_wait3A_379 : memref<1x1x128xi32, #tpu.memory_space<vmem>> -> memref<1x128xi32, #tpu.memory_space<vmem>>
          %dma_wait3A_381 = arith.constant 0 : i32
          %dma_wait3A_382 = tpu.memref_slice %arg4[%dma_wait3A_381, %mul3A_374] : memref<1x8192xi32, #tpu.memory_space<hbm>> -> memref<1x128xi32, #tpu.memory_space<hbm>>
          %dma_wait3A_383 = tpu.memref_slice %run_scoped3A_9[%rem3A_376] : memref<2x!tpu.dma_semaphore, #tpu.memory_space<semaphore_mem>> -> memref<1x!tpu.dma_semaphore, #tpu.memory_space<semaphore_mem>>
          %dma_wait3A_384 = tpu.memref_squeeze %dma_wait3A_383 : memref<1x!tpu.dma_semaphore, #tpu.memory_space<semaphore_mem>> -> memref<!tpu.dma_semaphore, #tpu.memory_space<semaphore_mem>>
          %dma_wait3A_385 = arith.constant 0 : i32
          %dma_wait3A_386 = arith.constant 0 : i32
          %dma_wait3A_387 = tpu.memref_slice %run_scoped3A_8[%rem3A_376, %dma_wait3A_385, %dma_wait3A_386] : memref<2x1x128xi32, #tpu.memory_space<vmem>> -> memref<1x1x128xi32, #tpu.memory_space<vmem>>
          %dma_wait3A_388 = tpu.memref_squeeze %dma_wait3A_387 : memref<1x1x128xi32, #tpu.memory_space<vmem>> -> memref<1x128xi32, #tpu.memory_space<vmem>>
          %dma_wait3A_389 = arith.constant 0 : i32
          %dma_wait3A_390 = tpu.memref_slice %arg4[%dma_wait3A_389, %mul3A_374] : memref<1x8192xi32, #tpu.memory_space<hbm>> -> memref<1x128xi32, #tpu.memory_space<hbm>>
          tpu.wait_dma2 semaphore(%dma_wait3A_384 : memref<!tpu.dma_semaphore, #tpu.memory_space<semaphore_mem>>) src(%dma_wait3A_390 : memref<1x128xi32, #tpu.memory_space<hbm>>) dst(%dma_wait3A_388 : memref<1x128xi32, #tpu.memory_space<vmem>>)
          "tpu.trace_stop"() : () -> ()
        } else {
        }
        %ne3A_238 = arith.cmpi ne, %add3A_161, %add3A_170 : i32
        %or3A_239 = arith.constant false
        %or3A_240 = arith.ori %or3A_239, %ne3A_238 : i1
        %or3A_241 = arith.constant false
        %or3A_242 = arith.ori %or3A_240, %or3A_241 : i1
        %or3A_243 = arith.ori %or3A_242, %eq3A_158 : i1
        %convert_element_type3A_244 = arith.extui %or3A_243 : i1 to i32
        %cond3A_245 = arith.constant 0 : i32
        %cond3A_246 = arith.cmpi ne, %convert_element_type3A_244, %cond3A_245 : i32
        scf.if %cond3A_246 {
        } else {
        }
        %rem3A_247 = arith.constant 2 : i32
        %rem3A_248 = arith.remui %scan3A_151, %rem3A_247 : i32
        %rem3A_249 = arith.constant 2 : i32
        %rem3A_250 = arith.remui %scan3A_153, %rem3A_249 : i32
        %rem3A_251 = arith.constant 2 : i32
        %rem3A_252 = arith.remui %scan3A_154, %rem3A_251 : i32
        %dma_start3A_253 = arith.constant 0 : i32
        "tpu.trace_start"() <{level = 10 : i32, message = "ep_run_kernel"}> : () -> ()
        %dma_start3A_254 = arith.constant 0 : i32
        %dma_start3A_255 = arith.constant 0 : i32
        %dma_start3A_256 = tpu.memref_slice %run_scoped3A_8[%rem3A_250, %dma_start3A_254, %dma_start3A_255] : memref<2x1x128xi32, #tpu.memory_space<vmem>> -> memref<1x1x128xi32, #tpu.memory_space<vmem>>
        %dma_start3A_257 = tpu.memref_squeeze %dma_start3A_256 : memref<1x1x128xi32, #tpu.memory_space<vmem>> -> memref<1x128xi32, #tpu.memory_space<vmem>>
        %dma_start3A_258 = arith.constant 0 : i32
        %dma_start3A_259 = tpu.memref_slice %dma_start3A_257[%dma_start3A_253, %dma_start3A_258] : memref<1x128xi32, #tpu.memory_space<vmem>> -> memref<1x128xi32, #tpu.memory_space<vmem>>
        %dma_start3A_260 = tpu.memref_squeeze %dma_start3A_259 : memref<1x128xi32, #tpu.memory_space<vmem>> -> memref<128xi32, #tpu.memory_space<vmem>>
        %dma_start3A_261 = arith.constant 0 : i32
        %dma_start3A_262 = arith.constant 0 : i32
        %dma_start3A_263 = tpu.memref_slice %arg2[%dma_start3A_261, %dma_start3A_262] : memref<20480x256xf32, #tpu.memory_space<hbm>> -> memref<20480x256xf32, #tpu.memory_space<hbm>>
        tpu.enqueue_indirect_dma source(%dma_start3A_263 : memref<20480x256xf32, #tpu.memory_space<hbm>>) target(%arg6 : memref<128x256xf32, #tpu.memory_space<vmem>>) offsets(%dma_start3A_260 : memref<128xi32, #tpu.memory_space<vmem>>) semaphore(%arg7 : memref<!tpu.dma_semaphore, #tpu.memory_space<semaphore_mem>>)
        %run_scoped3A_264 = arith.constant 0 : i32
        "tpu.region"() ({
          %run_scoped3A_373 = tpu.sem_alloc : memref<!tpu.dma_semaphore, #tpu.memory_space<semaphore_mem>>
          %dma_start3A_374 = arith.constant 0 : i32
          %dma_start3A_375 = arith.constant 0 : i32
          %dma_start3A_376 = tpu.memref_slice %run_scoped3A_10[%rem3A_252, %dma_start3A_374, %dma_start3A_375] : memref<2x128x256xf32, #tpu.memory_space<vmem>> -> memref<1x128x256xf32, #tpu.memory_space<vmem>>
          %dma_start3A_377 = tpu.memref_squeeze %dma_start3A_376 : memref<1x128x256xf32, #tpu.memory_space<vmem>> -> memref<128x256xf32, #tpu.memory_space<vmem>>
          %dma_start3A_378 = arith.constant 0 : i32
          %dma_start3A_379 = arith.constant 0 : i32
          %dma_start3A_380 = tpu.memref_slice %run_scoped3A[%rem3A_248, %dma_start3A_378, %dma_start3A_379] : memref<2x1x128xi32, #tpu.memory_space<vmem>> -> memref<1x1x128xi32, #tpu.memory_space<vmem>>
          %dma_start3A_381 = tpu.memref_squeeze %dma_start3A_380 : memref<1x1x128xi32, #tpu.memory_space<vmem>> -> memref<1x128xi32, #tpu.memory_space<vmem>>
          %dma_start3A_382 = arith.constant 0 : i32
          %dma_start3A_383 = tpu.memref_slice %dma_start3A_381[%run_scoped3A_264, %dma_start3A_382] : memref<1x128xi32, #tpu.memory_space<vmem>> -> memref<1x128xi32, #tpu.memory_space<vmem>>
          %dma_start3A_384 = tpu.memref_squeeze %dma_start3A_383 : memref<1x128xi32, #tpu.memory_space<vmem>> -> memref<128xi32, #tpu.memory_space<vmem>>
          %dma_start3A_385 = arith.constant 0 : i32
          %dma_start3A_386 = arith.constant 0 : i32
          %dma_start3A_387 = tpu.memref_slice %arg2[%dma_start3A_385, %dma_start3A_386] : memref<20480x256xf32, #tpu.memory_space<hbm>> -> memref<20480x256xf32, #tpu.memory_space<hbm>>
          tpu.enqueue_indirect_dma source(%dma_start3A_387 : memref<20480x256xf32, #tpu.memory_space<hbm>>) target(%dma_start3A_377 : memref<128x256xf32, #tpu.memory_space<vmem>>) offsets(%dma_start3A_384 : memref<128xi32, #tpu.memory_space<vmem>>) semaphore(%run_scoped3A_373 : memref<!tpu.dma_semaphore, #tpu.memory_space<semaphore_mem>>)
          %dma_wait3A_388 = arith.constant 0 : i32
          %dma_wait3A_389 = arith.constant 0 : i32
          %dma_wait3A_390 = tpu.memref_slice %run_scoped3A_10[%rem3A_252, %dma_wait3A_388, %dma_wait3A_389] : memref<2x128x256xf32, #tpu.memory_space<vmem>> -> memref<1x128x256xf32, #tpu.memory_space<vmem>>
          %dma_wait3A_391 = tpu.memref_squeeze %dma_wait3A_390 : memref<1x128x256xf32, #tpu.memory_space<vmem>> -> memref<128x256xf32, #tpu.memory_space<vmem>>
          %dma_wait3A_392 = arith.constant 0 : i32
          %dma_wait3A_393 = arith.constant 0 : i32
          %dma_wait3A_394 = tpu.memref_slice %run_scoped3A[%rem3A_248, %dma_wait3A_392, %dma_wait3A_393] : memref<2x1x128xi32, #tpu.memory_space<vmem>> -> memref<1x1x128xi32, #tpu.memory_space<vmem>>
          %dma_wait3A_395 = tpu.memref_squeeze %dma_wait3A_394 : memref<1x1x128xi32, #tpu.memory_space<vmem>> -> memref<1x128xi32, #tpu.memory_space<vmem>>
          %dma_wait3A_396 = arith.constant 0 : i32
          %dma_wait3A_397 = tpu.memref_slice %dma_wait3A_395[%run_scoped3A_264, %dma_wait3A_396] : memref<1x128xi32, #tpu.memory_space<vmem>> -> memref<1x128xi32, #tpu.memory_space<vmem>>
          %dma_wait3A_398 = tpu.memref_squeeze %dma_wait3A_397 : memref<1x128xi32, #tpu.memory_space<vmem>> -> memref<128xi32, #tpu.memory_space<vmem>>
          %dma_wait3A_399 = arith.constant 0 : i32
          %dma_wait3A_400 = arith.constant 0 : i32
          %dma_wait3A_401 = tpu.memref_slice %arg2[%dma_wait3A_399, %dma_wait3A_400] : memref<20480x256xf32, #tpu.memory_space<hbm>> -> memref<20480x256xf32, #tpu.memory_space<hbm>>
          tpu.wait_indirect_dma semaphore(%run_scoped3A_373 : memref<!tpu.dma_semaphore, #tpu.memory_space<semaphore_mem>>) src(%dma_wait3A_401 : memref<20480x256xf32, #tpu.memory_space<hbm>>) dst(%dma_wait3A_391 : memref<128x256xf32, #tpu.memory_space<vmem>>)
          tpu.yield
        }) : () -> ()
        %dma_wait3A_265 = arith.constant 0 : i32
        %dma_wait3A_266 = arith.constant 0 : i32
        %dma_wait3A_267 = arith.constant 0 : i32
        %dma_wait3A_268 = tpu.memref_slice %run_scoped3A_8[%rem3A_250, %dma_wait3A_266, %dma_wait3A_267] : memref<2x1x128xi32, #tpu.memory_space<vmem>> -> memref<1x1x128xi32, #tpu.memory_space<vmem>>
        %dma_wait3A_269 = tpu.memref_squeeze %dma_wait3A_268 : memref<1x1x128xi32, #tpu.memory_space<vmem>> -> memref<1x128xi32, #tpu.memory_space<vmem>>
        %dma_wait3A_270 = arith.constant 0 : i32
        %dma_wait3A_271 = tpu.memref_slice %dma_wait3A_269[%dma_wait3A_265, %dma_wait3A_270] : memref<1x128xi32, #tpu.memory_space<vmem>> -> memref<1x128xi32, #tpu.memory_space<vmem>>
        %dma_wait3A_272 = tpu.memref_squeeze %dma_wait3A_271 : memref<1x128xi32, #tpu.memory_space<vmem>> -> memref<128xi32, #tpu.memory_space<vmem>>
        %dma_wait3A_273 = arith.constant 0 : i32
        %dma_wait3A_274 = arith.constant 0 : i32
        %dma_wait3A_275 = tpu.memref_slice %arg2[%dma_wait3A_273, %dma_wait3A_274] : memref<20480x256xf32, #tpu.memory_space<hbm>> -> memref<20480x256xf32, #tpu.memory_space<hbm>>
        tpu.wait_indirect_dma semaphore(%arg7 : memref<!tpu.dma_semaphore, #tpu.memory_space<semaphore_mem>>) src(%dma_wait3A_275 : memref<20480x256xf32, #tpu.memory_space<hbm>>) dst(%arg6 : memref<128x256xf32, #tpu.memory_space<vmem>>)
        %scan3A_276 = arith.constant 0 : i32
        %scan3A_277 = arith.constant 128 : i32
        %scan3A_278 = arith.addi %scan3A_276, %scan3A_277 : i32
        %scan3A_279 = arith.constant 1 : i32
        scf.for %scan3A_373 = %scan3A_276 to %scan3A_278 step %scan3A_279  : i32 {
          %mul3A_374 = arith.constant 1 : i32
          %mul3A_375 = arith.muli %scan3A_373, %mul3A_374 : i32
          %add3A_376 = arith.constant 0 : i32
          %add3A_377 = arith.addi %add3A_376, %mul3A_375 : i32
          %get3A = arith.constant 0 : i32
          %get3A_378 = arith.constant 0 : i32
          %get3A_379 = tpu.memref_slice %run_scoped3A_10[%rem3A_252, %get3A, %get3A_378] : memref<2x128x256xf32, #tpu.memory_space<vmem>> -> memref<1x128x256xf32, #tpu.memory_space<vmem>>
          %get3A_380 = tpu.memref_squeeze %get3A_379 : memref<1x128x256xf32, #tpu.memory_space<vmem>> -> memref<128x256xf32, #tpu.memory_space<vmem>>
          %get3A_381 = arith.index_cast %add3A_377 : i32 to index
          %get3A_382 = arith.constant 0 : index
          %get3A_383 = tpu.vector_load %get3A_380[%get3A_381, %get3A_382] {strides = array<i32>} : memref<128x256xf32, #tpu.memory_space<vmem>>, vector<1x16xf32>,
          %get3A_384 = vector.shape_cast %get3A_383 : vector<1x16xf32> to vector<1x16xf32>
          %get3A_385 = arith.index_cast %add3A_377 : i32 to index
          %get3A_386 = arith.constant 0 : index
          %get3A_387 = tpu.vector_load %arg6[%get3A_385, %get3A_386] {strides = array<i32>} : memref<128x256xf32, #tpu.memory_space<vmem>>, vector<1x16xf32>,
          %get3A_388 = vector.shape_cast %get3A_387 : vector<1x16xf32> to vector<1x16xf32>
          %add3A_389 = arith.addf %get3A_384, %get3A_388 : vector<1x16xf32>
          %swap3A = arith.constant 0 : i32
          %swap3A_390 = arith.constant 0 : i32
          %swap3A_391 = tpu.memref_slice %run_scoped3A_10[%rem3A_252, %swap3A, %swap3A_390] : memref<2x128x256xf32, #tpu.memory_space<vmem>> -> memref<1x128x256xf32, #tpu.memory_space<vmem>>
          %swap3A_392 = tpu.memref_squeeze %swap3A_391 : memref<1x128x256xf32, #tpu.memory_space<vmem>> -> memref<128x256xf32, #tpu.memory_space<vmem>>
          %swap3A_393 = arith.index_cast %add3A_377 : i32 to index
          %swap3A_394 = arith.constant 0 : index
          %swap3A_395 = tpu.vector_load %swap3A_392[%swap3A_393, %swap3A_394] {strides = array<i32>} : memref<128x256xf32, #tpu.memory_space<vmem>>, vector<1x16xf32>,
          %swap3A_396 = vector.shape_cast %swap3A_395 : vector<1x16xf32> to vector<1x16xf32>
          %swap3A_397 = vector.shape_cast %add3A_389 : vector<1x16xf32> to vector<1x16xf32>
          tpu.vector_store %swap3A_392[%swap3A_393, %swap3A_394], %swap3A_397 {strides = array<i32>} : memref<128x256xf32, #tpu.memory_space<vmem>>, vector<1x16xf32>,
          %get3A_398 = arith.constant 0 : i32
          %get3A_399 = arith.constant 0 : i32
          %get3A_400 = tpu.memref_slice %run_scoped3A_10[%rem3A_252, %get3A_398, %get3A_399] : memref<2x128x256xf32, #tpu.memory_space<vmem>> -> memref<1x128x256xf32, #tpu.memory_space<vmem>>
          %get3A_401 = tpu.memref_squeeze %get3A_400 : memref<1x128x256xf32, #tpu.memory_space<vmem>> -> memref<128x256xf32, #tpu.memory_space<vmem>>
          %get3A_402 = arith.index_cast %add3A_377 : i32 to index
          %get3A_403 = arith.constant 16 : index
          %get3A_404 = tpu.vector_load %get3A_401[%get3A_402, %get3A_403] {strides = array<i32>} : memref<128x256xf32, #tpu.memory_space<vmem>>, vector<1x16xf32>,
          %get3A_405 = vector.shape_cast %get3A_404 : vector<1x16xf32> to vector<1x16xf32>
          %get3A_406 = arith.index_cast %add3A_377 : i32 to index
          %get3A_407 = arith.constant 16 : index
          %get3A_408 = tpu.vector_load %arg6[%get3A_406, %get3A_407] {strides = array<i32>} : memref<128x256xf32, #tpu.memory_space<vmem>>, vector<1x16xf32>,
          %get3A_409 = vector.shape_cast %get3A_408 : vector<1x16xf32> to vector<1x16xf32>
          %add3A_410 = arith.addf %get3A_405, %get3A_409 : vector<1x16xf32>
          %swap3A_411 = arith.constant 0 : i32
          %swap3A_412 = arith.constant 0 : i32
          %swap3A_413 = tpu.memref_slice %run_scoped3A_10[%rem3A_252, %swap3A_411, %swap3A_412] : memref<2x128x256xf32, #tpu.memory_space<vmem>> -> memref<1x128x256xf32, #tpu.memory_space<vmem>>
          %swap3A_414 = tpu.memref_squeeze %swap3A_413 : memref<1x128x256xf32, #tpu.memory_space<vmem>> -> memref<128x256xf32, #tpu.memory_space<vmem>>
          %swap3A_415 = arith.index_cast %add3A_377 : i32 to index
          %swap3A_416 = arith.constant 16 : index
          %swap3A_417 = tpu.vector_load %swap3A_414[%swap3A_415, %swap3A_416] {strides = array<i32>} : memref<128x256xf32, #tpu.memory_space<vmem>>, vector<1x16xf32>,
          %swap3A_418 = vector.shape_cast %swap3A_417 : vector<1x16xf32> to vector<1x16xf32>
          %swap3A_419 = vector.shape_cast %add3A_410 : vector<1x16xf32> to vector<1x16xf32>
          tpu.vector_store %swap3A_414[%swap3A_415, %swap3A_416], %swap3A_419 {strides = array<i32>} : memref<128x256xf32, #tpu.memory_space<vmem>>, vector<1x16xf32>,
          %get3A_420 = arith.constant 0 : i32
          %get3A_421 = arith.constant 0 : i32
          %get3A_422 = tpu.memref_slice %run_scoped3A_10[%rem3A_252, %get3A_420, %get3A_421] : memref<2x128x256xf32, #tpu.memory_space<vmem>> -> memref<1x128x256xf32, #tpu.memory_space<vmem>>
          %get3A_423 = tpu.memref_squeeze %get3A_422 : memref<1x128x256xf32, #tpu.memory_space<vmem>> -> memref<128x256xf32, #tpu.memory_space<vmem>>
          %get3A_424 = arith.index_cast %add3A_377 : i32 to index
          %get3A_425 = arith.constant 32 : index
          %get3A_426 = tpu.vector_load %get3A_423[%get3A_424, %get3A_425] {strides = array<i32>} : memref<128x256xf32, #tpu.memory_space<vmem>>, vector<1x16xf32>,
          %get3A_427 = vector.shape_cast %get3A_426 : vector<1x16xf32> to vector<1x16xf32>
          %get3A_428 = arith.index_cast %add3A_377 : i32 to index
          %get3A_429 = arith.constant 32 : index
          %get3A_430 = tpu.vector_load %arg6[%get3A_428, %get3A_429] {strides = array<i32>} : memref<128x256xf32, #tpu.memory_space<vmem>>, vector<1x16xf32>,
          %get3A_431 = vector.shape_cast %get3A_430 : vector<1x16xf32> to vector<1x16xf32>
          %add3A_432 = arith.addf %get3A_427, %get3A_431 : vector<1x16xf32>
          %swap3A_433 = arith.constant 0 : i32
          %swap3A_434 = arith.constant 0 : i32
          %swap3A_435 = tpu.memref_slice %run_scoped3A_10[%rem3A_252, %swap3A_433, %swap3A_434] : memref<2x128x256xf32, #tpu.memory_space<vmem>> -> memref<1x128x256xf32, #tpu.memory_space<vmem>>
          %swap3A_436 = tpu.memref_squeeze %swap3A_435 : memref<1x128x256xf32, #tpu.memory_space<vmem>> -> memref<128x256xf32, #tpu.memory_space<vmem>>
          %swap3A_437 = arith.index_cast %add3A_377 : i32 to index
          %swap3A_438 = arith.constant 32 : index
          %swap3A_439 = tpu.vector_load %swap3A_436[%swap3A_437, %swap3A_438] {strides = array<i32>} : memref<128x256xf32, #tpu.memory_space<vmem>>, vector<1x16xf32>,
          %swap3A_440 = vector.shape_cast %swap3A_439 : vector<1x16xf32> to vector<1x16xf32>
          %swap3A_441 = vector.shape_cast %add3A_432 : vector<1x16xf32> to vector<1x16xf32>
          tpu.vector_store %swap3A_436[%swap3A_437, %swap3A_438], %swap3A_441 {strides = array<i32>} : memref<128x256xf32, #tpu.memory_space<vmem>>, vector<1x16xf32>,
          %get3A_442 = arith.constant 0 : i32
          %get3A_443 = arith.constant 0 : i32
          %get3A_444 = tpu.memref_slice %run_scoped3A_10[%rem3A_252, %get3A_442, %get3A_443] : memref<2x128x256xf32, #tpu.memory_space<vmem>> -> memref<1x128x256xf32, #tpu.memory_space<vmem>>
          %get3A_445 = tpu.memref_squeeze %get3A_444 : memref<1x128x256xf32, #tpu.memory_space<vmem>> -> memref<128x256xf32, #tpu.memory_space<vmem>>
          %get3A_446 = arith.index_cast %add3A_377 : i32 to index
          %get3A_447 = arith.constant 48 : index
          %get3A_448 = tpu.vector_load %get3A_445[%get3A_446, %get3A_447] {strides = array<i32>} : memref<128x256xf32, #tpu.memory_space<vmem>>, vector<1x16xf32>,
          %get3A_449 = vector.shape_cast %get3A_448 : vector<1x16xf32> to vector<1x16xf32>
          %get3A_450 = arith.index_cast %add3A_377 : i32 to index
          %get3A_451 = arith.constant 48 : index
          %get3A_452 = tpu.vector_load %arg6[%get3A_450, %get3A_451] {strides = array<i32>} : memref<128x256xf32, #tpu.memory_space<vmem>>, vector<1x16xf32>,
          %get3A_453 = vector.shape_cast %get3A_452 : vector<1x16xf32> to vector<1x16xf32>
          %add3A_454 = arith.addf %get3A_449, %get3A_453 : vector<1x16xf32>
          %swap3A_455 = arith.constant 0 : i32
          %swap3A_456 = arith.constant 0 : i32
          %swap3A_457 = tpu.memref_slice %run_scoped3A_10[%rem3A_252, %swap3A_455, %swap3A_456] : memref<2x128x256xf32, #tpu.memory_space<vmem>> -> memref<1x128x256xf32, #tpu.memory_space<vmem>>
          %swap3A_458 = tpu.memref_squeeze %swap3A_457 : memref<1x128x256xf32, #tpu.memory_space<vmem>> -> memref<128x256xf32, #tpu.memory_space<vmem>>
          %swap3A_459 = arith.index_cast %add3A_377 : i32 to index
          %swap3A_460 = arith.constant 48 : index
          %swap3A_461 = tpu.vector_load %swap3A_458[%swap3A_459, %swap3A_460] {strides = array<i32>} : memref<128x256xf32, #tpu.memory_space<vmem>>, vector<1x16xf32>,
          %swap3A_462 = vector.shape_cast %swap3A_461 : vector<1x16xf32> to vector<1x16xf32>
          %swap3A_463 = vector.shape_cast %add3A_454 : vector<1x16xf32> to vector<1x16xf32>
          tpu.vector_store %swap3A_458[%swap3A_459, %swap3A_460], %swap3A_463 {strides = array<i32>} : memref<128x256xf32, #tpu.memory_space<vmem>>, vector<1x16xf32>,
          %get3A_464 = arith.constant 0 : i32
          %get3A_465 = arith.constant 0 : i32
          %get3A_466 = tpu.memref_slice %run_scoped3A_10[%rem3A_252, %get3A_464, %get3A_465] : memref<2x128x256xf32, #tpu.memory_space<vmem>> -> memref<1x128x256xf32, #tpu.memory_space<vmem>>
          %get3A_467 = tpu.memref_squeeze %get3A_466 : memref<1x128x256xf32, #tpu.memory_space<vmem>> -> memref<128x256xf32, #tpu.memory_space<vmem>>
          %get3A_468 = arith.index_cast %add3A_377 : i32 to index
          %get3A_469 = arith.constant 64 : index
          %get3A_470 = tpu.vector_load %get3A_467[%get3A_468, %get3A_469] {strides = array<i32>} : memref<128x256xf32, #tpu.memory_space<vmem>>, vector<1x16xf32>,
          %get3A_471 = vector.shape_cast %get3A_470 : vector<1x16xf32> to vector<1x16xf32>
          %get3A_472 = arith.index_cast %add3A_377 : i32 to index
          %get3A_473 = arith.constant 64 : index
          %get3A_474 = tpu.vector_load %arg6[%get3A_472, %get3A_473] {strides = array<i32>} : memref<128x256xf32, #tpu.memory_space<vmem>>, vector<1x16xf32>,
          %get3A_475 = vector.shape_cast %get3A_474 : vector<1x16xf32> to vector<1x16xf32>
          %add3A_476 = arith.addf %get3A_471, %get3A_475 : vector<1x16xf32>
          %swap3A_477 = arith.constant 0 : i32
          %swap3A_478 = arith.constant 0 : i32
          %swap3A_479 = tpu.memref_slice %run_scoped3A_10[%rem3A_252, %swap3A_477, %swap3A_478] : memref<2x128x256xf32, #tpu.memory_space<vmem>> -> memref<1x128x256xf32, #tpu.memory_space<vmem>>
          %swap3A_480 = tpu.memref_squeeze %swap3A_479 : memref<1x128x256xf32, #tpu.memory_space<vmem>> -> memref<128x256xf32, #tpu.memory_space<vmem>>
          %swap3A_481 = arith.index_cast %add3A_377 : i32 to index
          %swap3A_482 = arith.constant 64 : index
          %swap3A_483 = tpu.vector_load %swap3A_480[%swap3A_481, %swap3A_482] {strides = array<i32>} : memref<128x256xf32, #tpu.memory_space<vmem>>, vector<1x16xf32>,
          %swap3A_484 = vector.shape_cast %swap3A_483 : vector<1x16xf32> to vector<1x16xf32>
          %swap3A_485 = vector.shape_cast %add3A_476 : vector<1x16xf32> to vector<1x16xf32>
          tpu.vector_store %swap3A_480[%swap3A_481, %swap3A_482], %swap3A_485 {strides = array<i32>} : memref<128x256xf32, #tpu.memory_space<vmem>>, vector<1x16xf32>,
          %get3A_486 = arith.constant 0 : i32
          %get3A_487 = arith.constant 0 : i32
          %get3A_488 = tpu.memref_slice %run_scoped3A_10[%rem3A_252, %get3A_486, %get3A_487] : memref<2x128x256xf32, #tpu.memory_space<vmem>> -> memref<1x128x256xf32, #tpu.memory_space<vmem>>
          %get3A_489 = tpu.memref_squeeze %get3A_488 : memref<1x128x256xf32, #tpu.memory_space<vmem>> -> memref<128x256xf32, #tpu.memory_space<vmem>>
          %get3A_490 = arith.index_cast %add3A_377 : i32 to index
          %get3A_491 = arith.constant 80 : index
          %get3A_492 = tpu.vector_load %get3A_489[%get3A_490, %get3A_491] {strides = array<i32>} : memref<128x256xf32, #tpu.memory_space<vmem>>, vector<1x16xf32>,
          %get3A_493 = vector.shape_cast %get3A_492 : vector<1x16xf32> to vector<1x16xf32>
          %get3A_494 = arith.index_cast %add3A_377 : i32 to index
          %get3A_495 = arith.constant 80 : index
          %get3A_496 = tpu.vector_load %arg6[%get3A_494, %get3A_495] {strides = array<i32>} : memref<128x256xf32, #tpu.memory_space<vmem>>, vector<1x16xf32>,
          %get3A_497 = vector.shape_cast %get3A_496 : vector<1x16xf32> to vector<1x16xf32>
          %add3A_498 = arith.addf %get3A_493, %get3A_497 : vector<1x16xf32>
          %swap3A_499 = arith.constant 0 : i32
          %swap3A_500 = arith.constant 0 : i32
          %swap3A_501 = tpu.memref_slice %run_scoped3A_10[%rem3A_252, %swap3A_499, %swap3A_500] : memref<2x128x256xf32, #tpu.memory_space<vmem>> -> memref<1x128x256xf32, #tpu.memory_space<vmem>>
          %swap3A_502 = tpu.memref_squeeze %swap3A_501 : memref<1x128x256xf32, #tpu.memory_space<vmem>> -> memref<128x256xf32, #tpu.memory_space<vmem>>
          %swap3A_503 = arith.index_cast %add3A_377 : i32 to index
          %swap3A_504 = arith.constant 80 : index
          %swap3A_505 = tpu.vector_load %swap3A_502[%swap3A_503, %swap3A_504] {strides = array<i32>} : memref<128x256xf32, #tpu.memory_space<vmem>>, vector<1x16xf32>,
          %swap3A_506 = vector.shape_cast %swap3A_505 : vector<1x16xf32> to vector<1x16xf32>
          %swap3A_507 = vector.shape_cast %add3A_498 : vector<1x16xf32> to vector<1x16xf32>
          tpu.vector_store %swap3A_502[%swap3A_503, %swap3A_504], %swap3A_507 {strides = array<i32>} : memref<128x256xf32, #tpu.memory_space<vmem>>, vector<1x16xf32>,
          %get3A_508 = arith.constant 0 : i32
          %get3A_509 = arith.constant 0 : i32
          %get3A_510 = tpu.memref_slice %run_scoped3A_10[%rem3A_252, %get3A_508, %get3A_509] : memref<2x128x256xf32, #tpu.memory_space<vmem>> -> memref<1x128x256xf32, #tpu.memory_space<vmem>>
          %get3A_511 = tpu.memref_squeeze %get3A_510 : memref<1x128x256xf32, #tpu.memory_space<vmem>> -> memref<128x256xf32, #tpu.memory_space<vmem>>
          %get3A_512 = arith.index_cast %add3A_377 : i32 to index
          %get3A_513 = arith.constant 96 : index
          %get3A_514 = tpu.vector_load %get3A_511[%get3A_512, %get3A_513] {strides = array<i32>} : memref<128x256xf32, #tpu.memory_space<vmem>>, vector<1x16xf32>,
          %get3A_515 = vector.shape_cast %get3A_514 : vector<1x16xf32> to vector<1x16xf32>
          %get3A_516 = arith.index_cast %add3A_377 : i32 to index
          %get3A_517 = arith.constant 96 : index
          %get3A_518 = tpu.vector_load %arg6[%get3A_516, %get3A_517] {strides = array<i32>} : memref<128x256xf32, #tpu.memory_space<vmem>>, vector<1x16xf32>,
          %get3A_519 = vector.shape_cast %get3A_518 : vector<1x16xf32> to vector<1x16xf32>
          %add3A_520 = arith.addf %get3A_515, %get3A_519 : vector<1x16xf32>
          %swap3A_521 = arith.constant 0 : i32
          %swap3A_522 = arith.constant 0 : i32
          %swap3A_523 = tpu.memref_slice %run_scoped3A_10[%rem3A_252, %swap3A_521, %swap3A_522] : memref<2x128x256xf32, #tpu.memory_space<vmem>> -> memref<1x128x256xf32, #tpu.memory_space<vmem>>
          %swap3A_524 = tpu.memref_squeeze %swap3A_523 : memref<1x128x256xf32, #tpu.memory_space<vmem>> -> memref<128x256xf32, #tpu.memory_space<vmem>>
          %swap3A_525 = arith.index_cast %add3A_377 : i32 to index
          %swap3A_526 = arith.constant 96 : index
          %swap3A_527 = tpu.vector_load %swap3A_524[%swap3A_525, %swap3A_526] {strides = array<i32>} : memref<128x256xf32, #tpu.memory_space<vmem>>, vector<1x16xf32>,
          %swap3A_528 = vector.shape_cast %swap3A_527 : vector<1x16xf32> to vector<1x16xf32>
          %swap3A_529 = vector.shape_cast %add3A_520 : vector<1x16xf32> to vector<1x16xf32>
          tpu.vector_store %swap3A_524[%swap3A_525, %swap3A_526], %swap3A_529 {strides = array<i32>} : memref<128x256xf32, #tpu.memory_space<vmem>>, vector<1x16xf32>,
          %get3A_530 = arith.constant 0 : i32
          %get3A_531 = arith.constant 0 : i32
          %get3A_532 = tpu.memref_slice %run_scoped3A_10[%rem3A_252, %get3A_530, %get3A_531] : memref<2x128x256xf32, #tpu.memory_space<vmem>> -> memref<1x128x256xf32, #tpu.memory_space<vmem>>
          %get3A_533 = tpu.memref_squeeze %get3A_532 : memref<1x128x256xf32, #tpu.memory_space<vmem>> -> memref<128x256xf32, #tpu.memory_space<vmem>>
          %get3A_534 = arith.index_cast %add3A_377 : i32 to index
          %get3A_535 = arith.constant 112 : index
          %get3A_536 = tpu.vector_load %get3A_533[%get3A_534, %get3A_535] {strides = array<i32>} : memref<128x256xf32, #tpu.memory_space<vmem>>, vector<1x16xf32>,
          %get3A_537 = vector.shape_cast %get3A_536 : vector<1x16xf32> to vector<1x16xf32>
          %get3A_538 = arith.index_cast %add3A_377 : i32 to index
          %get3A_539 = arith.constant 112 : index
          %get3A_540 = tpu.vector_load %arg6[%get3A_538, %get3A_539] {strides = array<i32>} : memref<128x256xf32, #tpu.memory_space<vmem>>, vector<1x16xf32>,
          %get3A_541 = vector.shape_cast %get3A_540 : vector<1x16xf32> to vector<1x16xf32>
          %add3A_542 = arith.addf %get3A_537, %get3A_541 : vector<1x16xf32>
          %swap3A_543 = arith.constant 0 : i32
          %swap3A_544 = arith.constant 0 : i32
          %swap3A_545 = tpu.memref_slice %run_scoped3A_10[%rem3A_252, %swap3A_543, %swap3A_544] : memref<2x128x256xf32, #tpu.memory_space<vmem>> -> memref<1x128x256xf32, #tpu.memory_space<vmem>>
          %swap3A_546 = tpu.memref_squeeze %swap3A_545 : memref<1x128x256xf32, #tpu.memory_space<vmem>> -> memref<128x256xf32, #tpu.memory_space<vmem>>
          %swap3A_547 = arith.index_cast %add3A_377 : i32 to index
          %swap3A_548 = arith.constant 112 : index
          %swap3A_549 = tpu.vector_load %swap3A_546[%swap3A_547, %swap3A_548] {strides = array<i32>} : memref<128x256xf32, #tpu.memory_space<vmem>>, vector<1x16xf32>,
          %swap3A_550 = vector.shape_cast %swap3A_549 : vector<1x16xf32> to vector<1x16xf32>
          %swap3A_551 = vector.shape_cast %add3A_542 : vector<1x16xf32> to vector<1x16xf32>
          tpu.vector_store %swap3A_546[%swap3A_547, %swap3A_548], %swap3A_551 {strides = array<i32>} : memref<128x256xf32, #tpu.memory_space<vmem>>, vector<1x16xf32>,
          %get3A_552 = arith.constant 0 : i32
          %get3A_553 = arith.constant 0 : i32
          %get3A_554 = tpu.memref_slice %run_scoped3A_10[%rem3A_252, %get3A_552, %get3A_553] : memref<2x128x256xf32, #tpu.memory_space<vmem>> -> memref<1x128x256xf32, #tpu.memory_space<vmem>>
          %get3A_555 = tpu.memref_squeeze %get3A_554 : memref<1x128x256xf32, #tpu.memory_space<vmem>> -> memref<128x256xf32, #tpu.memory_space<vmem>>
          %get3A_556 = arith.index_cast %add3A_377 : i32 to index
          %get3A_557 = arith.constant 128 : index
          %get3A_558 = tpu.vector_load %get3A_555[%get3A_556, %get3A_557] {strides = array<i32>} : memref<128x256xf32, #tpu.memory_space<vmem>>, vector<1x16xf32>,
          %get3A_559 = vector.shape_cast %get3A_558 : vector<1x16xf32> to vector<1x16xf32>
          %get3A_560 = arith.index_cast %add3A_377 : i32 to index
          %get3A_561 = arith.constant 128 : index
          %get3A_562 = tpu.vector_load %arg6[%get3A_560, %get3A_561] {strides = array<i32>} : memref<128x256xf32, #tpu.memory_space<vmem>>, vector<1x16xf32>,
          %get3A_563 = vector.shape_cast %get3A_562 : vector<1x16xf32> to vector<1x16xf32>
          %add3A_564 = arith.addf %get3A_559, %get3A_563 : vector<1x16xf32>
          %swap3A_565 = arith.constant 0 : i32
          %swap3A_566 = arith.constant 0 : i32
          %swap3A_567 = tpu.memref_slice %run_scoped3A_10[%rem3A_252, %swap3A_565, %swap3A_566] : memref<2x128x256xf32, #tpu.memory_space<vmem>> -> memref<1x128x256xf32, #tpu.memory_space<vmem>>
          %swap3A_568 = tpu.memref_squeeze %swap3A_567 : memref<1x128x256xf32, #tpu.memory_space<vmem>> -> memref<128x256xf32, #tpu.memory_space<vmem>>
          %swap3A_569 = arith.index_cast %add3A_377 : i32 to index
          %swap3A_570 = arith.constant 128 : index
          %swap3A_571 = tpu.vector_load %swap3A_568[%swap3A_569, %swap3A_570] {strides = array<i32>} : memref<128x256xf32, #tpu.memory_space<vmem>>, vector<1x16xf32>,
          %swap3A_572 = vector.shape_cast %swap3A_571 : vector<1x16xf32> to vector<1x16xf32>
          %swap3A_573 = vector.shape_cast %add3A_564 : vector<1x16xf32> to vector<1x16xf32>
          tpu.vector_store %swap3A_568[%swap3A_569, %swap3A_570], %swap3A_573 {strides = array<i32>} : memref<128x256xf32, #tpu.memory_space<vmem>>, vector<1x16xf32>,
          %get3A_574 = arith.constant 0 : i32
          %get3A_575 = arith.constant 0 : i32
          %get3A_576 = tpu.memref_slice %run_scoped3A_10[%rem3A_252, %get3A_574, %get3A_575] : memref<2x128x256xf32, #tpu.memory_space<vmem>> -> memref<1x128x256xf32, #tpu.memory_space<vmem>>
          %get3A_577 = tpu.memref_squeeze %get3A_576 : memref<1x128x256xf32, #tpu.memory_space<vmem>> -> memref<128x256xf32, #tpu.memory_space<vmem>>
          %get3A_578 = arith.index_cast %add3A_377 : i32 to index
          %get3A_579 = arith.constant 144 : index
          %get3A_580 = tpu.vector_load %get3A_577[%get3A_578, %get3A_579] {strides = array<i32>} : memref<128x256xf32, #tpu.memory_space<vmem>>, vector<1x16xf32>,
          %get3A_581 = vector.shape_cast %get3A_580 : vector<1x16xf32> to vector<1x16xf32>
          %get3A_582 = arith.index_cast %add3A_377 : i32 to index
          %get3A_583 = arith.constant 144 : index
          %get3A_584 = tpu.vector_load %arg6[%get3A_582, %get3A_583] {strides = array<i32>} : memref<128x256xf32, #tpu.memory_space<vmem>>, vector<1x16xf32>,
          %get3A_585 = vector.shape_cast %get3A_584 : vector<1x16xf32> to vector<1x16xf32>
          %add3A_586 = arith.addf %get3A_581, %get3A_585 : vector<1x16xf32>
          %swap3A_587 = arith.constant 0 : i32
          %swap3A_588 = arith.constant 0 : i32
          %swap3A_589 = tpu.memref_slice %run_scoped3A_10[%rem3A_252, %swap3A_587, %swap3A_588] : memref<2x128x256xf32, #tpu.memory_space<vmem>> -> memref<1x128x256xf32, #tpu.memory_space<vmem>>
          %swap3A_590 = tpu.memref_squeeze %swap3A_589 : memref<1x128x256xf32, #tpu.memory_space<vmem>> -> memref<128x256xf32, #tpu.memory_space<vmem>>
          %swap3A_591 = arith.index_cast %add3A_377 : i32 to index
          %swap3A_592 = arith.constant 144 : index
          %swap3A_593 = tpu.vector_load %swap3A_590[%swap3A_591, %swap3A_592] {strides = array<i32>} : memref<128x256xf32, #tpu.memory_space<vmem>>, vector<1x16xf32>,
          %swap3A_594 = vector.shape_cast %swap3A_593 : vector<1x16xf32> to vector<1x16xf32>
          %swap3A_595 = vector.shape_cast %add3A_586 : vector<1x16xf32> to vector<1x16xf32>
          tpu.vector_store %swap3A_590[%swap3A_591, %swap3A_592], %swap3A_595 {strides = array<i32>} : memref<128x256xf32, #tpu.memory_space<vmem>>, vector<1x16xf32>,
          %get3A_596 = arith.constant 0 : i32
          %get3A_597 = arith.constant 0 : i32
          %get3A_598 = tpu.memref_slice %run_scoped3A_10[%rem3A_252, %get3A_596, %get3A_597] : memref<2x128x256xf32, #tpu.memory_space<vmem>> -> memref<1x128x256xf32, #tpu.memory_space<vmem>>
          %get3A_599 = tpu.memref_squeeze %get3A_598 : memref<1x128x256xf32, #tpu.memory_space<vmem>> -> memref<128x256xf32, #tpu.memory_space<vmem>>
          %get3A_600 = arith.index_cast %add3A_377 : i32 to index
          %get3A_601 = arith.constant 160 : index
          %get3A_602 = tpu.vector_load %get3A_599[%get3A_600, %get3A_601] {strides = array<i32>} : memref<128x256xf32, #tpu.memory_space<vmem>>, vector<1x16xf32>,
          %get3A_603 = vector.shape_cast %get3A_602 : vector<1x16xf32> to vector<1x16xf32>
          %get3A_604 = arith.index_cast %add3A_377 : i32 to index
          %get3A_605 = arith.constant 160 : index
          %get3A_606 = tpu.vector_load %arg6[%get3A_604, %get3A_605] {strides = array<i32>} : memref<128x256xf32, #tpu.memory_space<vmem>>, vector<1x16xf32>,
          %get3A_607 = vector.shape_cast %get3A_606 : vector<1x16xf32> to vector<1x16xf32>
          %add3A_608 = arith.addf %get3A_603, %get3A_607 : vector<1x16xf32>
          %swap3A_609 = arith.constant 0 : i32
          %swap3A_610 = arith.constant 0 : i32
          %swap3A_611 = tpu.memref_slice %run_scoped3A_10[%rem3A_252, %swap3A_609, %swap3A_610] : memref<2x128x256xf32, #tpu.memory_space<vmem>> -> memref<1x128x256xf32, #tpu.memory_space<vmem>>
          %swap3A_612 = tpu.memref_squeeze %swap3A_611 : memref<1x128x256xf32, #tpu.memory_space<vmem>> -> memref<128x256xf32, #tpu.memory_space<vmem>>
          %swap3A_613 = arith.index_cast %add3A_377 : i32 to index
          %swap3A_614 = arith.constant 160 : index
          %swap3A_615 = tpu.vector_load %swap3A_612[%swap3A_613, %swap3A_614] {strides = array<i32>} : memref<128x256xf32, #tpu.memory_space<vmem>>, vector<1x16xf32>,
          %swap3A_616 = vector.shape_cast %swap3A_615 : vector<1x16xf32> to vector<1x16xf32>
          %swap3A_617 = vector.shape_cast %add3A_608 : vector<1x16xf32> to vector<1x16xf32>
          tpu.vector_store %swap3A_612[%swap3A_613, %swap3A_614], %swap3A_617 {strides = array<i32>} : memref<128x256xf32, #tpu.memory_space<vmem>>, vector<1x16xf32>,
          %get3A_618 = arith.constant 0 : i32
          %get3A_619 = arith.constant 0 : i32
          %get3A_620 = tpu.memref_slice %run_scoped3A_10[%rem3A_252, %get3A_618, %get3A_619] : memref<2x128x256xf32, #tpu.memory_space<vmem>> -> memref<1x128x256xf32, #tpu.memory_space<vmem>>
          %get3A_621 = tpu.memref_squeeze %get3A_620 : memref<1x128x256xf32, #tpu.memory_space<vmem>> -> memref<128x256xf32, #tpu.memory_space<vmem>>
          %get3A_622 = arith.index_cast %add3A_377 : i32 to index
          %get3A_623 = arith.constant 176 : index
          %get3A_624 = tpu.vector_load %get3A_621[%get3A_622, %get3A_623] {strides = array<i32>} : memref<128x256xf32, #tpu.memory_space<vmem>>, vector<1x16xf32>,
          %get3A_625 = vector.shape_cast %get3A_624 : vector<1x16xf32> to vector<1x16xf32>
          %get3A_626 = arith.index_cast %add3A_377 : i32 to index
          %get3A_627 = arith.constant 176 : index
          %get3A_628 = tpu.vector_load %arg6[%get3A_626, %get3A_627] {strides = array<i32>} : memref<128x256xf32, #tpu.memory_space<vmem>>, vector<1x16xf32>,
          %get3A_629 = vector.shape_cast %get3A_628 : vector<1x16xf32> to vector<1x16xf32>
          %add3A_630 = arith.addf %get3A_625, %get3A_629 : vector<1x16xf32>
          %swap3A_631 = arith.constant 0 : i32
          %swap3A_632 = arith.constant 0 : i32
          %swap3A_633 = tpu.memref_slice %run_scoped3A_10[%rem3A_252, %swap3A_631, %swap3A_632] : memref<2x128x256xf32, #tpu.memory_space<vmem>> -> memref<1x128x256xf32, #tpu.memory_space<vmem>>
          %swap3A_634 = tpu.memref_squeeze %swap3A_633 : memref<1x128x256xf32, #tpu.memory_space<vmem>> -> memref<128x256xf32, #tpu.memory_space<vmem>>
          %swap3A_635 = arith.index_cast %add3A_377 : i32 to index
          %swap3A_636 = arith.constant 176 : index
          %swap3A_637 = tpu.vector_load %swap3A_634[%swap3A_635, %swap3A_636] {strides = array<i32>} : memref<128x256xf32, #tpu.memory_space<vmem>>, vector<1x16xf32>,
          %swap3A_638 = vector.shape_cast %swap3A_637 : vector<1x16xf32> to vector<1x16xf32>
          %swap3A_639 = vector.shape_cast %add3A_630 : vector<1x16xf32> to vector<1x16xf32>
          tpu.vector_store %swap3A_634[%swap3A_635, %swap3A_636], %swap3A_639 {strides = array<i32>} : memref<128x256xf32, #tpu.memory_space<vmem>>, vector<1x16xf32>,
          %get3A_640 = arith.constant 0 : i32
          %get3A_641 = arith.constant 0 : i32
          %get3A_642 = tpu.memref_slice %run_scoped3A_10[%rem3A_252, %get3A_640, %get3A_641] : memref<2x128x256xf32, #tpu.memory_space<vmem>> -> memref<1x128x256xf32, #tpu.memory_space<vmem>>
          %get3A_643 = tpu.memref_squeeze %get3A_642 : memref<1x128x256xf32, #tpu.memory_space<vmem>> -> memref<128x256xf32, #tpu.memory_space<vmem>>
          %get3A_644 = arith.index_cast %add3A_377 : i32 to index
          %get3A_645 = arith.constant 192 : index
          %get3A_646 = tpu.vector_load %get3A_643[%get3A_644, %get3A_645] {strides = array<i32>} : memref<128x256xf32, #tpu.memory_space<vmem>>, vector<1x16xf32>,
          %get3A_647 = vector.shape_cast %get3A_646 : vector<1x16xf32> to vector<1x16xf32>
          %get3A_648 = arith.index_cast %add3A_377 : i32 to index
          %get3A_649 = arith.constant 192 : index
          %get3A_650 = tpu.vector_load %arg6[%get3A_648, %get3A_649] {strides = array<i32>} : memref<128x256xf32, #tpu.memory_space<vmem>>, vector<1x16xf32>,
          %get3A_651 = vector.shape_cast %get3A_650 : vector<1x16xf32> to vector<1x16xf32>
          %add3A_652 = arith.addf %get3A_647, %get3A_651 : vector<1x16xf32>
          %swap3A_653 = arith.constant 0 : i32
          %swap3A_654 = arith.constant 0 : i32
          %swap3A_655 = tpu.memref_slice %run_scoped3A_10[%rem3A_252, %swap3A_653, %swap3A_654] : memref<2x128x256xf32, #tpu.memory_space<vmem>> -> memref<1x128x256xf32, #tpu.memory_space<vmem>>
          %swap3A_656 = tpu.memref_squeeze %swap3A_655 : memref<1x128x256xf32, #tpu.memory_space<vmem>> -> memref<128x256xf32, #tpu.memory_space<vmem>>
          %swap3A_657 = arith.index_cast %add3A_377 : i32 to index
          %swap3A_658 = arith.constant 192 : index
          %swap3A_659 = tpu.vector_load %swap3A_656[%swap3A_657, %swap3A_658] {strides = array<i32>} : memref<128x256xf32, #tpu.memory_space<vmem>>, vector<1x16xf32>,
          %swap3A_660 = vector.shape_cast %swap3A_659 : vector<1x16xf32> to vector<1x16xf32>
          %swap3A_661 = vector.shape_cast %add3A_652 : vector<1x16xf32> to vector<1x16xf32>
          tpu.vector_store %swap3A_656[%swap3A_657, %swap3A_658], %swap3A_661 {strides = array<i32>} : memref<128x256xf32, #tpu.memory_space<vmem>>, vector<1x16xf32>,
          %get3A_662 = arith.constant 0 : i32
          %get3A_663 = arith.constant 0 : i32
          %get3A_664 = tpu.memref_slice %run_scoped3A_10[%rem3A_252, %get3A_662, %get3A_663] : memref<2x128x256xf32, #tpu.memory_space<vmem>> -> memref<1x128x256xf32, #tpu.memory_space<vmem>>
          %get3A_665 = tpu.memref_squeeze %get3A_664 : memref<1x128x256xf32, #tpu.memory_space<vmem>> -> memref<128x256xf32, #tpu.memory_space<vmem>>
          %get3A_666 = arith.index_cast %add3A_377 : i32 to index
          %get3A_667 = arith.constant 208 : index
          %get3A_668 = tpu.vector_load %get3A_665[%get3A_666, %get3A_667] {strides = array<i32>} : memref<128x256xf32, #tpu.memory_space<vmem>>, vector<1x16xf32>,
          %get3A_669 = vector.shape_cast %get3A_668 : vector<1x16xf32> to vector<1x16xf32>
          %get3A_670 = arith.index_cast %add3A_377 : i32 to index
          %get3A_671 = arith.constant 208 : index
          %get3A_672 = tpu.vector_load %arg6[%get3A_670, %get3A_671] {strides = array<i32>} : memref<128x256xf32, #tpu.memory_space<vmem>>, vector<1x16xf32>,
          %get3A_673 = vector.shape_cast %get3A_672 : vector<1x16xf32> to vector<1x16xf32>
          %add3A_674 = arith.addf %get3A_669, %get3A_673 : vector<1x16xf32>
          %swap3A_675 = arith.constant 0 : i32
          %swap3A_676 = arith.constant 0 : i32
          %swap3A_677 = tpu.memref_slice %run_scoped3A_10[%rem3A_252, %swap3A_675, %swap3A_676] : memref<2x128x256xf32, #tpu.memory_space<vmem>> -> memref<1x128x256xf32, #tpu.memory_space<vmem>>
          %swap3A_678 = tpu.memref_squeeze %swap3A_677 : memref<1x128x256xf32, #tpu.memory_space<vmem>> -> memref<128x256xf32, #tpu.memory_space<vmem>>
          %swap3A_679 = arith.index_cast %add3A_377 : i32 to index
          %swap3A_680 = arith.constant 208 : index
          %swap3A_681 = tpu.vector_load %swap3A_678[%swap3A_679, %swap3A_680] {strides = array<i32>} : memref<128x256xf32, #tpu.memory_space<vmem>>, vector<1x16xf32>,
          %swap3A_682 = vector.shape_cast %swap3A_681 : vector<1x16xf32> to vector<1x16xf32>
          %swap3A_683 = vector.shape_cast %add3A_674 : vector<1x16xf32> to vector<1x16xf32>
          tpu.vector_store %swap3A_678[%swap3A_679, %swap3A_680], %swap3A_683 {strides = array<i32>} : memref<128x256xf32, #tpu.memory_space<vmem>>, vector<1x16xf32>,
          %get3A_684 = arith.constant 0 : i32
          %get3A_685 = arith.constant 0 : i32
          %get3A_686 = tpu.memref_slice %run_scoped3A_10[%rem3A_252, %get3A_684, %get3A_685] : memref<2x128x256xf32, #tpu.memory_space<vmem>> -> memref<1x128x256xf32, #tpu.memory_space<vmem>>
          %get3A_687 = tpu.memref_squeeze %get3A_686 : memref<1x128x256xf32, #tpu.memory_space<vmem>> -> memref<128x256xf32, #tpu.memory_space<vmem>>
          %get3A_688 = arith.index_cast %add3A_377 : i32 to index
          %get3A_689 = arith.constant 224 : index
          %get3A_690 = tpu.vector_load %get3A_687[%get3A_688, %get3A_689] {strides = array<i32>} : memref<128x256xf32, #tpu.memory_space<vmem>>, vector<1x16xf32>,
          %get3A_691 = vector.shape_cast %get3A_690 : vector<1x16xf32> to vector<1x16xf32>
          %get3A_692 = arith.index_cast %add3A_377 : i32 to index
          %get3A_693 = arith.constant 224 : index
          %get3A_694 = tpu.vector_load %arg6[%get3A_692, %get3A_693] {strides = array<i32>} : memref<128x256xf32, #tpu.memory_space<vmem>>, vector<1x16xf32>,
          %get3A_695 = vector.shape_cast %get3A_694 : vector<1x16xf32> to vector<1x16xf32>
          %add3A_696 = arith.addf %get3A_691, %get3A_695 : vector<1x16xf32>
          %swap3A_697 = arith.constant 0 : i32
          %swap3A_698 = arith.constant 0 : i32
          %swap3A_699 = tpu.memref_slice %run_scoped3A_10[%rem3A_252, %swap3A_697, %swap3A_698] : memref<2x128x256xf32, #tpu.memory_space<vmem>> -> memref<1x128x256xf32, #tpu.memory_space<vmem>>
          %swap3A_700 = tpu.memref_squeeze %swap3A_699 : memref<1x128x256xf32, #tpu.memory_space<vmem>> -> memref<128x256xf32, #tpu.memory_space<vmem>>
          %swap3A_701 = arith.index_cast %add3A_377 : i32 to index
          %swap3A_702 = arith.constant 224 : index
          %swap3A_703 = tpu.vector_load %swap3A_700[%swap3A_701, %swap3A_702] {strides = array<i32>} : memref<128x256xf32, #tpu.memory_space<vmem>>, vector<1x16xf32>,
          %swap3A_704 = vector.shape_cast %swap3A_703 : vector<1x16xf32> to vector<1x16xf32>
          %swap3A_705 = vector.shape_cast %add3A_696 : vector<1x16xf32> to vector<1x16xf32>
          tpu.vector_store %swap3A_700[%swap3A_701, %swap3A_702], %swap3A_705 {strides = array<i32>} : memref<128x256xf32, #tpu.memory_space<vmem>>, vector<1x16xf32>,
          %get3A_706 = arith.constant 0 : i32
          %get3A_707 = arith.constant 0 : i32
          %get3A_708 = tpu.memref_slice %run_scoped3A_10[%rem3A_252, %get3A_706, %get3A_707] : memref<2x128x256xf32, #tpu.memory_space<vmem>> -> memref<1x128x256xf32, #tpu.memory_space<vmem>>
          %get3A_709 = tpu.memref_squeeze %get3A_708 : memref<1x128x256xf32, #tpu.memory_space<vmem>> -> memref<128x256xf32, #tpu.memory_space<vmem>>
          %get3A_710 = arith.index_cast %add3A_377 : i32 to index
          %get3A_711 = arith.constant 240 : index
          %get3A_712 = tpu.vector_load %get3A_709[%get3A_710, %get3A_711] {strides = array<i32>} : memref<128x256xf32, #tpu.memory_space<vmem>>, vector<1x16xf32>,
          %get3A_713 = vector.shape_cast %get3A_712 : vector<1x16xf32> to vector<1x16xf32>
          %get3A_714 = arith.index_cast %add3A_377 : i32 to index
          %get3A_715 = arith.constant 240 : index
          %get3A_716 = tpu.vector_load %arg6[%get3A_714, %get3A_715] {strides = array<i32>} : memref<128x256xf32, #tpu.memory_space<vmem>>, vector<1x16xf32>,
          %get3A_717 = vector.shape_cast %get3A_716 : vector<1x16xf32> to vector<1x16xf32>
          %add3A_718 = arith.addf %get3A_713, %get3A_717 : vector<1x16xf32>
          %swap3A_719 = arith.constant 0 : i32
          %swap3A_720 = arith.constant 0 : i32
          %swap3A_721 = tpu.memref_slice %run_scoped3A_10[%rem3A_252, %swap3A_719, %swap3A_720] : memref<2x128x256xf32, #tpu.memory_space<vmem>> -> memref<1x128x256xf32, #tpu.memory_space<vmem>>
          %swap3A_722 = tpu.memref_squeeze %swap3A_721 : memref<1x128x256xf32, #tpu.memory_space<vmem>> -> memref<128x256xf32, #tpu.memory_space<vmem>>
          %swap3A_723 = arith.index_cast %add3A_377 : i32 to index
          %swap3A_724 = arith.constant 240 : index
          %swap3A_725 = tpu.vector_load %swap3A_722[%swap3A_723, %swap3A_724] {strides = array<i32>} : memref<128x256xf32, #tpu.memory_space<vmem>>, vector<1x16xf32>,
          %swap3A_726 = vector.shape_cast %swap3A_725 : vector<1x16xf32> to vector<1x16xf32>
          %swap3A_727 = vector.shape_cast %add3A_718 : vector<1x16xf32> to vector<1x16xf32>
          tpu.vector_store %swap3A_722[%swap3A_723, %swap3A_724], %swap3A_727 {strides = array<i32>} : memref<128x256xf32, #tpu.memory_space<vmem>>, vector<1x16xf32>,
        }
        %scan3A_280 = arith.constant 128 : i32
        "tpu.trace_stop"() : () -> ()
        %ne3A_281 = arith.cmpi ne, %add3A_161, %add3A_179 : i32
        %or3A_282 = arith.constant false
        %or3A_283 = arith.ori %or3A_282, %ne3A_281 : i1
        %or3A_284 = arith.ori %or3A_283, %eq3A_160 : i1
        %convert_element_type3A_285 = arith.extui %or3A_284 : i1 to i32
        %cond3A_286 = arith.constant 0 : i32
        %cond3A_287 = arith.cmpi ne, %convert_element_type3A_285, %cond3A_286 : i32
        scf.if %cond3A_287 {
        } else {
        }
        %and3A_288 = arith.constant false
        %and3A_289 = arith.andi %or3A_284, %and3A_288 : i1
        %ne3A_290 = arith.cmpi ne, %add3A_161, %add3A_179 : i32
        %or3A_291 = arith.constant false
        %or3A_292 = arith.ori %or3A_291, %ne3A_290 : i1
        %or3A_293 = arith.ori %or3A_292, %eq3A_160 : i1
        %convert_element_type3A_294 = arith.extui %or3A_293 : i1 to i32
        %cond3A_295 = arith.constant 0 : i32
        %cond3A_296 = arith.cmpi ne, %convert_element_type3A_294, %cond3A_295 : i32
        scf.if %cond3A_296 {
        } else {
        }
        %and3A_297 = arith.constant false
        %and3A_298 = arith.andi %or3A_293, %and3A_297 : i1
        %ne3A_299 = arith.cmpi ne, %add3A_161, %add3A_179 : i32
        %or3A_300 = arith.constant false
        %or3A_301 = arith.ori %or3A_300, %ne3A_299 : i1
        %or3A_302 = arith.constant false
        %or3A_303 = arith.ori %or3A_301, %or3A_302 : i1
        %or3A_304 = arith.ori %or3A_303, %eq3A_160 : i1
        %convert_element_type3A_305 = arith.extui %or3A_304 : i1 to i32
        %cond3A_306 = arith.constant 0 : i32
        %cond3A_307 = arith.cmpi ne, %convert_element_type3A_305, %cond3A_306 : i32
        scf.if %cond3A_307 {
          "tpu.trace_start"() <{level = 10 : i32, message = "ep_copy_out"}> : () -> ()
          %rem3A_373 = arith.constant 2 : i32
          %rem3A_374 = arith.remui %scan3A_154, %rem3A_373 : i32
          %mul3A_375 = arith.constant 128 : i32
          %mul3A_376 = arith.muli %mul3A_375, %add3A_161 : i32
          %dma_start3A_377 = arith.constant 0 : i32
          %dma_start3A_378 = arith.constant 0 : i32
          %dma_start3A_379 = tpu.memref_slice %run_scoped3A_10[%rem3A_374, %dma_start3A_377, %dma_start3A_378] : memref<2x128x256xf32, #tpu.memory_space<vmem>> -> memref<1x128x256xf32, #tpu.memory_space<vmem>>
          %dma_start3A_380 = tpu.memref_squeeze %dma_start3A_379 : memref<1x128x256xf32, #tpu.memory_space<vmem>> -> memref<128x256xf32, #tpu.memory_space<vmem>>
          %dma_start3A_381 = arith.constant 0 : i32
          %dma_start3A_382 = tpu.memref_slice %arg5[%mul3A_376, %dma_start3A_381] : memref<8192x256xf32, #tpu.memory_space<hbm>> -> memref<128x256xf32, #tpu.memory_space<hbm>>
          %dma_start3A_383 = tpu.memref_slice %run_scoped3A_11[%rem3A_374] : memref<2x!tpu.dma_semaphore, #tpu.memory_space<semaphore_mem>> -> memref<1x!tpu.dma_semaphore, #tpu.memory_space<semaphore_mem>>
          %dma_start3A_384 = tpu.memref_squeeze %dma_start3A_383 : memref<1x!tpu.dma_semaphore, #tpu.memory_space<semaphore_mem>> -> memref<!tpu.dma_semaphore, #tpu.memory_space<semaphore_mem>>
          %dma_start3A_385 = arith.constant 0 : i32
          %dma_start3A_386 = tpu.memref_slice %arg5[%mul3A_376, %dma_start3A_385] : memref<8192x256xf32, #tpu.memory_space<hbm>> -> memref<128x256xf32, #tpu.memory_space<hbm>>
          %dma_start3A_387 = arith.constant 0 : i32
          %dma_start3A_388 = arith.constant 0 : i32
          %dma_start3A_389 = tpu.memref_slice %run_scoped3A_10[%rem3A_374, %dma_start3A_387, %dma_start3A_388] : memref<2x128x256xf32, #tpu.memory_space<vmem>> -> memref<1x128x256xf32, #tpu.memory_space<vmem>>
          %dma_start3A_390 = tpu.memref_squeeze %dma_start3A_389 : memref<1x128x256xf32, #tpu.memory_space<vmem>> -> memref<128x256xf32, #tpu.memory_space<vmem>>
          tpu.enqueue_dma source(%dma_start3A_390 : memref<128x256xf32, #tpu.memory_space<vmem>>) target(%dma_start3A_386 : memref<128x256xf32, #tpu.memory_space<hbm>>) target_semaphore(%dma_start3A_384 : memref<!tpu.dma_semaphore, #tpu.memory_space<semaphore_mem>>)
          "tpu.trace_stop"() : () -> ()
        } else {
        }
        %and3A_308 = arith.constant true
        %and3A_309 = arith.andi %or3A_304, %and3A_308 : i1
        %add3A_310 = arith.constant 1 : i32
        %add3A_311 = arith.addi %scan3A_154, %add3A_310 : i32
        %select_n3A_312 = arith.select %and3A_309, %add3A_311, %scan3A_154 : i32
        %ne3A_313 = arith.cmpi ne, %add3A_161, %add3A_170 : i32
        %or3A_314 = arith.constant false
        %or3A_315 = arith.ori %or3A_314, %ne3A_313 : i1
        %not3A_316 = arith.constant true
        %not3A_317 = arith.xori %eq3A_158, %not3A_316 : i1
        %and3A_318 = arith.andi %or3A_315, %not3A_317 : i1
        %convert_element_type3A_319 = arith.extui %and3A_318 : i1 to i32
        %cond3A_320 = arith.constant 0 : i32
        %cond3A_321 = arith.cmpi ne, %convert_element_type3A_319, %cond3A_320 : i32
        scf.if %cond3A_321 {
        } else {
        }
        %and3A_322 = arith.constant false
        %and3A_323 = arith.andi %and3A_318, %and3A_322 : i1
        %ne3A_324 = arith.cmpi ne, %add3A_161, %add3A_170 : i32
        %or3A_325 = arith.constant false
        %or3A_326 = arith.ori %or3A_325, %ne3A_324 : i1
        %not3A_327 = arith.constant true
        %not3A_328 = arith.xori %eq3A_158, %not3A_327 : i1
        %and3A_329 = arith.andi %or3A_326, %not3A_328 : i1
        %convert_element_type3A_330 = arith.extui %and3A_329 : i1 to i32
        %cond3A_331 = arith.constant 0 : i32
        %cond3A_332 = arith.cmpi ne, %convert_element_type3A_330, %cond3A_331 : i32
        scf.if %cond3A_332 {
        } else {
        }
        %and3A_333 = arith.constant false
        %and3A_334 = arith.andi %and3A_329, %and3A_333 : i1
        %ne3A_335 = arith.cmpi ne, %add3A_161, %add3A_170 : i32
        %or3A_336 = arith.constant false
        %or3A_337 = arith.ori %or3A_336, %ne3A_335 : i1
        %or3A_338 = arith.constant false
        %or3A_339 = arith.ori %or3A_337, %or3A_338 : i1
        %not3A_340 = arith.constant true
        %not3A_341 = arith.xori %eq3A_158, %not3A_340 : i1
        %and3A_342 = arith.andi %or3A_339, %not3A_341 : i1
        %convert_element_type3A_343 = arith.extui %and3A_342 : i1 to i32
        %cond3A_344 = arith.constant 0 : i32
        %cond3A_345 = arith.cmpi ne, %convert_element_type3A_343, %cond3A_344 : i32
        scf.if %cond3A_345 {
          "tpu.trace_start"() <{level = 10 : i32, message = "ep_wait_out"}> : () -> ()
          %rem3A_373 = arith.constant 2 : i32
          %rem3A_374 = arith.remui %scan3A_155, %rem3A_373 : i32
          %mul3A_375 = arith.constant 128 : i32
          %mul3A_376 = arith.muli %mul3A_375, %add3A_170 : i32
          %dma_wait3A_377 = arith.constant 0 : i32
          %dma_wait3A_378 = arith.constant 0 : i32
          %dma_wait3A_379 = tpu.memref_slice %run_scoped3A_10[%rem3A_374, %dma_wait3A_377, %dma_wait3A_378] : memref<2x128x256xf32, #tpu.memory_space<vmem>> -> memref<1x128x256xf32, #tpu.memory_space<vmem>>
          %dma_wait3A_380 = tpu.memref_squeeze %dma_wait3A_379 : memref<1x128x256xf32, #tpu.memory_space<vmem>> -> memref<128x256xf32, #tpu.memory_space<vmem>>
          %dma_wait3A_381 = arith.constant 0 : i32
          %dma_wait3A_382 = tpu.memref_slice %arg5[%mul3A_376, %dma_wait3A_381] : memref<8192x256xf32, #tpu.memory_space<hbm>> -> memref<128x256xf32, #tpu.memory_space<hbm>>
          %dma_wait3A_383 = tpu.memref_slice %run_scoped3A_11[%rem3A_374] : memref<2x!tpu.dma_semaphore, #tpu.memory_space<semaphore_mem>> -> memref<1x!tpu.dma_semaphore, #tpu.memory_space<semaphore_mem>>
          %dma_wait3A_384 = tpu.memref_squeeze %dma_wait3A_383 : memref<1x!tpu.dma_semaphore, #tpu.memory_space<semaphore_mem>> -> memref<!tpu.dma_semaphore, #tpu.memory_space<semaphore_mem>>
          %dma_wait3A_385 = arith.constant 0 : i32
          %dma_wait3A_386 = tpu.memref_slice %arg5[%mul3A_376, %dma_wait3A_385] : memref<8192x256xf32, #tpu.memory_space<hbm>> -> memref<128x256xf32, #tpu.memory_space<hbm>>
          %dma_wait3A_387 = arith.constant 0 : i32
          %dma_wait3A_388 = arith.constant 0 : i32
          %dma_wait3A_389 = tpu.memref_slice %run_scoped3A_10[%rem3A_374, %dma_wait3A_387, %dma_wait3A_388] : memref<2x128x256xf32, #tpu.memory_space<vmem>> -> memref<1x128x256xf32, #tpu.memory_space<vmem>>
          %dma_wait3A_390 = tpu.memref_squeeze %dma_wait3A_389 : memref<1x128x256xf32, #tpu.memory_space<vmem>> -> memref<128x256xf32, #tpu.memory_space<vmem>>
          tpu.wait_dma2 semaphore(%dma_wait3A_384 : memref<!tpu.dma_semaphore, #tpu.memory_space<semaphore_mem>>) src(%dma_wait3A_390 : memref<128x256xf32, #tpu.memory_space<vmem>>) dst(%dma_wait3A_386 : memref<128x256xf32, #tpu.memory_space<hbm>>)
          "tpu.trace_stop"() : () -> ()
        } else {
        }
        %and3A_346 = arith.constant true
        %and3A_347 = arith.andi %and3A_342, %and3A_346 : i1
        %add3A_348 = arith.constant 1 : i32
        %add3A_349 = arith.addi %scan3A_155, %add3A_348 : i32
        %select_n3A_350 = arith.select %and3A_347, %add3A_349, %scan3A_155 : i32
        %ne3A_351 = arith.cmpi ne, %add3A_161, %add3A_179 : i32
        %or3A_352 = arith.constant false
        %or3A_353 = arith.ori %or3A_352, %ne3A_351 : i1
        %or3A_354 = arith.ori %or3A_353, %eq3A_160 : i1
        %add3A_355 = arith.constant 1 : i32
        %add3A_356 = arith.addi %scan3A_151, %add3A_355 : i32
        %select_n3A_357 = arith.select %or3A_354, %add3A_356, %scan3A_151 : i32
        %ne3A_358 = arith.cmpi ne, %add3A_161, %add3A_179 : i32
        %or3A_359 = arith.constant false
        %or3A_360 = arith.ori %or3A_359, %ne3A_358 : i1
        %or3A_361 = arith.ori %or3A_360, %eq3A_160 : i1
        %add3A_362 = arith.constant 1 : i32
        %add3A_363 = arith.addi %scan3A_153, %add3A_362 : i32
        %select_n3A_364 = arith.select %or3A_361, %add3A_363, %scan3A_153 : i32
        %add3A_365 = arith.constant 1 : i32
        %add3A_366 = arith.addi %scan3A_156, %add3A_365 : i32
        %select_n3A_367 = arith.constant true
        %select_n3A_368 = arith.select %select_n3A_367, %add3A_366, %scan3A_156 : i32
        %eq3A_369 = arith.constant 2 : i32
        %eq3A_370 = arith.cmpi eq, %select_n3A_368, %eq3A_369 : i32
        %select_n3A_371 = arith.constant 0 : i32
        %select_n3A_372 = arith.select %eq3A_370, %select_n3A_371, %select_n3A_368 : i32
        scf.yield %select_n3A_197, %select_n3A_357, %select_n3A_213, %select_n3A_364, %select_n3A_312, %select_n3A_350, %select_n3A_372 : i32, i32, i32, i32, i32, i32, i32
      }
      %scan3A_96 = arith.constant 2 : i32
      %sub3A = arith.constant 1 : i32
      %sub3A_97 = arith.subi %scan3A_95#6, %sub3A : i32
      %select_n3A_98 = arith.constant true
      %select_n3A_99 = arith.select %select_n3A_98, %sub3A_97, %scan3A_95#6 : i32
      %eq3A_100 = arith.constant -1 : i32
      %eq3A_101 = arith.cmpi eq, %select_n3A_99, %eq3A_100 : i32
      %select_n3A_102 = arith.constant 1 : i32
      %select_n3A_103 = arith.select %eq3A_101, %select_n3A_102, %select_n3A_99 : i32
      %add3A_104 = arith.addi %select_n3A_103, %mul3A_6 : i32
      %sub3A_105 = arith.constant 1 : i32
      %sub3A_106 = arith.subi %select_n3A_103, %sub3A_105 : i32
      %select_n3A_107 = arith.constant true
      %select_n3A_108 = arith.select %select_n3A_107, %sub3A_106, %select_n3A_103 : i32
      %eq3A_109 = arith.constant -1 : i32
      %eq3A_110 = arith.cmpi eq, %select_n3A_108, %eq3A_109 : i32
      %select_n3A_111 = arith.constant 1 : i32
      %select_n3A_112 = arith.select %eq3A_110, %select_n3A_111, %select_n3A_108 : i32
      %add3A_113 = arith.addi %select_n3A_112, %mul3A_6 : i32
      %add3A_114 = arith.constant 1 : i32
      %add3A_115 = arith.addi %select_n3A_103, %add3A_114 : i32
      %select_n3A_116 = arith.constant true
      %select_n3A_117 = arith.select %select_n3A_116, %add3A_115, %select_n3A_103 : i32
      %eq3A_118 = arith.constant 2 : i32
      %eq3A_119 = arith.cmpi eq, %select_n3A_117, %eq3A_118 : i32
      %select_n3A_120 = arith.constant 0 : i32
      %select_n3A_121 = arith.select %eq3A_119, %select_n3A_120, %select_n3A_117 : i32
      %add3A_122 = arith.addi %select_n3A_121, %mul3A_6 : i32
      %add3A_123 = arith.constant 1 : i32
      %add3A_124 = arith.addi %select_n3A_121, %add3A_123 : i32
      %select_n3A_125 = arith.constant true
      %select_n3A_126 = arith.select %select_n3A_125, %add3A_124, %select_n3A_121 : i32
      %eq3A_127 = arith.constant 2 : i32
      %eq3A_128 = arith.cmpi eq, %select_n3A_126, %eq3A_127 : i32
      %select_n3A_129 = arith.constant 0 : i32
      %select_n3A_130 = arith.select %eq3A_128, %select_n3A_129, %select_n3A_126 : i32
      %add3A_131 = arith.addi %select_n3A_130, %mul3A_6 : i32
      "tpu.trace_start"() <{level = 10 : i32, message = "ep_finalize"}> : () -> ()
      %rem3A_132 = arith.constant 2 : i32
      %rem3A_133 = arith.remui %scan3A_95#5, %rem3A_132 : i32
      %mul3A_134 = arith.constant 128 : i32
      %mul3A_135 = arith.muli %mul3A_134, %add3A_104 : i32
      %dma_wait3A = arith.constant 0 : i32
      %dma_wait3A_136 = arith.constant 0 : i32
      %dma_wait3A_137 = tpu.memref_slice %run_scoped3A_10[%rem3A_133, %dma_wait3A, %dma_wait3A_136] : memref<2x128x256xf32, #tpu.memory_space<vmem>> -> memref<1x128x256xf32, #tpu.memory_space<vmem>>
      %dma_wait3A_138 = tpu.memref_squeeze %dma_wait3A_137 : memref<1x128x256xf32, #tpu.memory_space<vmem>> -> memref<128x256xf32, #tpu.memory_space<vmem>>
      %dma_wait3A_139 = arith.constant 0 : i32
      %dma_wait3A_140 = tpu.memref_slice %arg5[%mul3A_135, %dma_wait3A_139] : memref<8192x256xf32, #tpu.memory_space<hbm>> -> memref<128x256xf32, #tpu.memory_space<hbm>>
      %dma_wait3A_141 = tpu.memref_slice %run_scoped3A_11[%rem3A_133] : memref<2x!tpu.dma_semaphore, #tpu.memory_space<semaphore_mem>> -> memref<1x!tpu.dma_semaphore, #tpu.memory_space<semaphore_mem>>
      %dma_wait3A_142 = tpu.memref_squeeze %dma_wait3A_141 : memref<1x!tpu.dma_semaphore, #tpu.memory_space<semaphore_mem>> -> memref<!tpu.dma_semaphore, #tpu.memory_space<semaphore_mem>>
      %dma_wait3A_143 = arith.constant 0 : i32
      %dma_wait3A_144 = tpu.memref_slice %arg5[%mul3A_135, %dma_wait3A_143] : memref<8192x256xf32, #tpu.memory_space<hbm>> -> memref<128x256xf32, #tpu.memory_space<hbm>>
      %dma_wait3A_145 = arith.constant 0 : i32
      %dma_wait3A_146 = arith.constant 0 : i32
      %dma_wait3A_147 = tpu.memref_slice %run_scoped3A_10[%rem3A_133, %dma_wait3A_145, %dma_wait3A_146] : memref<2x128x256xf32, #tpu.memory_space<vmem>> -> memref<1x128x256xf32, #tpu.memory_space<vmem>>
      %dma_wait3A_148 = tpu.memref_squeeze %dma_wait3A_147 : memref<1x128x256xf32, #tpu.memory_space<vmem>> -> memref<128x256xf32, #tpu.memory_space<vmem>>
      tpu.wait_dma2 semaphore(%dma_wait3A_142 : memref<!tpu.dma_semaphore, #tpu.memory_space<semaphore_mem>>) src(%dma_wait3A_148 : memref<128x256xf32, #tpu.memory_space<vmem>>) dst(%dma_wait3A_144 : memref<128x256xf32, #tpu.memory_space<hbm>>)
      "tpu.trace_stop"() : () -> ()
      tpu.yield
    }) : () -> ()
    return
  }
}

#map = affine_map<(d0, d1) -> (0, 0)>
module attributes {stable_mosaic.version = 14 : i64} {
  func.func @_sc_gather_body(%arg0: i32, %arg1: i32, %arg2: memref<8192x256xf32, #tpu.memory_space<hbm>>, %arg3: memref<1x20480xi32, #tpu.memory_space<hbm>>, %arg4: memref<20480x256xf32, #tpu.memory_space<hbm>>) attributes {dimension_semantics = [#tpu.dimension_semantics<core_parallel>, #tpu.dimension_semantics<subcore_parallel>], iteration_bounds = array<i64: 2, 16>, scalar_prefetch = 0 : i64, scratch_operands = 0 : i64, tpu.core_type = #tpu.core_type<sc_vector_subcore>, window_params = [{transform_indices = #map}, {transform_indices = #map}, {transform_indices = #map}]} {
    %mul3A = arith.constant 1 : i32
    %mul3A_0 = arith.muli %arg1, %mul3A : i32
    %add3A = arith.constant 0 : i32
    %add3A_1 = arith.addi %add3A, %mul3A_0 : i32
    %mul3A_2 = arith.constant 16 : i32
    %mul3A_3 = arith.muli %arg0, %mul3A_2 : i32
    %add3A_4 = arith.addi %add3A_1, %mul3A_3 : i32
    %mul3A_5 = arith.constant 5 : i32
    %mul3A_6 = arith.muli %add3A_4, %mul3A_5 : i32
    "tpu.region"() ({
      %run_scoped3A = memref.alloca() : memref<2x1x128xi32, #tpu.memory_space<vmem>>
      %run_scoped3A_7 = tpu.sem_alloc : memref<2x!tpu.dma_semaphore, #tpu.memory_space<semaphore_mem>>
      %run_scoped3A_8 = memref.alloca() : memref<2x128x256xf32, #tpu.memory_space<vmem>>
      %run_scoped3A_9 = tpu.sem_alloc : memref<2x!tpu.dma_semaphore, #tpu.memory_space<semaphore_mem>>
      %add3A_10 = arith.constant 0 : i32
      %add3A_11 = arith.addi %add3A_10, %mul3A_6 : i32
      %select_n3A = arith.constant true
      %select_n3A_12 = arith.constant 0 : i32
      %select_n3A_13 = arith.constant -1 : i32
      %select_n3A_14 = arith.select %select_n3A, %select_n3A_13, %select_n3A_12 : i32
      %eq3A = arith.constant -1 : i32
      %eq3A_15 = arith.cmpi eq, %select_n3A_14, %eq3A : i32
      %select_n3A_16 = arith.constant 4 : i32
      %select_n3A_17 = arith.select %eq3A_15, %select_n3A_16, %select_n3A_14 : i32
      %add3A_18 = arith.addi %select_n3A_17, %mul3A_6 : i32
      %select_n3A_19 = arith.constant true
      %select_n3A_20 = arith.constant 0 : i32
      %select_n3A_21 = arith.constant 1 : i32
      %select_n3A_22 = arith.select %select_n3A_19, %select_n3A_21, %select_n3A_20 : i32
      %eq3A_23 = arith.constant 5 : i32
      %eq3A_24 = arith.cmpi eq, %select_n3A_22, %eq3A_23 : i32
      %select_n3A_25 = arith.constant 0 : i32
      %select_n3A_26 = arith.select %eq3A_24, %select_n3A_25, %select_n3A_22 : i32
      %add3A_27 = arith.addi %select_n3A_26, %mul3A_6 : i32
      %add3A_28 = arith.constant 1 : i32
      %add3A_29 = arith.addi %select_n3A_26, %add3A_28 : i32
      %select_n3A_30 = arith.constant true
      %select_n3A_31 = arith.select %select_n3A_30, %add3A_29, %select_n3A_26 : i32
      %eq3A_32 = arith.constant 5 : i32
      %eq3A_33 = arith.cmpi eq, %select_n3A_31, %eq3A_32 : i32
      %select_n3A_34 = arith.constant 0 : i32
      %select_n3A_35 = arith.select %eq3A_33, %select_n3A_34, %select_n3A_31 : i32
      %add3A_36 = arith.addi %select_n3A_35, %mul3A_6 : i32
      "tpu.trace_start"() <{level = 10 : i32, message = "ep_initialize_0"}> : () -> ()
      %rem3A = arith.constant 0 : i32
      %rem3A_37 = arith.constant 2 : i32
      %rem3A_38 = arith.remui %rem3A, %rem3A_37 : i32
      %mul3A_39 = arith.constant 128 : i32
      %mul3A_40 = arith.muli %mul3A_39, %add3A_11 : i32
      %dma_start3A = arith.constant 0 : i32
      %dma_start3A_41 = arith.constant 0 : i32
      %dma_start3A_42 = tpu.memref_slice %run_scoped3A[%rem3A_38, %dma_start3A, %dma_start3A_41] : memref<2x1x128xi32, #tpu.memory_space<vmem>> -> memref<1x1x128xi32, #tpu.memory_space<vmem>>
      %dma_start3A_43 = tpu.memref_squeeze %dma_start3A_42 : memref<1x1x128xi32, #tpu.memory_space<vmem>> -> memref<1x128xi32, #tpu.memory_space<vmem>>
      %dma_start3A_44 = arith.constant 0 : i32
      %dma_start3A_45 = tpu.memref_slice %arg3[%dma_start3A_44, %mul3A_40] : memref<1x20480xi32, #tpu.memory_space<hbm>> -> memref<1x128xi32, #tpu.memory_space<hbm>>
      %dma_start3A_46 = tpu.memref_slice %run_scoped3A_7[%rem3A_38] : memref<2x!tpu.dma_semaphore, #tpu.memory_space<semaphore_mem>> -> memref<1x!tpu.dma_semaphore, #tpu.memory_space<semaphore_mem>>
      %dma_start3A_47 = tpu.memref_squeeze %dma_start3A_46 : memref<1x!tpu.dma_semaphore, #tpu.memory_space<semaphore_mem>> -> memref<!tpu.dma_semaphore, #tpu.memory_space<semaphore_mem>>
      %dma_start3A_48 = arith.constant 0 : i32
      %dma_start3A_49 = arith.constant 0 : i32
      %dma_start3A_50 = tpu.memref_slice %run_scoped3A[%rem3A_38, %dma_start3A_48, %dma_start3A_49] : memref<2x1x128xi32, #tpu.memory_space<vmem>> -> memref<1x1x128xi32, #tpu.memory_space<vmem>>
      %dma_start3A_51 = tpu.memref_squeeze %dma_start3A_50 : memref<1x1x128xi32, #tpu.memory_space<vmem>> -> memref<1x128xi32, #tpu.memory_space<vmem>>
      %dma_start3A_52 = arith.constant 0 : i32
      %dma_start3A_53 = tpu.memref_slice %arg3[%dma_start3A_52, %mul3A_40] : memref<1x20480xi32, #tpu.memory_space<hbm>> -> memref<1x128xi32, #tpu.memory_space<hbm>>
      tpu.enqueue_dma source(%dma_start3A_53 : memref<1x128xi32, #tpu.memory_space<hbm>>) target(%dma_start3A_51 : memref<1x128xi32, #tpu.memory_space<vmem>>) target_semaphore(%dma_start3A_47 : memref<!tpu.dma_semaphore, #tpu.memory_space<semaphore_mem>>)
      %add3A_54 = arith.constant 0 : i32
      %add3A_55 = arith.constant 1 : i32
      %add3A_56 = arith.addi %add3A_54, %add3A_55 : i32
      %select_n3A_57 = arith.constant true
      %select_n3A_58 = arith.constant 0 : i32
      %select_n3A_59 = arith.select %select_n3A_57, %add3A_56, %select_n3A_58 : i32
      "tpu.trace_stop"() : () -> ()
      %scan3A = arith.constant 0 : i32
      %scan3A_60 = arith.constant 0 : i32
      %scan3A_61 = arith.constant 0 : i32
      %scan3A_62 = arith.constant 0 : i32
      %scan3A_63 = arith.constant 0 : i32
      %scan3A_64 = arith.constant 5 : i32
      %scan3A_65 = arith.addi %scan3A_63, %scan3A_64 : i32
      %scan3A_66 = arith.constant 1 : i32
      %scan3A_67:5 = scf.for %scan3A_121 = %scan3A_63 to %scan3A_65 step %scan3A_66 iter_args(%scan3A_122 = %select_n3A_59, %scan3A_123 = %scan3A, %scan3A_124 = %scan3A_60, %scan3A_125 = %scan3A_61, %scan3A_126 = %scan3A_62) -> (i32, i32, i32, i32, i32)  : i32 {
        %eq3A_127 = arith.constant 0 : i32
        %eq3A_128 = arith.cmpi eq, %scan3A_121, %eq3A_127 : i32
        %eq3A_129 = arith.constant 4 : i32
        %eq3A_130 = arith.cmpi eq, %scan3A_121, %eq3A_129 : i32
        %add3A_131 = arith.addi %scan3A_126, %mul3A_6 : i32
        %sub3A_132 = arith.constant 1 : i32
        %sub3A_133 = arith.subi %scan3A_126, %sub3A_132 : i32
        %select_n3A_134 = arith.constant true
        %select_n3A_135 = arith.select %select_n3A_134, %sub3A_133, %scan3A_126 : i32
        %eq3A_136 = arith.constant -1 : i32
        %eq3A_137 = arith.cmpi eq, %select_n3A_135, %eq3A_136 : i32
        %select_n3A_138 = arith.constant 4 : i32
        %select_n3A_139 = arith.select %eq3A_137, %select_n3A_138, %select_n3A_135 : i32
        %add3A_140 = arith.addi %select_n3A_139, %mul3A_6 : i32
        %add3A_141 = arith.constant 1 : i32
        %add3A_142 = arith.addi %scan3A_126, %add3A_141 : i32
        %select_n3A_143 = arith.constant true
        %select_n3A_144 = arith.select %select_n3A_143, %add3A_142, %scan3A_126 : i32
        %eq3A_145 = arith.constant 5 : i32
        %eq3A_146 = arith.cmpi eq, %select_n3A_144, %eq3A_145 : i32
        %select_n3A_147 = arith.constant 0 : i32
        %select_n3A_148 = arith.select %eq3A_146, %select_n3A_147, %select_n3A_144 : i32
        %add3A_149 = arith.addi %select_n3A_148, %mul3A_6 : i32
        %add3A_150 = arith.constant 1 : i32
        %add3A_151 = arith.addi %select_n3A_148, %add3A_150 : i32
        %select_n3A_152 = arith.constant true
        %select_n3A_153 = arith.select %select_n3A_152, %add3A_151, %select_n3A_148 : i32
        %eq3A_154 = arith.constant 5 : i32
        %eq3A_155 = arith.cmpi eq, %select_n3A_153, %eq3A_154 : i32
        %select_n3A_156 = arith.constant 0 : i32
        %select_n3A_157 = arith.select %eq3A_155, %select_n3A_156, %select_n3A_153 : i32
        %add3A_158 = arith.addi %select_n3A_157, %mul3A_6 : i32
        %ne3A = arith.cmpi ne, %add3A_131, %add3A_149 : i32
        %or3A = arith.constant false
        %or3A_159 = arith.ori %or3A, %ne3A : i1
        %ge3A = arith.constant 4 : i32
        %ge3A_160 = arith.cmpi sge, %scan3A_121, %ge3A : i32
        %not3A = arith.constant true
        %not3A_161 = arith.xori %ge3A_160, %not3A : i1
        %and3A = arith.andi %or3A_159, %not3A_161 : i1
        %convert_element_type3A = arith.extui %and3A : i1 to i32
        %cond3A = arith.constant 0 : i32
        %cond3A_162 = arith.cmpi ne, %convert_element_type3A, %cond3A : i32
        scf.if %cond3A_162 {
          "tpu.trace_start"() <{level = 10 : i32, message = "ep_copy_in"}> : () -> ()
          %rem3A_264 = arith.constant 2 : i32
          %rem3A_265 = arith.remui %scan3A_122, %rem3A_264 : i32
          %mul3A_266 = arith.constant 128 : i32
          %mul3A_267 = arith.muli %mul3A_266, %add3A_149 : i32
          %dma_start3A_268 = arith.constant 0 : i32
          %dma_start3A_269 = arith.constant 0 : i32
          %dma_start3A_270 = tpu.memref_slice %run_scoped3A[%rem3A_265, %dma_start3A_268, %dma_start3A_269] : memref<2x1x128xi32, #tpu.memory_space<vmem>> -> memref<1x1x128xi32, #tpu.memory_space<vmem>>
          %dma_start3A_271 = tpu.memref_squeeze %dma_start3A_270 : memref<1x1x128xi32, #tpu.memory_space<vmem>> -> memref<1x128xi32, #tpu.memory_space<vmem>>
          %dma_start3A_272 = arith.constant 0 : i32
          %dma_start3A_273 = tpu.memref_slice %arg3[%dma_start3A_272, %mul3A_267] : memref<1x20480xi32, #tpu.memory_space<hbm>> -> memref<1x128xi32, #tpu.memory_space<hbm>>
          %dma_start3A_274 = tpu.memref_slice %run_scoped3A_7[%rem3A_265] : memref<2x!tpu.dma_semaphore, #tpu.memory_space<semaphore_mem>> -> memref<1x!tpu.dma_semaphore, #tpu.memory_space<semaphore_mem>>
          %dma_start3A_275 = tpu.memref_squeeze %dma_start3A_274 : memref<1x!tpu.dma_semaphore, #tpu.memory_space<semaphore_mem>> -> memref<!tpu.dma_semaphore, #tpu.memory_space<semaphore_mem>>
          %dma_start3A_276 = arith.constant 0 : i32
          %dma_start3A_277 = arith.constant 0 : i32
          %dma_start3A_278 = tpu.memref_slice %run_scoped3A[%rem3A_265, %dma_start3A_276, %dma_start3A_277] : memref<2x1x128xi32, #tpu.memory_space<vmem>> -> memref<1x1x128xi32, #tpu.memory_space<vmem>>
          %dma_start3A_279 = tpu.memref_squeeze %dma_start3A_278 : memref<1x1x128xi32, #tpu.memory_space<vmem>> -> memref<1x128xi32, #tpu.memory_space<vmem>>
          %dma_start3A_280 = arith.constant 0 : i32
          %dma_start3A_281 = tpu.memref_slice %arg3[%dma_start3A_280, %mul3A_267] : memref<1x20480xi32, #tpu.memory_space<hbm>> -> memref<1x128xi32, #tpu.memory_space<hbm>>
          tpu.enqueue_dma source(%dma_start3A_281 : memref<1x128xi32, #tpu.memory_space<hbm>>) target(%dma_start3A_279 : memref<1x128xi32, #tpu.memory_space<vmem>>) target_semaphore(%dma_start3A_275 : memref<!tpu.dma_semaphore, #tpu.memory_space<semaphore_mem>>)
          "tpu.trace_stop"() : () -> ()
        } else {
        }
        %and3A_163 = arith.constant true
        %and3A_164 = arith.andi %and3A, %and3A_163 : i1
        %add3A_165 = arith.constant 1 : i32
        %add3A_166 = arith.addi %scan3A_122, %add3A_165 : i32
        %select_n3A_167 = arith.select %and3A_164, %add3A_166, %scan3A_122 : i32
        %ne3A_168 = arith.cmpi ne, %add3A_131, %add3A_149 : i32
        %or3A_169 = arith.constant false
        %or3A_170 = arith.ori %or3A_169, %ne3A_168 : i1
        %or3A_171 = arith.constant false
        %or3A_172 = arith.ori %or3A_170, %or3A_171 : i1
        %ge3A_173 = arith.constant 4 : i32
        %ge3A_174 = arith.cmpi sge, %scan3A_121, %ge3A_173 : i32
        %not3A_175 = arith.constant true
        %not3A_176 = arith.xori %ge3A_174, %not3A_175 : i1
        %and3A_177 = arith.andi %or3A_172, %not3A_176 : i1
        %ne3A_178 = arith.cmpi ne, %add3A_131, %add3A_140 : i32
        %or3A_179 = arith.constant false
        %or3A_180 = arith.ori %or3A_179, %ne3A_178 : i1
        %or3A_181 = arith.ori %or3A_180, %eq3A_128 : i1
        %convert_element_type3A_182 = arith.extui %or3A_181 : i1 to i32
        %cond3A_183 = arith.constant 0 : i32
        %cond3A_184 = arith.cmpi ne, %convert_element_type3A_182, %cond3A_183 : i32
        scf.if %cond3A_184 {
          "tpu.trace_start"() <{level = 10 : i32, message = "ep_wait_in"}> : () -> ()
          %mul3A_264 = arith.constant 128 : i32
          %mul3A_265 = arith.muli %mul3A_264, %add3A_131 : i32
          %rem3A_266 = arith.constant 2 : i32
          %rem3A_267 = arith.remui %scan3A_123, %rem3A_266 : i32
          %dma_wait3A_268 = arith.constant 0 : i32
          %dma_wait3A_269 = arith.constant 0 : i32
          %dma_wait3A_270 = tpu.memref_slice %run_scoped3A[%rem3A_267, %dma_wait3A_268, %dma_wait3A_269] : memref<2x1x128xi32, #tpu.memory_space<vmem>> -> memref<1x1x128xi32, #tpu.memory_space<vmem>>
          %dma_wait3A_271 = tpu.memref_squeeze %dma_wait3A_270 : memref<1x1x128xi32, #tpu.memory_space<vmem>> -> memref<1x128xi32, #tpu.memory_space<vmem>>
          %dma_wait3A_272 = arith.constant 0 : i32
          %dma_wait3A_273 = tpu.memref_slice %arg3[%dma_wait3A_272, %mul3A_265] : memref<1x20480xi32, #tpu.memory_space<hbm>> -> memref<1x128xi32, #tpu.memory_space<hbm>>
          %dma_wait3A_274 = tpu.memref_slice %run_scoped3A_7[%rem3A_267] : memref<2x!tpu.dma_semaphore, #tpu.memory_space<semaphore_mem>> -> memref<1x!tpu.dma_semaphore, #tpu.memory_space<semaphore_mem>>
          %dma_wait3A_275 = tpu.memref_squeeze %dma_wait3A_274 : memref<1x!tpu.dma_semaphore, #tpu.memory_space<semaphore_mem>> -> memref<!tpu.dma_semaphore, #tpu.memory_space<semaphore_mem>>
          %dma_wait3A_276 = arith.constant 0 : i32
          %dma_wait3A_277 = arith.constant 0 : i32
          %dma_wait3A_278 = tpu.memref_slice %run_scoped3A[%rem3A_267, %dma_wait3A_276, %dma_wait3A_277] : memref<2x1x128xi32, #tpu.memory_space<vmem>> -> memref<1x1x128xi32, #tpu.memory_space<vmem>>
          %dma_wait3A_279 = tpu.memref_squeeze %dma_wait3A_278 : memref<1x1x128xi32, #tpu.memory_space<vmem>> -> memref<1x128xi32, #tpu.memory_space<vmem>>
          %dma_wait3A_280 = arith.constant 0 : i32
          %dma_wait3A_281 = tpu.memref_slice %arg3[%dma_wait3A_280, %mul3A_265] : memref<1x20480xi32, #tpu.memory_space<hbm>> -> memref<1x128xi32, #tpu.memory_space<hbm>>
          tpu.wait_dma2 semaphore(%dma_wait3A_275 : memref<!tpu.dma_semaphore, #tpu.memory_space<semaphore_mem>>) src(%dma_wait3A_281 : memref<1x128xi32, #tpu.memory_space<hbm>>) dst(%dma_wait3A_279 : memref<1x128xi32, #tpu.memory_space<vmem>>)
          "tpu.trace_stop"() : () -> ()
        } else {
        }
        %ne3A_185 = arith.cmpi ne, %add3A_131, %add3A_140 : i32
        %or3A_186 = arith.constant false
        %or3A_187 = arith.ori %or3A_186, %ne3A_185 : i1
        %or3A_188 = arith.constant false
        %or3A_189 = arith.ori %or3A_187, %or3A_188 : i1
        %or3A_190 = arith.ori %or3A_189, %eq3A_128 : i1
        %convert_element_type3A_191 = arith.extui %or3A_190 : i1 to i32
        %cond3A_192 = arith.constant 0 : i32
        %cond3A_193 = arith.cmpi ne, %convert_element_type3A_191, %cond3A_192 : i32
        scf.if %cond3A_193 {
        } else {
        }
        %rem3A_194 = arith.constant 2 : i32
        %rem3A_195 = arith.remui %scan3A_123, %rem3A_194 : i32
        %rem3A_196 = arith.constant 2 : i32
        %rem3A_197 = arith.remui %scan3A_124, %rem3A_196 : i32
        %run_scoped3A_198 = arith.constant 0 : i32
        "tpu.trace_start"() <{level = 10 : i32, message = "ep_run_kernel"}> : () -> ()
        "tpu.region"() ({
          %run_scoped3A_264 = tpu.sem_alloc : memref<!tpu.dma_semaphore, #tpu.memory_space<semaphore_mem>>
          %dma_start3A_265 = arith.constant 0 : i32
          %dma_start3A_266 = arith.constant 0 : i32
          %dma_start3A_267 = tpu.memref_slice %run_scoped3A_8[%rem3A_197, %dma_start3A_265, %dma_start3A_266] : memref<2x128x256xf32, #tpu.memory_space<vmem>> -> memref<1x128x256xf32, #tpu.memory_space<vmem>>
          %dma_start3A_268 = tpu.memref_squeeze %dma_start3A_267 : memref<1x128x256xf32, #tpu.memory_space<vmem>> -> memref<128x256xf32, #tpu.memory_space<vmem>>
          %dma_start3A_269 = arith.constant 0 : i32
          %dma_start3A_270 = arith.constant 0 : i32
          %dma_start3A_271 = tpu.memref_slice %run_scoped3A[%rem3A_195, %dma_start3A_269, %dma_start3A_270] : memref<2x1x128xi32, #tpu.memory_space<vmem>> -> memref<1x1x128xi32, #tpu.memory_space<vmem>>
          %dma_start3A_272 = tpu.memref_squeeze %dma_start3A_271 : memref<1x1x128xi32, #tpu.memory_space<vmem>> -> memref<1x128xi32, #tpu.memory_space<vmem>>
          %dma_start3A_273 = arith.constant 0 : i32
          %dma_start3A_274 = tpu.memref_slice %dma_start3A_272[%run_scoped3A_198, %dma_start3A_273] : memref<1x128xi32, #tpu.memory_space<vmem>> -> memref<1x128xi32, #tpu.memory_space<vmem>>
          %dma_start3A_275 = tpu.memref_squeeze %dma_start3A_274 : memref<1x128xi32, #tpu.memory_space<vmem>> -> memref<128xi32, #tpu.memory_space<vmem>>
          %dma_start3A_276 = arith.constant 0 : i32
          %dma_start3A_277 = arith.constant 0 : i32
          %dma_start3A_278 = tpu.memref_slice %arg2[%dma_start3A_276, %dma_start3A_277] : memref<8192x256xf32, #tpu.memory_space<hbm>> -> memref<8192x256xf32, #tpu.memory_space<hbm>>
          tpu.enqueue_indirect_dma source(%dma_start3A_278 : memref<8192x256xf32, #tpu.memory_space<hbm>>) target(%dma_start3A_268 : memref<128x256xf32, #tpu.memory_space<vmem>>) offsets(%dma_start3A_275 : memref<128xi32, #tpu.memory_space<vmem>>) semaphore(%run_scoped3A_264 : memref<!tpu.dma_semaphore, #tpu.memory_space<semaphore_mem>>)
          %dma_wait3A_279 = arith.constant 0 : i32
          %dma_wait3A_280 = arith.constant 0 : i32
          %dma_wait3A_281 = tpu.memref_slice %run_scoped3A_8[%rem3A_197, %dma_wait3A_279, %dma_wait3A_280] : memref<2x128x256xf32, #tpu.memory_space<vmem>> -> memref<1x128x256xf32, #tpu.memory_space<vmem>>
          %dma_wait3A_282 = tpu.memref_squeeze %dma_wait3A_281 : memref<1x128x256xf32, #tpu.memory_space<vmem>> -> memref<128x256xf32, #tpu.memory_space<vmem>>
          %dma_wait3A_283 = arith.constant 0 : i32
          %dma_wait3A_284 = arith.constant 0 : i32
          %dma_wait3A_285 = tpu.memref_slice %run_scoped3A[%rem3A_195, %dma_wait3A_283, %dma_wait3A_284] : memref<2x1x128xi32, #tpu.memory_space<vmem>> -> memref<1x1x128xi32, #tpu.memory_space<vmem>>
          %dma_wait3A_286 = tpu.memref_squeeze %dma_wait3A_285 : memref<1x1x128xi32, #tpu.memory_space<vmem>> -> memref<1x128xi32, #tpu.memory_space<vmem>>
          %dma_wait3A_287 = arith.constant 0 : i32
          %dma_wait3A_288 = tpu.memref_slice %dma_wait3A_286[%run_scoped3A_198, %dma_wait3A_287] : memref<1x128xi32, #tpu.memory_space<vmem>> -> memref<1x128xi32, #tpu.memory_space<vmem>>
          %dma_wait3A_289 = tpu.memref_squeeze %dma_wait3A_288 : memref<1x128xi32, #tpu.memory_space<vmem>> -> memref<128xi32, #tpu.memory_space<vmem>>
          %dma_wait3A_290 = arith.constant 0 : i32
          %dma_wait3A_291 = arith.constant 0 : i32
          %dma_wait3A_292 = tpu.memref_slice %arg2[%dma_wait3A_290, %dma_wait3A_291] : memref<8192x256xf32, #tpu.memory_space<hbm>> -> memref<8192x256xf32, #tpu.memory_space<hbm>>
          tpu.wait_indirect_dma semaphore(%run_scoped3A_264 : memref<!tpu.dma_semaphore, #tpu.memory_space<semaphore_mem>>) src(%dma_wait3A_292 : memref<8192x256xf32, #tpu.memory_space<hbm>>) dst(%dma_wait3A_282 : memref<128x256xf32, #tpu.memory_space<vmem>>)
          tpu.yield
        }) : () -> ()
        "tpu.trace_stop"() : () -> ()
        %ne3A_199 = arith.cmpi ne, %add3A_131, %add3A_149 : i32
        %or3A_200 = arith.constant false
        %or3A_201 = arith.ori %or3A_200, %ne3A_199 : i1
        %or3A_202 = arith.ori %or3A_201, %eq3A_130 : i1
        %convert_element_type3A_203 = arith.extui %or3A_202 : i1 to i32
        %cond3A_204 = arith.constant 0 : i32
        %cond3A_205 = arith.cmpi ne, %convert_element_type3A_203, %cond3A_204 : i32
        scf.if %cond3A_205 {
        } else {
        }
        %and3A_206 = arith.constant false
        %and3A_207 = arith.andi %or3A_202, %and3A_206 : i1
        %ne3A_208 = arith.cmpi ne, %add3A_131, %add3A_149 : i32
        %or3A_209 = arith.constant false
        %or3A_210 = arith.ori %or3A_209, %ne3A_208 : i1
        %or3A_211 = arith.constant false
        %or3A_212 = arith.ori %or3A_210, %or3A_211 : i1
        %or3A_213 = arith.ori %or3A_212, %eq3A_130 : i1
        %convert_element_type3A_214 = arith.extui %or3A_213 : i1 to i32
        %cond3A_215 = arith.constant 0 : i32
        %cond3A_216 = arith.cmpi ne, %convert_element_type3A_214, %cond3A_215 : i32
        scf.if %cond3A_216 {
          "tpu.trace_start"() <{level = 10 : i32, message = "ep_copy_out"}> : () -> ()
          %rem3A_264 = arith.constant 2 : i32
          %rem3A_265 = arith.remui %scan3A_124, %rem3A_264 : i32
          %mul3A_266 = arith.constant 128 : i32
          %mul3A_267 = arith.muli %mul3A_266, %add3A_131 : i32
          %dma_start3A_268 = arith.constant 0 : i32
          %dma_start3A_269 = arith.constant 0 : i32
          %dma_start3A_270 = tpu.memref_slice %run_scoped3A_8[%rem3A_265, %dma_start3A_268, %dma_start3A_269] : memref<2x128x256xf32, #tpu.memory_space<vmem>> -> memref<1x128x256xf32, #tpu.memory_space<vmem>>
          %dma_start3A_271 = tpu.memref_squeeze %dma_start3A_270 : memref<1x128x256xf32, #tpu.memory_space<vmem>> -> memref<128x256xf32, #tpu.memory_space<vmem>>
          %dma_start3A_272 = arith.constant 0 : i32
          %dma_start3A_273 = tpu.memref_slice %arg4[%mul3A_267, %dma_start3A_272] : memref<20480x256xf32, #tpu.memory_space<hbm>> -> memref<128x256xf32, #tpu.memory_space<hbm>>
          %dma_start3A_274 = tpu.memref_slice %run_scoped3A_9[%rem3A_265] : memref<2x!tpu.dma_semaphore, #tpu.memory_space<semaphore_mem>> -> memref<1x!tpu.dma_semaphore, #tpu.memory_space<semaphore_mem>>
          %dma_start3A_275 = tpu.memref_squeeze %dma_start3A_274 : memref<1x!tpu.dma_semaphore, #tpu.memory_space<semaphore_mem>> -> memref<!tpu.dma_semaphore, #tpu.memory_space<semaphore_mem>>
          %dma_start3A_276 = arith.constant 0 : i32
          %dma_start3A_277 = tpu.memref_slice %arg4[%mul3A_267, %dma_start3A_276] : memref<20480x256xf32, #tpu.memory_space<hbm>> -> memref<128x256xf32, #tpu.memory_space<hbm>>
          %dma_start3A_278 = arith.constant 0 : i32
          %dma_start3A_279 = arith.constant 0 : i32
          %dma_start3A_280 = tpu.memref_slice %run_scoped3A_8[%rem3A_265, %dma_start3A_278, %dma_start3A_279] : memref<2x128x256xf32, #tpu.memory_space<vmem>> -> memref<1x128x256xf32, #tpu.memory_space<vmem>>
          %dma_start3A_281 = tpu.memref_squeeze %dma_start3A_280 : memref<1x128x256xf32, #tpu.memory_space<vmem>> -> memref<128x256xf32, #tpu.memory_space<vmem>>
          tpu.enqueue_dma source(%dma_start3A_281 : memref<128x256xf32, #tpu.memory_space<vmem>>) target(%dma_start3A_277 : memref<128x256xf32, #tpu.memory_space<hbm>>) target_semaphore(%dma_start3A_275 : memref<!tpu.dma_semaphore, #tpu.memory_space<semaphore_mem>>)
          "tpu.trace_stop"() : () -> ()
        } else {
        }
        %and3A_217 = arith.constant true
        %and3A_218 = arith.andi %or3A_213, %and3A_217 : i1
        %add3A_219 = arith.constant 1 : i32
        %add3A_220 = arith.addi %scan3A_124, %add3A_219 : i32
        %select_n3A_221 = arith.select %and3A_218, %add3A_220, %scan3A_124 : i32
        %ne3A_222 = arith.cmpi ne, %add3A_131, %add3A_140 : i32
        %or3A_223 = arith.constant false
        %or3A_224 = arith.ori %or3A_223, %ne3A_222 : i1
        %not3A_225 = arith.constant true
        %not3A_226 = arith.xori %eq3A_128, %not3A_225 : i1
        %and3A_227 = arith.andi %or3A_224, %not3A_226 : i1
        %convert_element_type3A_228 = arith.extui %and3A_227 : i1 to i32
        %cond3A_229 = arith.constant 0 : i32
        %cond3A_230 = arith.cmpi ne, %convert_element_type3A_228, %cond3A_229 : i32
        scf.if %cond3A_230 {
        } else {
        }
        %and3A_231 = arith.constant false
        %and3A_232 = arith.andi %and3A_227, %and3A_231 : i1
        %ne3A_233 = arith.cmpi ne, %add3A_131, %add3A_140 : i32
        %or3A_234 = arith.constant false
        %or3A_235 = arith.ori %or3A_234, %ne3A_233 : i1
        %or3A_236 = arith.constant false
        %or3A_237 = arith.ori %or3A_235, %or3A_236 : i1
        %not3A_238 = arith.constant true
        %not3A_239 = arith.xori %eq3A_128, %not3A_238 : i1
        %and3A_240 = arith.andi %or3A_237, %not3A_239 : i1
        %convert_element_type3A_241 = arith.extui %and3A_240 : i1 to i32
        %cond3A_242 = arith.constant 0 : i32
        %cond3A_243 = arith.cmpi ne, %convert_element_type3A_241, %cond3A_242 : i32
        scf.if %cond3A_243 {
          "tpu.trace_start"() <{level = 10 : i32, message = "ep_wait_out"}> : () -> ()
          %rem3A_264 = arith.constant 2 : i32
          %rem3A_265 = arith.remui %scan3A_125, %rem3A_264 : i32
          %mul3A_266 = arith.constant 128 : i32
          %mul3A_267 = arith.muli %mul3A_266, %add3A_140 : i32
          %dma_wait3A_268 = arith.constant 0 : i32
          %dma_wait3A_269 = arith.constant 0 : i32
          %dma_wait3A_270 = tpu.memref_slice %run_scoped3A_8[%rem3A_265, %dma_wait3A_268, %dma_wait3A_269] : memref<2x128x256xf32, #tpu.memory_space<vmem>> -> memref<1x128x256xf32, #tpu.memory_space<vmem>>
          %dma_wait3A_271 = tpu.memref_squeeze %dma_wait3A_270 : memref<1x128x256xf32, #tpu.memory_space<vmem>> -> memref<128x256xf32, #tpu.memory_space<vmem>>
          %dma_wait3A_272 = arith.constant 0 : i32
          %dma_wait3A_273 = tpu.memref_slice %arg4[%mul3A_267, %dma_wait3A_272] : memref<20480x256xf32, #tpu.memory_space<hbm>> -> memref<128x256xf32, #tpu.memory_space<hbm>>
          %dma_wait3A_274 = tpu.memref_slice %run_scoped3A_9[%rem3A_265] : memref<2x!tpu.dma_semaphore, #tpu.memory_space<semaphore_mem>> -> memref<1x!tpu.dma_semaphore, #tpu.memory_space<semaphore_mem>>
          %dma_wait3A_275 = tpu.memref_squeeze %dma_wait3A_274 : memref<1x!tpu.dma_semaphore, #tpu.memory_space<semaphore_mem>> -> memref<!tpu.dma_semaphore, #tpu.memory_space<semaphore_mem>>
          %dma_wait3A_276 = arith.constant 0 : i32
          %dma_wait3A_277 = tpu.memref_slice %arg4[%mul3A_267, %dma_wait3A_276] : memref<20480x256xf32, #tpu.memory_space<hbm>> -> memref<128x256xf32, #tpu.memory_space<hbm>>
          %dma_wait3A_278 = arith.constant 0 : i32
          %dma_wait3A_279 = arith.constant 0 : i32
          %dma_wait3A_280 = tpu.memref_slice %run_scoped3A_8[%rem3A_265, %dma_wait3A_278, %dma_wait3A_279] : memref<2x128x256xf32, #tpu.memory_space<vmem>> -> memref<1x128x256xf32, #tpu.memory_space<vmem>>
          %dma_wait3A_281 = tpu.memref_squeeze %dma_wait3A_280 : memref<1x128x256xf32, #tpu.memory_space<vmem>> -> memref<128x256xf32, #tpu.memory_space<vmem>>
          tpu.wait_dma2 semaphore(%dma_wait3A_275 : memref<!tpu.dma_semaphore, #tpu.memory_space<semaphore_mem>>) src(%dma_wait3A_281 : memref<128x256xf32, #tpu.memory_space<vmem>>) dst(%dma_wait3A_277 : memref<128x256xf32, #tpu.memory_space<hbm>>)
          "tpu.trace_stop"() : () -> ()
        } else {
        }
        %and3A_244 = arith.constant true
        %and3A_245 = arith.andi %and3A_240, %and3A_244 : i1
        %add3A_246 = arith.constant 1 : i32
        %add3A_247 = arith.addi %scan3A_125, %add3A_246 : i32
        %select_n3A_248 = arith.select %and3A_245, %add3A_247, %scan3A_125 : i32
        %ne3A_249 = arith.cmpi ne, %add3A_131, %add3A_149 : i32
        %or3A_250 = arith.constant false
        %or3A_251 = arith.ori %or3A_250, %ne3A_249 : i1
        %or3A_252 = arith.ori %or3A_251, %eq3A_130 : i1
        %add3A_253 = arith.constant 1 : i32
        %add3A_254 = arith.addi %scan3A_123, %add3A_253 : i32
        %select_n3A_255 = arith.select %or3A_252, %add3A_254, %scan3A_123 : i32
        %add3A_256 = arith.constant 1 : i32
        %add3A_257 = arith.addi %scan3A_126, %add3A_256 : i32
        %select_n3A_258 = arith.constant true
        %select_n3A_259 = arith.select %select_n3A_258, %add3A_257, %scan3A_126 : i32
        %eq3A_260 = arith.constant 5 : i32
        %eq3A_261 = arith.cmpi eq, %select_n3A_259, %eq3A_260 : i32
        %select_n3A_262 = arith.constant 0 : i32
        %select_n3A_263 = arith.select %eq3A_261, %select_n3A_262, %select_n3A_259 : i32
        scf.yield %select_n3A_167, %select_n3A_255, %select_n3A_221, %select_n3A_248, %select_n3A_263 : i32, i32, i32, i32, i32
      }
      %scan3A_68 = arith.constant 5 : i32
      %sub3A = arith.constant 1 : i32
      %sub3A_69 = arith.subi %scan3A_67#4, %sub3A : i32
      %select_n3A_70 = arith.constant true
      %select_n3A_71 = arith.select %select_n3A_70, %sub3A_69, %scan3A_67#4 : i32
      %eq3A_72 = arith.constant -1 : i32
      %eq3A_73 = arith.cmpi eq, %select_n3A_71, %eq3A_72 : i32
      %select_n3A_74 = arith.constant 4 : i32
      %select_n3A_75 = arith.select %eq3A_73, %select_n3A_74, %select_n3A_71 : i32
      %add3A_76 = arith.addi %select_n3A_75, %mul3A_6 : i32
      %sub3A_77 = arith.constant 1 : i32
      %sub3A_78 = arith.subi %select_n3A_75, %sub3A_77 : i32
      %select_n3A_79 = arith.constant true
      %select_n3A_80 = arith.select %select_n3A_79, %sub3A_78, %select_n3A_75 : i32
      %eq3A_81 = arith.constant -1 : i32
      %eq3A_82 = arith.cmpi eq, %select_n3A_80, %eq3A_81 : i32
      %select_n3A_83 = arith.constant 4 : i32
      %select_n3A_84 = arith.select %eq3A_82, %select_n3A_83, %select_n3A_80 : i32
      %add3A_85 = arith.addi %select_n3A_84, %mul3A_6 : i32
      %add3A_86 = arith.constant 1 : i32
      %add3A_87 = arith.addi %select_n3A_75, %add3A_86 : i32
      %select_n3A_88 = arith.constant true
      %select_n3A_89 = arith.select %select_n3A_88, %add3A_87, %select_n3A_75 : i32
      %eq3A_90 = arith.constant 5 : i32
      %eq3A_91 = arith.cmpi eq, %select_n3A_89, %eq3A_90 : i32
      %select_n3A_92 = arith.constant 0 : i32
      %select_n3A_93 = arith.select %eq3A_91, %select_n3A_92, %select_n3A_89 : i32
      %add3A_94 = arith.addi %select_n3A_93, %mul3A_6 : i32
      %add3A_95 = arith.constant 1 : i32
      %add3A_96 = arith.addi %select_n3A_93, %add3A_95 : i32
      %select_n3A_97 = arith.constant true
      %select_n3A_98 = arith.select %select_n3A_97, %add3A_96, %select_n3A_93 : i32
      %eq3A_99 = arith.constant 5 : i32
      %eq3A_100 = arith.cmpi eq, %select_n3A_98, %eq3A_99 : i32
      %select_n3A_101 = arith.constant 0 : i32
      %select_n3A_102 = arith.select %eq3A_100, %select_n3A_101, %select_n3A_98 : i32
      %add3A_103 = arith.addi %select_n3A_102, %mul3A_6 : i32
      "tpu.trace_start"() <{level = 10 : i32, message = "ep_finalize"}> : () -> ()
      %rem3A_104 = arith.constant 2 : i32
      %rem3A_105 = arith.remui %scan3A_67#3, %rem3A_104 : i32
      %mul3A_106 = arith.constant 128 : i32
      %mul3A_107 = arith.muli %mul3A_106, %add3A_76 : i32
      %dma_wait3A = arith.constant 0 : i32
      %dma_wait3A_108 = arith.constant 0 : i32
      %dma_wait3A_109 = tpu.memref_slice %run_scoped3A_8[%rem3A_105, %dma_wait3A, %dma_wait3A_108] : memref<2x128x256xf32, #tpu.memory_space<vmem>> -> memref<1x128x256xf32, #tpu.memory_space<vmem>>
      %dma_wait3A_110 = tpu.memref_squeeze %dma_wait3A_109 : memref<1x128x256xf32, #tpu.memory_space<vmem>> -> memref<128x256xf32, #tpu.memory_space<vmem>>
      %dma_wait3A_111 = arith.constant 0 : i32
      %dma_wait3A_112 = tpu.memref_slice %arg4[%mul3A_107, %dma_wait3A_111] : memref<20480x256xf32, #tpu.memory_space<hbm>> -> memref<128x256xf32, #tpu.memory_space<hbm>>
      %dma_wait3A_113 = tpu.memref_slice %run_scoped3A_9[%rem3A_105] : memref<2x!tpu.dma_semaphore, #tpu.memory_space<semaphore_mem>> -> memref<1x!tpu.dma_semaphore, #tpu.memory_space<semaphore_mem>>
      %dma_wait3A_114 = tpu.memref_squeeze %dma_wait3A_113 : memref<1x!tpu.dma_semaphore, #tpu.memory_space<semaphore_mem>> -> memref<!tpu.dma_semaphore, #tpu.memory_space<semaphore_mem>>
      %dma_wait3A_115 = arith.constant 0 : i32
      %dma_wait3A_116 = tpu.memref_slice %arg4[%mul3A_107, %dma_wait3A_115] : memref<20480x256xf32, #tpu.memory_space<hbm>> -> memref<128x256xf32, #tpu.memory_space<hbm>>
      %dma_wait3A_117 = arith.constant 0 : i32
      %dma_wait3A_118 = arith.constant 0 : i32
      %dma_wait3A_119 = tpu.memref_slice %run_scoped3A_8[%rem3A_105, %dma_wait3A_117, %dma_wait3A_118] : memref<2x128x256xf32, #tpu.memory_space<vmem>> -> memref<1x128x256xf32, #tpu.memory_space<vmem>>
      %dma_wait3A_120 = tpu.memref_squeeze %dma_wait3A_119 : memref<1x128x256xf32, #tpu.memory_space<vmem>> -> memref<128x256xf32, #tpu.memory_space<vmem>>
      tpu.wait_dma2 semaphore(%dma_wait3A_114 : memref<!tpu.dma_semaphore, #tpu.memory_space<semaphore_mem>>) src(%dma_wait3A_120 : memref<128x256xf32, #tpu.memory_space<vmem>>) dst(%dma_wait3A_116 : memref<128x256xf32, #tpu.memory_space<hbm>>)
      "tpu.trace_stop"() : () -> ()
      tpu.yield
    }) : () -> ()
    return
  }
}

#map = affine_map<(d0, d1) -> (0)>
module attributes {stable_mosaic.version = 14 : i64} {
  func.func @_sc_invert_body(%arg0: i32, %arg1: i32, %arg2: memref<4096xi32, #tpu.memory_space<hbm>>, %arg3: memref<4096xf32, #tpu.memory_space<hbm>>, %arg4: memref<5120xi32, #tpu.memory_space<hbm>>, %arg5: memref<5120xf32, #tpu.memory_space<hbm>>, %arg6: memref<4096xi32, #tpu.memory_space<vmem>>, %arg7: memref<4096xf32, #tpu.memory_space<vmem>>, %arg8: memref<5120xi32, #tpu.memory_space<vmem>>, %arg9: memref<5120xf32, #tpu.memory_space<vmem>>) attributes {dimension_semantics = [#tpu.dimension_semantics<core_parallel>, #tpu.dimension_semantics<subcore_parallel>], iteration_bounds = array<i64: 2, 16>, scalar_prefetch = 0 : i64, scratch_operands = 4 : i64, tpu.core_type = #tpu.core_type<sc_vector_subcore>, window_params = [{transform_indices = #map}, {transform_indices = #map}, {transform_indices = #map}, {transform_indices = #map}]} {
    %mul3A = arith.constant 2 : i32
    %mul3A_0 = arith.muli %arg1, %mul3A : i32
    %add3A = arith.addi %mul3A_0, %arg0 : i32
    %eq3A = arith.constant 0 : i32
    %eq3A_1 = arith.cmpi eq, %add3A, %eq3A : i32
    %convert_element_type3A = arith.extui %eq3A_1 : i1 to i32
    %cond3A = arith.constant 0 : i32
    %cond3A_2 = arith.cmpi ne, %convert_element_type3A, %cond3A : i32
    scf.if %cond3A_2 {
      "tpu.region"() ({
        %run_scoped3A = tpu.sem_alloc : memref<!tpu.dma_semaphore, #tpu.memory_space<semaphore_mem>>
        tpu.enqueue_dma source(%arg2 : memref<4096xi32, #tpu.memory_space<hbm>>) target(%arg6 : memref<4096xi32, #tpu.memory_space<vmem>>) target_semaphore(%run_scoped3A : memref<!tpu.dma_semaphore, #tpu.memory_space<semaphore_mem>>)
        tpu.wait_dma2 semaphore(%run_scoped3A : memref<!tpu.dma_semaphore, #tpu.memory_space<semaphore_mem>>) src(%arg2 : memref<4096xi32, #tpu.memory_space<hbm>>) dst(%arg6 : memref<4096xi32, #tpu.memory_space<vmem>>)
        tpu.yield
      }) : () -> ()
      "tpu.region"() ({
        %run_scoped3A = tpu.sem_alloc : memref<!tpu.dma_semaphore, #tpu.memory_space<semaphore_mem>>
        tpu.enqueue_dma source(%arg3 : memref<4096xf32, #tpu.memory_space<hbm>>) target(%arg7 : memref<4096xf32, #tpu.memory_space<vmem>>) target_semaphore(%run_scoped3A : memref<!tpu.dma_semaphore, #tpu.memory_space<semaphore_mem>>)
        tpu.wait_dma2 semaphore(%run_scoped3A : memref<!tpu.dma_semaphore, #tpu.memory_space<semaphore_mem>>) src(%arg3 : memref<4096xf32, #tpu.memory_space<hbm>>) dst(%arg7 : memref<4096xf32, #tpu.memory_space<vmem>>)
        tpu.yield
      }) : () -> ()
      %broadcast_in_dim3A = arith.constant 0 : i32
      %broadcast_in_dim3A_3 = vector.broadcast %broadcast_in_dim3A : i32 to vector<16xi32>
      %broadcast_in_dim3A_4 = arith.constant 0.000000e+00 : f32
      %broadcast_in_dim3A_5 = vector.broadcast %broadcast_in_dim3A_4 : f32 to vector<16xf32>
      %scan3A = arith.constant 0 : i32
      %scan3A_6 = arith.constant 320 : i32
      %scan3A_7 = arith.addi %scan3A, %scan3A_6 : i32
      %scan3A_8 = arith.constant 1 : i32
      scf.for %scan3A_15 = %scan3A to %scan3A_7 step %scan3A_8  : i32 {
        %mul3A_16 = arith.constant 16 : i32
        %mul3A_17 = arith.muli %scan3A_15, %mul3A_16 : i32
        %add3A_18 = arith.constant 0 : i32
        %add3A_19 = arith.addi %add3A_18, %mul3A_17 : i32
        %swap3A = arith.index_cast %add3A_19 : i32 to index
        %swap3A_20 = tpu.vector_load %arg8[%swap3A] {strides = array<i32>} : memref<5120xi32, #tpu.memory_space<vmem>>, vector<16xi32>,
        tpu.vector_store %arg8[%swap3A], %broadcast_in_dim3A_3 {strides = array<i32>} : memref<5120xi32, #tpu.memory_space<vmem>>, vector<16xi32>,
        %swap3A_21 = arith.index_cast %add3A_19 : i32 to index
        %swap3A_22 = tpu.vector_load %arg9[%swap3A_21] {strides = array<i32>} : memref<5120xf32, #tpu.memory_space<vmem>>, vector<16xf32>,
        tpu.vector_store %arg9[%swap3A_21], %broadcast_in_dim3A_5 {strides = array<i32>} : memref<5120xf32, #tpu.memory_space<vmem>>, vector<16xf32>,
      }
      %scan3A_9 = arith.constant 320 : i32
      %scan3A_10 = arith.constant 0 : i32
      %scan3A_11 = arith.constant 256 : i32
      %scan3A_12 = arith.addi %scan3A_10, %scan3A_11 : i32
      %scan3A_13 = arith.constant 1 : i32
      scf.for %scan3A_15 = %scan3A_10 to %scan3A_12 step %scan3A_13  : i32 {
        %mul3A_16 = arith.constant 16 : i32
        %mul3A_17 = arith.muli %scan3A_15, %mul3A_16 : i32
        %add3A_18 = arith.constant 0 : i32
        %add3A_19 = arith.addi %add3A_18, %mul3A_17 : i32
        %get3A = arith.index_cast %add3A_19 : i32 to index
        %get3A_20 = tpu.vector_load %arg6[%get3A] {strides = array<i32>} : memref<4096xi32, #tpu.memory_space<vmem>>, vector<16xi32>,
        %iota3A = tpu.iota {dimensions = array<i32: 0>} : vector<16xi32>
        %add3A_21 = vector.broadcast %add3A_19 : i32 to vector<16xi32>
        %add3A_22 = arith.addi %add3A_21, %iota3A : vector<16xi32>
        %shift_right_logical3A = arith.constant 1 : i32
        %shift_right_logical3A_23 = vector.broadcast %shift_right_logical3A : i32 to vector<16xi32>
        %shift_right_logical3A_24 = arith.shrui %add3A_22, %shift_right_logical3A_23 : vector<16xi32>
        tpu.vector_store_idx %arg8[%get3A_20], %shift_right_logical3A_24 : memref<5120xi32, #tpu.memory_space<vmem>>[vector<16xi32>], vector<16xi32>,
        %get3A_25 = arith.index_cast %add3A_19 : i32 to index
        %get3A_26 = tpu.vector_load %arg7[%get3A_25] {strides = array<i32>} : memref<4096xf32, #tpu.memory_space<vmem>>, vector<16xf32>,
        tpu.vector_store_idx %arg9[%get3A_20], %get3A_26 : memref<5120xf32, #tpu.memory_space<vmem>>[vector<16xi32>], vector<16xf32>,
      }
      %scan3A_14 = arith.constant 256 : i32
      "tpu.region"() ({
        %run_scoped3A = tpu.sem_alloc : memref<!tpu.dma_semaphore, #tpu.memory_space<semaphore_mem>>
        tpu.enqueue_dma source(%arg8 : memref<5120xi32, #tpu.memory_space<vmem>>) target(%arg4 : memref<5120xi32, #tpu.memory_space<hbm>>) target_semaphore(%run_scoped3A : memref<!tpu.dma_semaphore, #tpu.memory_space<semaphore_mem>>)
        tpu.wait_dma2 semaphore(%run_scoped3A : memref<!tpu.dma_semaphore, #tpu.memory_space<semaphore_mem>>) src(%arg8 : memref<5120xi32, #tpu.memory_space<vmem>>) dst(%arg4 : memref<5120xi32, #tpu.memory_space<hbm>>)
        tpu.yield
      }) : () -> ()
      "tpu.region"() ({
        %run_scoped3A = tpu.sem_alloc : memref<!tpu.dma_semaphore, #tpu.memory_space<semaphore_mem>>
        tpu.enqueue_dma source(%arg9 : memref<5120xf32, #tpu.memory_space<vmem>>) target(%arg5 : memref<5120xf32, #tpu.memory_space<hbm>>) target_semaphore(%run_scoped3A : memref<!tpu.dma_semaphore, #tpu.memory_space<semaphore_mem>>)
        tpu.wait_dma2 semaphore(%run_scoped3A : memref<!tpu.dma_semaphore, #tpu.memory_space<semaphore_mem>>) src(%arg9 : memref<5120xf32, #tpu.memory_space<vmem>>) dst(%arg5 : memref<5120xf32, #tpu.memory_space<hbm>>)
        tpu.yield
      }) : () -> ()
    } else {
    }
    return
  }
}

module attributes {stable_mosaic.version = 14 : i64} {
  func.func @_ffn_kernel(%arg0: i32, %arg1: memref<40xi32, #tpu.memory_space<smem>>, %arg2: memref<128x1024xf32, #tpu.memory_space<vmem>>, %arg3: memref<128x1xf32, #tpu.memory_space<vmem>>, %arg4: memref<8x1024x1024xbf16, #tpu.memory_space<vmem>>, %arg5: memref<8x1024x512xbf16, #tpu.memory_space<vmem>>, %arg6: memref<128x1024xf32, #tpu.memory_space<vmem>>) attributes {dimension_semantics = [#tpu.dimension_semantics<arbitrary>], iteration_bounds = array<i64: 40>, scalar_prefetch = 1 : i64, scratch_operands = 0 : i64, tpu.core_type = #tpu.core_type<tc>, window_params = [{transform_indices = @transform_0, window_bounds = array<i64: 128, 1024>}, {transform_indices = @transform_1, window_bounds = array<i64: 128, 1>}, {pipeline_mode = #tpu.pipeline_mode<synchronous>, transform_indices = @transform_2, window_bounds = array<i64: 8, 1024, 1024>}, {pipeline_mode = #tpu.pipeline_mode<synchronous>, transform_indices = @transform_3, window_bounds = array<i64: 8, 1024, 512>}, {transform_indices = @transform_4, window_bounds = array<i64: 128, 1024>}]} {
    %get3A = arith.index_cast %arg0 : i32 to index
    %get3A_0 = memref.load %arg1[%get3A] : memref<40xi32, #tpu.memory_space<smem>>
    %get3A_1 = arith.constant 0 : index
    %get3A_2 = arith.constant 0 : index
    %get3A_3 = vector.load %arg2[%get3A_1, %get3A_2] : memref<128x1024xf32, #tpu.memory_space<vmem>>, vector<128x1024xf32>
    %convert_element_type3A = arith.truncf %get3A_3 : vector<128x1024xf32> to vector<128x1024xbf16>
    %get3A_4 = arith.index_cast %get3A_0 : i32 to index
    %get3A_5 = arith.constant 0 : index
    %get3A_6 = arith.constant 0 : index
    %get3A_7 = vector.load %arg4[%get3A_4, %get3A_5, %get3A_6] : memref<8x1024x1024xbf16, #tpu.memory_space<vmem>>, vector<1x1024x1024xbf16>
    %get3A_8 = vector.shape_cast %get3A_7 : vector<1x1024x1024xbf16> to vector<1024x1024xbf16>
    %dot_general3A = arith.constant dense<0.000000e+00> : vector<128x1024xf32>
    %dot_general3A_9 = tpu.matmul %convert_element_type3A, %get3A_8, %dot_general3A {dimension_numbers = #tpu.dot_dimension_numbers<[1], [1], [0], [0], [0, 0, 1, 0], [], []>, transpose_lhs_hint = false} : vector<128x1024xbf16>, vector<1024x1024xbf16>, vector<128x1024xf32> -> vector<128x1024xf32>
    %slice3A = vector.extract_strided_slice %dot_general3A_9 {offsets = [0, 0], sizes = [128, 512], strides = [1, 1]} : vector<128x1024xf32> to vector<128x512xf32>
    %slice3A_10 = vector.extract_strided_slice %dot_general3A_9 {offsets = [0, 512], sizes = [128, 512], strides = [1, 1]} : vector<128x1024xf32> to vector<128x512xf32>
    %logistic3A = arith.negf %slice3A : vector<128x512xf32>
    %logistic3A_11 = math.exp %logistic3A : vector<128x512xf32>
    %logistic3A_12 = arith.constant 1.000000e+00 : f32
    %logistic3A_13 = vector.broadcast %logistic3A_12 : f32 to vector<128x512xf32>
    %logistic3A_14 = arith.addf %logistic3A_13, %logistic3A_11 : vector<128x512xf32>
    %logistic3A_15 = arith.divf %logistic3A_13, %logistic3A_14 : vector<128x512xf32>
    %mul3A = arith.mulf %slice3A, %logistic3A_15 : vector<128x512xf32>
    %mul3A_16 = arith.mulf %mul3A, %slice3A_10 : vector<128x512xf32>
    %convert_element_type3A_17 = arith.truncf %mul3A_16 : vector<128x512xf32> to vector<128x512xbf16>
    %get3A_18 = arith.index_cast %get3A_0 : i32 to index
    %get3A_19 = arith.constant 0 : index
    %get3A_20 = arith.constant 0 : index
    %get3A_21 = vector.load %arg5[%get3A_18, %get3A_19, %get3A_20] : memref<8x1024x512xbf16, #tpu.memory_space<vmem>>, vector<1x1024x512xbf16>
    %get3A_22 = vector.shape_cast %get3A_21 : vector<1x1024x512xbf16> to vector<1024x512xbf16>
    %dot_general3A_23 = arith.constant dense<0.000000e+00> : vector<128x1024xf32>
    %dot_general3A_24 = tpu.matmul %convert_element_type3A_17, %get3A_22, %dot_general3A_23 {dimension_numbers = #tpu.dot_dimension_numbers<[1], [1], [0], [0], [0, 0, 1, 0], [], []>, transpose_lhs_hint = false} : vector<128x512xbf16>, vector<1024x512xbf16>, vector<128x1024xf32> -> vector<128x1024xf32>
    %get3A_25 = arith.constant 0 : index
    %get3A_26 = arith.constant 0 : index
    %get3A_27 = vector.load %arg3[%get3A_25, %get3A_26] : memref<128x1xf32, #tpu.memory_space<vmem>>, vector<128x1xf32>
    %mul3A_28 = vector.broadcast %get3A_27 : vector<128x1xf32> to vector<128x1024xf32>
    %mul3A_29 = arith.mulf %dot_general3A_24, %mul3A_28 : vector<128x1024xf32>
    %swap3A = arith.constant 0 : index
    %swap3A_30 = arith.constant 0 : index
    %swap3A_31 = vector.load %arg6[%swap3A, %swap3A_30] : memref<128x1024xf32, #tpu.memory_space<vmem>>, vector<128x1024xf32>
    tpu.vector_store %arg6[%swap3A, %swap3A_30], %mul3A_29 {strides = array<i32>} : memref<128x1024xf32, #tpu.memory_space<vmem>>, vector<128x1024xf32>,
    return
  }
  func.func @transform_0(%arg0: i32, %arg1: memref<40xi32, #tpu.memory_space<smem>>) -> (i32, i32) {
    %c0_i32 = arith.constant 0 : i32
    %c0_i32_0 = arith.constant 0 : i32
    return %arg0, %c0_i32 : i32, i32
  }
  func.func @transform_1(%arg0: i32, %arg1: memref<40xi32, #tpu.memory_space<smem>>) -> (i32, i32) {
    %c0_i32 = arith.constant 0 : i32
    %c0_i32_0 = arith.constant 0 : i32
    return %arg0, %c0_i32 : i32, i32
  }
  func.func @transform_2(%arg0: i32, %arg1: memref<40xi32, #tpu.memory_space<smem>>) -> (i32, i32, i32) {
    %c0_i32 = arith.constant 0 : i32
    %c0_i32_0 = arith.constant 0 : i32
    %c0_i32_1 = arith.constant 0 : i32
    %c0_i32_2 = arith.constant 0 : i32
    return %c0_i32, %c0_i32_0, %c0_i32_1 : i32, i32, i32
  }
  func.func @transform_3(%arg0: i32, %arg1: memref<40xi32, #tpu.memory_space<smem>>) -> (i32, i32, i32) {
    %c0_i32 = arith.constant 0 : i32
    %c0_i32_0 = arith.constant 0 : i32
    %c0_i32_1 = arith.constant 0 : i32
    %c0_i32_2 = arith.constant 0 : i32
    return %c0_i32, %c0_i32_0, %c0_i32_1 : i32, i32, i32
  }
  func.func @transform_4(%arg0: i32, %arg1: memref<40xi32, #tpu.memory_space<smem>>) -> (i32, i32) {
    %c0_i32 = arith.constant 0 : i32
    %c0_i32_0 = arith.constant 0 : i32
    return %arg0, %c0_i32 : i32, i32
  }
}

</mosaic_0001>

<sc_bundles>
// kernel: gather_offload_async_start
scs
__scs_entry_jumppad:
0x0: {  	(pc) =	sbr.rel $0x88, $3  }
0x1: {  	(tag) =	ssettag $0x0;
	lr =	simm.s32 $0x1  }
0x2: {  	[smem:$0x3F9C] =	sst lr;
	_ =	strace $0xD0000000  }
0x3: {  	_ = 	snop  }
0x4: {  	_ = 	snop  }
0x5: {  	_ = 	snop  }
0x6: {  	_ = 	snop  }
0x7: {  	_ = 	snop  }
__scs_overlays_trampoline_lowered:
0x8: {  	[smem:$0x3FAB] =	sst s0  }
0x9: {  	[smem:$0x3FAC] =	sst s1  }
0xa: {  	[smem:$0x3FAD] =	sst s2  }
0xb: {  	[smem:$0x3FAE] =	sst s3  }
0xc: {  	[smem:$0x3FAF] =	sst s4  }
0xd: {  	[smem:$0x3FB0] =	sst s5  }
0xe: {  	[smem:$0x3FB1] =	sst s6  }
0xf: {  	[smem:$0x3FB2] =	sst s7  }
0x10: {  	[smem:$0x3FB3] =	sst s8  }
0x11: {  	[smem:$0x3FB4] =	sst s9;
	s0 =	simm.s32 @!p0 $0x0  }
0x12: {  	s1 =	sld [smem:$0x3F9A];
	s0 =	simm.s32 @p0 $0x1  }
0x13: {  	[smem:$0x3FB5] =	sst s0;
	s0 =	simm.s32 @!p1 $0x0  }
0x14: {  	s2 =	sld [smem:$0x3F99];
	s0 =	simm.s32 @p1 $0x1  }
0x15: {  	[smem:$0x3FB6] =	sst s0;
	s0 =	simm.s32 @!p2 $0x0  }
0x16: {  	s3 =	sld [smem:$0x3FDB];
	s0 =	simm.s32 @p2 $0x1  }
0x17: {  	s4 =	simm.s32 $0x1BF5;
	[smem:$0x3FB8] =	sst s0  }
0x18: {  	s0 =	sld [smem:$0x3F9B];
	_ =	swait.ge [sflag:s4], $0x0  }
0x19: {  	s7 =	sld [smem:$0x3F9C]  }
0x1a: {  	s8 =	sadd.s32 $0xFFFFE003, lr  }
0x1b: {  	s9 =	sadd.s32 $0xFFFFFEF7, lr;
	s5 =	simm.s32 $0xFFFFFFFF;
	p2 =	slt.u32 s8, $0xFFFFF086  }
0x1c: {  	p1 =	slt.u32 s9, $0xF7A;
	s5 =	simm.s32 @!p2 $0x0  }
0x1d: {  	s5 =	simm.s32 @p1 $0x1;
	p0 =	seq.s32 s7, s2  }
0x1e: {  	s7 =	smul.u32 @!p0 $0xF7A, s2;
	p2 =	seq.s32 @!p0 s5, $0x0  }
0x1f: {  	s9 =	smul.u32 $0xF7A, s1;
	s8 =	simm.s32 @!p0 $0x1BF5;
	p2 =	por !p2, p0  }
0x20: {  	[sflag:s8] =	ssyncset.s32 @!p0 $0xFFFFF086;
	s6 =	sadd.s32 @!p0 s3, s7;
	s7 =	simm.s32 @!p0 $0x108  }
0x21: {  	s3 =	sadd.s32 s3, s9;
	s6 =	sadd.s32 @!p0 $0x88, s6;
	s7 =	simm.s32 @p2 $0x1082  }
0x22: {  	[simem:s7], [sflag:s8] =	dma.local @!p0 [hbm:s6], $0xF7A  }
0x23: {  	s9 =	sor.u32 $0xD0000000, s2;
	s6 =	simm.s32 $0x108;
	_ =	swait.ge @!p0 [sflag:s8], $0x0  }
0x24: {  	s3 =	sadd.s32 $0x88, s3;
	s6 =	simm.s32 @!p1 $0x1082;
	[sflag:s4] =	ssyncset.s32 $0xFFFFF086  }
0x25: {  	[simem:s6], [sflag:s4] =	dma.local [hbm:s3], $0xF7A  }
0x26: {  	[smem:$0x3F9C] =	sst s1;
	(tag) =	ssettag s2;
	_ =	strace s9  }
0x27: {  	s1 =	sld [smem:$0x3FAC]  }
0x28: {  	s2 =	sld [smem:$0x3FAD]  }
0x29: {  	s4 =	sld [smem:$0x3FAF]  }
0x2a: {  	p0 =	seq.s32 s5, $0x0;
	s5 =	sld [smem:$0x3FB0]  }
0x2b: {  	s6 =	sld [smem:$0x3FB1]  }
0x2c: {  	s7 =	sld [smem:$0x3FB2]  }
0x2d: {  	s3 =	simm.s32 $0x108;
	s8 =	sld [smem:$0x3FB3]  }
0x2e: {  	s3 =	simm.s32 @!p0 $0x1082;
	s9 =	sld [smem:$0x3FB4]  }
0x2f: {  	lr =	sadd.s32 s0, s3;
	s0 =	sld [smem:$0x3FAB]  }
0x30: {  	s3 =	sld [smem:$0x3FAE]  }
0x31: {  	[smem:$0x3FB7] =	sst s10  }
0x32: {  	s10 =	sld [smem:$0x3FB5];
	_ =	sdelay $0x3  }
0x33: {  	p0 =	seq.s32 s10, $0x1;
	s10 =	sld [smem:$0x3FB7];
	_ =	sdelay $0x3  }
0x34: {  	[smem:$0x3FB7] =	sst s10  }
0x35: {  	s10 =	sld [smem:$0x3FB6];
	_ =	sdelay $0x3  }
0x36: {  	p1 =	seq.s32 s10, $0x1;
	s10 =	sld [smem:$0x3FB7];
	_ =	sdelay $0x3  }
0x37: {  	[smem:$0x3FB7] =	sst s10  }
0x38: {  	s10 =	sld [smem:$0x3FB8]  }
0x39: {  	_ = 	snop;
	(pc) =	sbr.ind lr, $3  }
0x3a: {  	_ = 	snop  }
0x3b: {  	_ = 	snop  }
0x3c: {  	p2 =	seq.s32 s10, $0x1;
	s10 =	sld [smem:$0x3FB7]  }
0x3d: {  	_ =	shalt  }
0x3e: {  	_ =	shalt  }
0x3f: {  	_ =	shalt  }
0x40: {  	_ =	shalt  }
0x41: {  	_ =	shalt  }
0x42: {  	_ =	shalt  }
0x43: {  	_ =	shalt  }
0x44: {  	_ =	shalt  }
0x45: {  	_ =	shalt  }
0x46: {  	_ =	shalt  }
0x47: {  	_ =	shalt  }
0x48: {  	_ =	shalt  }
0x49: {  	_ =	shalt  }
0x4a: {  	_ =	shalt  }
0x4b: {  	_ =	shalt  }
0x4c: {  	_ =	shalt  }
0x4d: {  	_ =	shalt  }
0x4e: {  	_ =	shalt  }
0x4f: {  	_ =	shalt  }
0x50: {  	_ =	shalt  }
0x51: {  	_ =	shalt  }
0x52: {  	_ =	shalt  }
0x53: {  	_ =	shalt  }
0x54: {  	_ =	shalt  }
0x55: {  	_ =	shalt  }
0x56: {  	_ =	shalt  }
0x57: {  	_ =	shalt  }
0x58: {  	_ =	shalt  }
0x59: {  	_ =	shalt  }
0x5a: {  	_ =	shalt  }
0x5b: {  	_ =	shalt  }
0x5c: {  	_ =	shalt  }
0x5d: {  	_ =	shalt  }
0x5e: {  	_ =	shalt  }
0x5f: {  	_ =	shalt  }
0x60: {  	_ =	shalt  }
0x61: {  	_ =	shalt  }
0x62: {  	_ =	shalt  }
0x63: {  	_ =	shalt  }
0x64: {  	_ =	shalt  }
0x65: {  	_ =	shalt  }
0x66: {  	_ =	shalt  }
0x67: {  	_ =	shalt  }
0x68: {  	_ =	shalt  }
0x69: {  	_ =	shalt  }
0x6a: {  	_ =	shalt  }
0x6b: {  	_ =	shalt  }
0x6c: {  	_ =	shalt  }
0x6d: {  	_ =	shalt  }
0x6e: {  	_ =	shalt  }
0x6f: {  	_ =	shalt  }
0x70: {  	_ =	shalt  }
0x71: {  	_ =	shalt  }
0x72: {  	_ =	shalt  }
0x73: {  	_ =	shalt  }
0x74: {  	_ =	shalt  }
0x75: {  	_ =	shalt  }
0x76: {  	_ =	shalt  }
0x77: {  	_ =	shalt  }
0x78: {  	_ =	shalt  }
0x79: {  	_ =	shalt  }
0x7a: {  	_ =	shalt  }
0x7b: {  	_ =	shalt  }
0x7c: {  	_ =	shalt  }
0x7d: {  	_ =	shalt  }
0x7e: {  	_ =	shalt  }
0x7f: {  	_ =	shalt  }
0x80: {  	_ =	shalt  }
0x81: {  	_ =	shalt  }
0x82: {  	_ =	shalt  }
0x83: {  	_ =	shalt  }
0x84: {  	_ =	shalt  }
0x85: {  	_ =	shalt  }
0x86: {  	_ =	shalt  }
0x87: {  	_ =	shalt  }
.Lfunc_end0:
.L_simem_size_0:
called_computation_lowered:
.L_overlay_start_0:
0x88: {  	s2 =	sld [smem:$0x3FD9]  }
0x89: {  	s3 =	sld [smem:$0x3FFE];
	_ =	sdelay $0x1  }
0x8a: {  	s1 =	srdreg.scid  }
0x8b: {  	s0 =	sand.u32 $0x1, s1  }
0x8c: {  	s17 =	sshll.u32 s0, $0xA;
	s2 =	sadd.s32 s3, s2  }
0x8d: {  	s2 =	sadd.s32 s2, s17  }
0x8e: {  	[smem:$0x3FC3] =	sst s2  }
0x8f: {  	_ = 	snop  }
0x90: {  	s2 =	sld [smem:$0x3FD0];
	(tm) =	ssettm $0x1  }
0x91: {  	s18 =	sld [smem:$0x3FFB];
	_ =	sdelay $0x3  }
0x92: {  	_ =	strace s18  }
0x93: {  	s3 =	sld [smem:$0x3FFC];
	_ =	sdelay $0x3  }
0x94: {  	_ =	strace s3  }
0x95: {  	s3 =	sld [smem:$0x3FFD];
	_ =	sdelay $0x3  }
0x96: {  	_ =	strace s3  }
0x97: {  	_ =	strace $0x8FFFFFFF  }
0x98: {  	s19 =	sld [smem:$0x3FDB];
	_ =	sdelay $0x1  }
0x99: {  	s4 =	simm.s32 $_scs_section_size  }
0x9a: {  	s5 =	simm.s32 $_size__tile_overlayer_lowered;
	s6 =	simm.s32 $_tile_overlayer_lowered  }
0x9b: {  	s22 =	simm.s32 $0x1BFF;
	s21 =	sshll.u32 s6, $0x1;
	s3 =	sadd.s32 s4, s19  }
0x9c: {  	s7 =	simm.s32 $0x0;
	s20 =	sshll.u32 s5, $0x1;
	s5 =	sadd.s32 s21, s3  }
0x9d: {  	[timem:s7], [sflag:s22] =	dma.local [hbm:s5], s20  }
0x9e: {  	_ =	swait.ge [sflag:s22], s20  }
0x9f: {  	s4 =	ssub.s32 $0x0, s20;
	[sflag:s22] =	ssyncset.done $0x0  }
0xa0: {  	[sflag:s22] =	ssyncadd.s32 s4;
	_ =	sdelay $0x1  }
0xa1: {  	s23 =	simm.s32 $0x1B8B  }
0xa2: {  	_ =	swait.ge [sflag:s23], $0x1  }
0xa3: {  	[sflag:s23] =	ssyncset.done $0x0  }
0xa4: {  	s25 =	simm.s32 $0x1B8E;
	s24 =	sld [smem:$0x3FFE];
	[sflag:s23] =	ssyncadd.s32 $0xFFFFFFFF  }
0xa5: {  	s26 =	simm.s32 $execute0_lowered;
	[smem:$0x3FD2] =	sst s25  }
0xa6: {  	s5 =	sshll.u32 s26, $0x1;
	_ =	strace $0x80000046;
	[dreg:$0x1] =	wrdreg $0xFFFFFFFF  }
0xa7: {  	s28 =	simm.s32 $_size_execute0_lowered;
	s3 =	sadd.s32 s3, s5;
	[dreg:$0x0] =	wrdreg $0x0  }
0xa8: {  	s5 =	sshll.u32 s28, $0x1;
	[dreg:$0x2] =	wrdreg s3  }
0xa9: {  	[dreg:$0x3] =	wrdreg s5  }
0xaa: {  	[dreg:$0x4] =	wrdreg $0xC0  }
0xab: {  	_ =	task [dreg:s7], $0x5FFFF  }
0xac: {  	[dreg:$0x1] =	wrdreg $0xFFFFFFFF  }
0xad: {  	[dreg:$0x0] =	wrdreg $0x60  }
0xae: {  	[dreg:$0x2] =	wrdreg s2  }
0xaf: {  	[dreg:$0x3] =	wrdreg s24  }
0xb0: {  	[dreg:$0x4] =	wrdreg $0x9  }
0xb1: {  	_ =	task.clear_ibuf [dreg:s7], $0x5FFFF;
	_ =	strace $0x90000046  }
0xb2: {  	s29 =	simm.s32 $0x9;
	_ =	strace $0x80000048  }
0xb3: {  	_ =	swait.ge [sflag:s29], $0x1  }
0xb4: {  	[sflag:s29] =	ssyncadd.s32 $0xFFFFFFFF  }
0xb5: {  	_ =	strace $0x90000048  }
0xb6: {  	_ =	sfence  }
0xb7: {  	s30 =	sld [smem:$0x0];
	_ =	sdelay $0x2  }
0xb8: {  	s31 =	sshll.u32 s1, $0xD;
	s1 =	sshrl.u32 s1, $0x2  }
0xb9: {  	s3 =	sand.u32 $0x4000, s31;
	s1 =	sadd.s32 s1, s30  }
0xba: {  	s0 =	sor.u32 s3, s0;
	s1 =	sshll.u32 s1, $0x11  }
0xbb: {  	s0 =	sor.u32 s1, s0  }
0xbc: {  	s0 =	sadd.s32 $0x8F2B, s0  }
0xbd: {  	[sflag:s0] =	ssyncadd.remote.s32 $0x1  }
0xbe: {  	_ =	sfence.sel $0xFFFF  }
0xbf: {  	[dreg:$0x0] =	wrdreg $0xFFFFFFFF;
	(pc) =	sbr.abs _section_cstart, $3  }
0xc0: {  	[dreg:$0x1] =	wrdreg $0xFFFFFFFF  }
0xc1: {  	_ =	task.clear_ibuf [dreg:s7], $0x2FFFF;
	_ =	strace $0x9FFFFFFF  }
0xc2: {  	(tm) =	ssettm $0x7FFFFFFF  }
0xc3: {  	_ =	shalt  }
tec
execute0_lowered:
.L_overlay_start_1:
0x0: {  	(tag) =	ssettag $0x1  }
0x1: {  	s1 =	srdreg.scid;
	s2 =	rddreg [dreg:$0x0]  }
0x2: {  	s0 =	stileid.u32;
	s5 =	rddreg [dreg:$0x1];
	s6 =	simm.s32 $0x1  }
0x3: {  	s9 =	simm.s32 $0x1;
	s10 =	simm.s32 $0x3;
	s1 =	sshll.u32 s1, $0x6  }
0x4: {  	s13 =	simm.s32 $0x0;
	s3 =	sshll.u32 s0, $0x7;
	s4 =	sand.u32 $0x40, s1  }
0x5: {  	s12 =	simm.s32 $0x0;
	s1 =	rddreg [dreg:$0x2];
	s3 =	sor.u32 s3, s4  }
0x6: {  	_ =	strace $0x80000047;
	s4 =	sadd.s32 $0x2E00, s5;
	s8 =	ssub.s32 $0x1000, s3  }
.Ltmp0:
0x7: {  	s5 =	sadd.s32 $0x3200, s5;
	s7 =	sand.u32 $0x7C0, s8;
	(pc) =	sbr.rel .LBB2_1-.Ltmp0, $4  }
0x8: {  	[sflag:s6] =	ssyncpa.u1 $0x0;
	s11 =	smov.u32 s3;
	p0 =	sne.s32 s7, $0x0  }
0x9: {  	s8 =	sshrl.u32 s8, $0xB;
	s7 =	simm.s32 $0x2;
	s9 =	simm.s32 @!p0 $0x0  }
0xa: {  	[sflag:s7] =	ssyncpa.u1 $0x0;
	p0 =	por $0x0, $0x0;
	s8 =	sadd.s32 s9, s8  }
0xb: {  	vm0 =	vmmov $0xffff;
	[sflag:s10] =	ssyncpa.u1 $0x0;
	s10 =	simm.s32 $0x0;
	s9 =	sadd.s32 $0x1, s8  }
.LBB2_4:
0xc: {  	v5 =	vshrl.u32 v1, $0xC;
	v6 =	vshll.u32 v1, $0x7  }
0xd: {  	vm1 =	veq.s32 v1, $0x80000000;
	v58 =	vand.u32 $0x7, v5;
	v59 =	vand.u32 $0x7FF80, v6  }
0xe: {  	v1 =	vsel vm1, $0xFFFFFFFF, v58;
	v5 =	vsel vm1, $0xFFFFFF80, v59  }
0xf: {  	v3 =	vor.u32 v4, v3;
	v60 =	vand.u32 $0xFFFFFC00, v5;
	v61 =	vand.u32 $0xFFFFFC00, v1  }
0x10: {  	v2 =	vor.u32 v2, v3;
	v63 =	vand.u32 $0x380, v5;
	v62 =	vadd.s32 v61, v60  }
0x11: {  	v1 =	vand.u32 $0x7F, v1;
	v3 =	vor.u32 v63, v62  }
0x12: {  	v1 =	vor.u32 v1, v3  }
0x13: {  	[tilespmem:s15], [sflag:$0x1] =	stream.indirect_vreg.gather [hbm4b:s2+s10], $0x1, v0, vm0, $0x4038;
	[tilespmem:$0x100] =	vst v63  }
0x14: {  	(ifvalue) =	ssetifvalue $0x7FFFFFFF  }
0x15: {  	[tilespmem:s16], [sflag:$0x1] =	stream.indirect_vreg.gather [hbm4b:s2+s10], $0x1, v2, vm0, $0x4038;
	[tilespmem:$0x100] =	vst v63  }
0x16: {  	s29 =	sadd.s32 $0x10, s16;
	(ifvalue) =	ssetifvalue $0x7FFFFFFF  }
0x17: {  	[tilespmem:s29], [sflag:$0x1] =	stream.indirect_vreg.gather [hbm4b:s2+s10], $0x1, v1, vm0, $0x4038;
	[tilespmem:$0x100] =	vst v63  }
0x18: {  	_ =	swait.ge [sflag:s6], $0x40  }
0x19: {  	s30 =	sshrl.u32 s13, $0x3;
	[sflag:s6] =	ssyncset.done $0x0  }
0x1a: {  	s31 =	sand.u32 $0x7, s13;
	s15 =	sadd.s32 s5, s30;
	[sflag:s6] =	ssyncadd.s32 $0xFFFFFFC0  }
0x1b: {  	[hbm4b:s15+s31] =	stream.linear.scatter [tilespmem:s14], [sflag:$0x3], $0x40, $0x38;
	[tilespmem:$0x100] =	vst v63  }
.LBB2_5:
0x1c: {  	s15 =	sadd.s32 $0x800, s11  }
0x1d: {  	p2 =	sgt.s32 s15, $0xFFF  }
0x1e: {  	s15 =	smov.u32 @p2 s3;
	p2 =	sne.s32 s12, s9  }
.Ltmp1:
0x1f: {  	p1 =	slt.u32 s12, $0x2;
	(pc) =	sbr.rel @!p2 .LBB2_6-.Ltmp1, $4  }
0x20: {  	s14 =	simm.s32 @!p1 $0x3  }
0x21: {  	s16 =	sadd.s32 $0x1, s12;
	_ =	swait.ge @!p1 [sflag:s14], $0x40  }
0x22: {  	s13 =	smov.u32 s11;
	p0 =	por !p0, !p0;
	[sflag:s14] =	ssyncset.done @!p1 $0x0  }
0x23: {  	s12 =	smov.u32 s16;
	s11 =	smov.u32 s15;
	[sflag:s14] =	ssyncadd.s32 @!p1 $0xFFFFFFC0  }
.LBB2_1:
0x24: {  	p1 =	sge.u32 s12, s8  }
0x25: {  	s14 =	sxor.u32 @!p1 $0xFFFFFFFF, s12  }
0x26: {  	s31 =	sadd.s32 $0xFFFFFFFF, s12;
	s15 =	sshrl.u32 @!p1 s11, $0x3;
	s14 =	sshll.u32 @!p1 s14, $0x6  }
0x27: {  	s16 =	sand.u32 @!p1 $0x7, s11;
	s15 =	sadd.s32 @!p1 s4, s15;
	s14 =	sand.u32 @!p1 $0x40, s14  }
0x28: {  	[tilespmem:s14], [sflag:$0x2] =	stream.linear.gather @!p1 [hbm4b:s15+s16], $0x40, $0x38;
	[tilespmem:$0x100] =	vst v63  }
0x29: {  	p1 =	sge.u32 s31, s8  }
.Ltmp2:
0x2a: {  	_ = 	snop;
	(pc) =	sbr.rel @p1 .LBB2_5-.Ltmp2, $1  }
0x2b: {  	_ =	sdelay $0x3  }
0x2c: {  	s14 =	simm.s32 $0x1  }
0x2d: {  	_ =	swait.ge [sflag:s7], $0x40;
	s14 =	simm.s32 @!p0 $0x0  }
0x2e: {  	[sflag:s7] =	ssyncset.done $0x0;
	s14 =	sshll.u32 s14, $0x6  }
0x2f: {  	[sflag:s7] =	ssyncadd.s32 $0xFFFFFFC0;
	(ifvalue) =	ssetifvalue $0x7FFFFFFF;
	v0 =	vld.msk [tilespmem:s14+$0x0 ss:$0x1], $0xffff;
	_ =	sdelay $0x4  }
0x30: {  	s15 =	sadd.s32 $0x10, s14;
	v2 =	vshrl.u32 v0, $0xC;
	v3 =	vshll.u32 v0, $0x7  }
0x31: {  	v1 =	vld.msk [tilespmem:s15+$0x0 ss:$0x1], $0xffff;
	vm1 =	veq.s32 v0, $0x80000000;
	v0 =	vand.u32 $0x7, v2;
	v2 =	vand.u32 $0x7FF80, v3  }
0x32: {  	v0 =	vsel vm1, $0xFFFFFFFF, v0;
	v2 =	vsel vm1, $0xFFFFFF80, v2  }
0x33: {  	v3 =	vand.u32 $0xFFFFFC00, v2;
	v4 =	vand.u32 $0xFFFFFC00, v0  }
0x34: {  	v2 =	vand.u32 $0x380, v2;
	v3 =	vadd.s32 v4, v3  }
0x35: {  	v0 =	vand.u32 $0x7F, v0;
	v2 =	vor.u32 v2, v3  }
0x36: {  	v5 =	vshll.u32 v1, $0x7;
	v4 =	vshrl.u32 v1, $0xC;
	v0 =	vor.u32 v0, v2  }
0x37: {  	s16 =	sshll.u32 s12, $0x6;
	vm1 =	veq.s32 v1, $0x80000000;
	v1 =	vand.u32 $0x7, v4;
	v4 =	vand.u32 $0x7FF80, v5  }
0x38: {  	s16 =	sand.u32 $0x40, s16;
	s18 =	sadd.s32 $0x10, s15;
	v3 =	vsel vm1, $0xFFFFFFFF, v1;
	v4 =	vsel vm1, $0xFFFFFF80, v4  }
0x39: {  	s17 =	simm.s32 $0x20;
	s15 =	sor.u32 $0x80, s14;
	s14 =	sor.u32 $0x80, s16;
	v1 =	vld.msk [tilespmem:s18+$0x0 ss:$0x1], $0xffff;
	v5 =	vand.u32 $0xFFFFFC00, v4;
	v6 =	vand.u32 $0xFFFFFC00, v3  }
0x3a: {  	s16 =	sadd.s32 $0x10, s15;
	s18 =	sadd.s32 $0x10, s18;
	(ifvalue) =	ssetifvalue $0x7FFFFFFF;
	v2 =	vand.u32 $0x7F, v3;
	v4 =	vand.u32 $0x380, v4;
	v3 =	vadd.s32 v6, v5  }
.LBB2_3:
0x3b: {  	[tilespmem:s15], [sflag:$0x1] =	stream.indirect_vreg.gather [hbm4b:s2+s10], $0x1, v0, vm0, $0x4038;
	[tilespmem:$0x100] =	vst v63  }
0x3c: {  	s17 =	sadd.s32 $0x10, s17  }
0x3d: {  	v3 =	vor.u32 v4, v3;
	p1 =	slt.u32 s17, $0x30  }
.Ltmp3:
0x3e: {  	v4 =	vshrl.u32 v1, $0xC;
	v5 =	vshll.u32 v1, $0x7;
	s15 =	smov.u32 s16;
	v0 =	vor.u32 v2, v3;
	v2 =	vmovc v1;
	v1 =	vld.msk [tilespmem:s18+$0x0 ss:$0x1], $0xffff;
	(pc) =	sbr.rel @p1 .LBB2_3-.Ltmp3, $4  }
0x3f: {  	v3 =	vand.u32 $0x7FF80, v5;
	vm1 =	veq.s32 v2, $0x80000000;
	v2 =	vand.u32 $0x7, v4  }
0x40: {  	v4 =	vsel vm1, $0xFFFFFFFF, v2;
	v5 =	vsel vm1, $0xFFFFFF80, v3  }
0x41: {  	v2 =	vand.u32 $0x7F, v4;
	v3 =	vand.u32 $0xFFFFFC00, v5;
	v4 =	vand.u32 $0xFFFFFC00, v4  }
0x42: {  	s16 =	sadd.s32 $0x10, s16;
	s18 =	sadd.s32 $0x10, s18;
	v3 =	vadd.s32 v4, v3;
	v4 =	vand.u32 $0x380, v5;
	(ifvalue) =	ssetifvalue $0x7FFFFFFF  }
.Ltmp4:
0x43: {  	_ = 	snop;
	(pc) =	sbr.rel .LBB2_4-.Ltmp4, $1  }
0x44: {  	_ =	sdelay $0x3  }
.LBB2_6:
0x45: {  	_ =	sfence.sel $0x180000  }
0x46: {  	s2 =	simm.s32 $0x2;
	[bflag:$0x0] =	sbarrier.arrive $0xFFFF  }
0x47: {  	s30 =	simm.s32 $0x3;
	[sflag:s2] =	ssyncpa.u1 $0x1  }
0x48: {  	s31 =	simm.s32 $0x1;
	[sflag:s30] =	ssyncpa.u1 $0x1  }
0x49: {  	[sflag:s31] =	ssyncpa.u1 $0x1  }
0x4a: {  	p0 =	sne.s32 s0, $0x0;
	_ =	strace $0x90000047  }
0x4b: {  	s0 =	sadd.s32 @!p0 $0x100000, s1;
	[bflag:$0x2] =	sbarrier.arrive $0xFFFF  }
0x4c: {  	[sflag:s0] =	ssyncadd.tile.s32 @!p0 $0x1;
	_ =	shalt  }
.Lfunc_end2:
_tile_overlayer_lowered:
.L_overlay_start_2:
0x4d: {  	(tag) =	ssettag $0x2  }
0x4e: {  	s0 =	rddreg [dreg:$0x0];
	s2 =	stileid.u32  }
0x4f: {  	s1 =	rddreg [dreg:$0x1];
	p0 =	sne.s32 s2, $0x0  }
0x50: {  	s3 =	rddreg [dreg:$0x2];
	[bflag:$0x3] =	sbarrier.arrive $0xFFFF;
	s2 =	simm.s32 @!p0 $0x1C01  }
0x51: {  	[timem:s3], [sflag:s2] =	dma.local @!p0 [hbm:s0], s1  }
0x52: {  	s0 =	simm.s32 @!p0 $0x1  }
0x53: {  	_ =	swait.ge @!p0 [sflag:s0], s1  }
0x54: {  	s1 =	ssub.s32 @!p0 $0x0, s1;
	[sflag:s0] =	ssyncset.done @!p0 $0x0  }
0x55: {  	[sflag:s0] =	ssyncadd.s32 @!p0 s1  }
0x56: {  	[bflag:$0x3] =	sbarrier.arrive $0xFFFF  }
0x57: {  	_ =	shalt  }

// kernel: kernel.12.cloned.1.call-start
scs
__scs_entry_jumppad:
0x0: {  	(pc) =	sbr.rel $0x88, $3  }
0x1: {  	(tag) =	ssettag $0x0;
	lr =	simm.s32 $0x1  }
0x2: {  	[smem:$0x3F9C] =	sst lr;
	_ =	strace $0xD0000000  }
0x3: {  	_ = 	snop  }
0x4: {  	_ = 	snop  }
0x5: {  	_ = 	snop  }
0x6: {  	_ = 	snop  }
0x7: {  	_ = 	snop  }
__scs_overlays_trampoline_lowered:
0x8: {  	[smem:$0x3FAB] =	sst s0  }
0x9: {  	[smem:$0x3FAC] =	sst s1  }
0xa: {  	[smem:$0x3FAD] =	sst s2  }
0xb: {  	[smem:$0x3FAE] =	sst s3  }
0xc: {  	[smem:$0x3FAF] =	sst s4  }
0xd: {  	[smem:$0x3FB0] =	sst s5  }
0xe: {  	[smem:$0x3FB1] =	sst s6  }
0xf: {  	[smem:$0x3FB2] =	sst s7  }
0x10: {  	[smem:$0x3FB3] =	sst s8  }
0x11: {  	[smem:$0x3FB4] =	sst s9;
	s0 =	simm.s32 @!p0 $0x0  }
0x12: {  	s1 =	sld [smem:$0x3F9A];
	s0 =	simm.s32 @p0 $0x1  }
0x13: {  	[smem:$0x3FB5] =	sst s0;
	s0 =	simm.s32 @!p1 $0x0  }
0x14: {  	s2 =	sld [smem:$0x3F99];
	s0 =	simm.s32 @p1 $0x1  }
0x15: {  	[smem:$0x3FB6] =	sst s0;
	s0 =	simm.s32 @!p2 $0x0  }
0x16: {  	s3 =	sld [smem:$0x3FDB];
	s0 =	simm.s32 @p2 $0x1  }
0x17: {  	s4 =	simm.s32 $0x1BF5;
	[smem:$0x3FB8] =	sst s0  }
0x18: {  	s0 =	sld [smem:$0x3F9B];
	_ =	swait.ge [sflag:s4], $0x0  }
0x19: {  	s7 =	sld [smem:$0x3F9C]  }
0x1a: {  	s8 =	sadd.s32 $0xFFFFE003, lr  }
0x1b: {  	s9 =	sadd.s32 $0xFFFFFEF7, lr;
	s5 =	simm.s32 $0xFFFFFFFF;
	p2 =	slt.u32 s8, $0xFFFFF086  }
0x1c: {  	p1 =	slt.u32 s9, $0xF7A;
	s5 =	simm.s32 @!p2 $0x0  }
0x1d: {  	s5 =	simm.s32 @p1 $0x1;
	p0 =	seq.s32 s7, s2  }
0x1e: {  	s7 =	smul.u32 @!p0 $0xF7A, s2;
	p2 =	seq.s32 @!p0 s5, $0x0  }
0x1f: {  	s9 =	smul.u32 $0xF7A, s1;
	s8 =	simm.s32 @!p0 $0x1BF5;
	p2 =	por !p2, p0  }
0x20: {  	[sflag:s8] =	ssyncset.s32 @!p0 $0xFFFFF086;
	s6 =	sadd.s32 @!p0 s3, s7;
	s7 =	simm.s32 @!p0 $0x108  }
0x21: {  	s3 =	sadd.s32 s3, s9;
	s6 =	sadd.s32 @!p0 $0x88, s6;
	s7 =	simm.s32 @p2 $0x1082  }
0x22: {  	[simem:s7], [sflag:s8] =	dma.local @!p0 [hbm:s6], $0xF7A  }
0x23: {  	s9 =	sor.u32 $0xD0000000, s2;
	s6 =	simm.s32 $0x108;
	_ =	swait.ge @!p0 [sflag:s8], $0x0  }
0x24: {  	s3 =	sadd.s32 $0x88, s3;
	s6 =	simm.s32 @!p1 $0x1082;
	[sflag:s4] =	ssyncset.s32 $0xFFFFF086  }
0x25: {  	[simem:s6], [sflag:s4] =	dma.local [hbm:s3], $0xF7A  }
0x26: {  	[smem:$0x3F9C] =	sst s1;
	(tag) =	ssettag s2;
	_ =	strace s9  }
0x27: {  	s1 =	sld [smem:$0x3FAC]  }
0x28: {  	s2 =	sld [smem:$0x3FAD]  }
0x29: {  	s4 =	sld [smem:$0x3FAF]  }
0x2a: {  	p0 =	seq.s32 s5, $0x0;
	s5 =	sld [smem:$0x3FB0]  }
0x2b: {  	s6 =	sld [smem:$0x3FB1]  }
0x2c: {  	s7 =	sld [smem:$0x3FB2]  }
0x2d: {  	s3 =	simm.s32 $0x108;
	s8 =	sld [smem:$0x3FB3]  }
0x2e: {  	s3 =	simm.s32 @!p0 $0x1082;
	s9 =	sld [smem:$0x3FB4]  }
0x2f: {  	lr =	sadd.s32 s0, s3;
	s0 =	sld [smem:$0x3FAB]  }
0x30: {  	s3 =	sld [smem:$0x3FAE]  }
0x31: {  	[smem:$0x3FB7] =	sst s10  }
0x32: {  	s10 =	sld [smem:$0x3FB5];
	_ =	sdelay $0x3  }
0x33: {  	p0 =	seq.s32 s10, $0x1;
	s10 =	sld [smem:$0x3FB7];
	_ =	sdelay $0x3  }
0x34: {  	[smem:$0x3FB7] =	sst s10  }
0x35: {  	s10 =	sld [smem:$0x3FB6];
	_ =	sdelay $0x3  }
0x36: {  	p1 =	seq.s32 s10, $0x1;
	s10 =	sld [smem:$0x3FB7];
	_ =	sdelay $0x3  }
0x37: {  	[smem:$0x3FB7] =	sst s10  }
0x38: {  	s10 =	sld [smem:$0x3FB8]  }
0x39: {  	_ = 	snop;
	(pc) =	sbr.ind lr, $3  }
0x3a: {  	_ = 	snop  }
0x3b: {  	_ = 	snop  }
0x3c: {  	p2 =	seq.s32 s10, $0x1;
	s10 =	sld [smem:$0x3FB7]  }
0x3d: {  	_ =	shalt  }
0x3e: {  	_ =	shalt  }
0x3f: {  	_ =	shalt  }
0x40: {  	_ =	shalt  }
0x41: {  	_ =	shalt  }
0x42: {  	_ =	shalt  }
0x43: {  	_ =	shalt  }
0x44: {  	_ =	shalt  }
0x45: {  	_ =	shalt  }
0x46: {  	_ =	shalt  }
0x47: {  	_ =	shalt  }
0x48: {  	_ =	shalt  }
0x49: {  	_ =	shalt  }
0x4a: {  	_ =	shalt  }
0x4b: {  	_ =	shalt  }
0x4c: {  	_ =	shalt  }
0x4d: {  	_ =	shalt  }
0x4e: {  	_ =	shalt  }
0x4f: {  	_ =	shalt  }
0x50: {  	_ =	shalt  }
0x51: {  	_ =	shalt  }
0x52: {  	_ =	shalt  }
0x53: {  	_ =	shalt  }
0x54: {  	_ =	shalt  }
0x55: {  	_ =	shalt  }
0x56: {  	_ =	shalt  }
0x57: {  	_ =	shalt  }
0x58: {  	_ =	shalt  }
0x59: {  	_ =	shalt  }
0x5a: {  	_ =	shalt  }
0x5b: {  	_ =	shalt  }
0x5c: {  	_ =	shalt  }
0x5d: {  	_ =	shalt  }
0x5e: {  	_ =	shalt  }
0x5f: {  	_ =	shalt  }
0x60: {  	_ =	shalt  }
0x61: {  	_ =	shalt  }
0x62: {  	_ =	shalt  }
0x63: {  	_ =	shalt  }
0x64: {  	_ =	shalt  }
0x65: {  	_ =	shalt  }
0x66: {  	_ =	shalt  }
0x67: {  	_ =	shalt  }
0x68: {  	_ =	shalt  }
0x69: {  	_ =	shalt  }
0x6a: {  	_ =	shalt  }
0x6b: {  	_ =	shalt  }
0x6c: {  	_ =	shalt  }
0x6d: {  	_ =	shalt  }
0x6e: {  	_ =	shalt  }
0x6f: {  	_ =	shalt  }
0x70: {  	_ =	shalt  }
0x71: {  	_ =	shalt  }
0x72: {  	_ =	shalt  }
0x73: {  	_ =	shalt  }
0x74: {  	_ =	shalt  }
0x75: {  	_ =	shalt  }
0x76: {  	_ =	shalt  }
0x77: {  	_ =	shalt  }
0x78: {  	_ =	shalt  }
0x79: {  	_ =	shalt  }
0x7a: {  	_ =	shalt  }
0x7b: {  	_ =	shalt  }
0x7c: {  	_ =	shalt  }
0x7d: {  	_ =	shalt  }
0x7e: {  	_ =	shalt  }
0x7f: {  	_ =	shalt  }
0x80: {  	_ =	shalt  }
0x81: {  	_ =	shalt  }
0x82: {  	_ =	shalt  }
0x83: {  	_ =	shalt  }
0x84: {  	_ =	shalt  }
0x85: {  	_ =	shalt  }
0x86: {  	_ =	shalt  }
0x87: {  	_ =	shalt  }
.Lfunc_end0:
.L_simem_size_0:
called_computation.3_lowered:
.L_overlay_start_0:
0x88: {  	s2 =	sld [smem:$0x3FD9]  }
0x89: {  	s3 =	sld [smem:$0x3FFE];
	_ =	sdelay $0x1  }
0x8a: {  	s1 =	srdreg.scid  }
0x8b: {  	s0 =	sand.u32 $0x1, s1  }
0x8c: {  	s16 =	sshll.u32 s0, $0xA;
	s2 =	sadd.s32 s3, s2  }
0x8d: {  	s2 =	sadd.s32 s2, s16  }
0x8e: {  	[smem:$0x3FC3] =	sst s2  }
0x8f: {  	_ = 	snop  }
0x90: {  	(tm) =	ssettm $0x1  }
0x91: {  	s17 =	sld [smem:$0x3FFB];
	_ =	sdelay $0x3  }
0x92: {  	_ =	strace s17  }
0x93: {  	s2 =	sld [smem:$0x3FFC];
	_ =	sdelay $0x3  }
0x94: {  	_ =	strace s2  }
0x95: {  	s2 =	sld [smem:$0x3FFD];
	_ =	sdelay $0x3  }
0x96: {  	_ =	strace s2  }
0x97: {  	_ =	strace $0x8FFFFFFF  }
0x98: {  	s18 =	sld [smem:$0x3FDB];
	_ =	sdelay $0x1  }
0x99: {  	s19 =	simm.s32 $_scs_section_size  }
0x9a: {  	s4 =	simm.s32 $_size__tile_overlayer_lowered;
	s5 =	simm.s32 $_tile_overlayer_lowered  }
0x9b: {  	s22 =	simm.s32 $0x1BFF;
	s21 =	sshll.u32 s5, $0x1;
	s2 =	sadd.s32 s19, s18  }
0x9c: {  	s6 =	simm.s32 $0x0;
	s20 =	sshll.u32 s4, $0x1;
	s4 =	sadd.s32 s21, s2  }
0x9d: {  	[timem:s6], [sflag:s22] =	dma.local [hbm:s4], s20  }
0x9e: {  	_ =	swait.ge [sflag:s22], s20  }
0x9f: {  	s3 =	ssub.s32 $0x0, s20;
	[sflag:s22] =	ssyncset.done $0x0  }
0xa0: {  	[sflag:s22] =	ssyncadd.s32 s3;
	_ =	sdelay $0x1  }
0xa1: {  	s23 =	simm.s32 $0x1B8B  }
0xa2: {  	_ =	swait.ge [sflag:s23], $0x1  }
0xa3: {  	[sflag:s23] =	ssyncset.done $0x0  }
0xa4: {  	s25 =	simm.s32 $0x1B8E;
	s24 =	sld [smem:$0x3FFE];
	[sflag:s23] =	ssyncadd.s32 $0xFFFFFFFF  }
0xa5: {  	s26 =	simm.s32 $execute0_lowered;
	[smem:$0x3FD2] =	sst s25  }
0xa6: {  	s4 =	sshll.u32 s26, $0x1;
	_ =	strace $0x80000056;
	[dreg:$0x1] =	wrdreg $0xFFFFFFFF  }
0xa7: {  	s28 =	simm.s32 $_size_execute0_lowered;
	s2 =	sadd.s32 s2, s4;
	[dreg:$0x0] =	wrdreg $0x0  }
0xa8: {  	s4 =	sshll.u32 s28, $0x1;
	[dreg:$0x2] =	wrdreg s2  }
0xa9: {  	[dreg:$0x3] =	wrdreg s4  }
0xaa: {  	[dreg:$0x4] =	wrdreg $0xC0  }
0xab: {  	_ =	task [dreg:s6], $0x5FFFF  }
0xac: {  	[dreg:$0x1] =	wrdreg $0xFFFFFFFF  }
0xad: {  	[dreg:$0x0] =	wrdreg $0x60  }
0xae: {  	[dreg:$0x2] =	wrdreg s24  }
0xaf: {  	[dreg:$0x3] =	wrdreg $0x9  }
0xb0: {  	_ =	task.clear_ibuf [dreg:s6], $0x4FFFF;
	_ =	strace $0x90000056  }
0xb1: {  	s29 =	simm.s32 $0x9;
	_ =	strace $0x80000061  }
0xb2: {  	_ =	swait.ge [sflag:s29], $0x1  }
0xb3: {  	[sflag:s29] =	ssyncadd.s32 $0xFFFFFFFF  }
0xb4: {  	_ =	strace $0x90000061  }
0xb5: {  	_ =	sfence  }
0xb6: {  	s30 =	sld [smem:$0x0];
	_ =	sdelay $0x2  }
0xb7: {  	s31 =	sshll.u32 s1, $0xD;
	s1 =	sshrl.u32 s1, $0x2  }
0xb8: {  	s3 =	sand.u32 $0x4000, s31;
	s1 =	sadd.s32 s1, s30  }
0xb9: {  	s0 =	sor.u32 s3, s0;
	s1 =	sshll.u32 s1, $0x11  }
0xba: {  	s0 =	sor.u32 s1, s0  }
0xbb: {  	s0 =	sadd.s32 $0x8F2B, s0  }
0xbc: {  	[sflag:s0] =	ssyncadd.remote.s32 $0x1  }
0xbd: {  	_ =	sfence.sel $0xFFFF  }
0xbe: {  	[dreg:$0x0] =	wrdreg $0xFFFFFFFF;
	(pc) =	sbr.abs _section_cstart, $3  }
0xbf: {  	[dreg:$0x1] =	wrdreg $0xFFFFFFFF  }
0xc0: {  	_ =	task.clear_ibuf [dreg:s6], $0x2FFFF;
	_ =	strace $0x9FFFFFFF  }
0xc1: {  	(tm) =	ssettm $0x7FFFFFFF  }
tec
execute0_lowered:
.L_overlay_start_1:
0x0: {  	(tag) =	ssettag $0x1  }
0x1: {  	s0 =	rddreg [dreg:$0x0];
	s1 =	simm.s32 $0x0;
	s25 =	srdreg.scid  }
0x2: {  	s7 =	stileid.u32;
	s23 =	simm.s32 $0x5800;
	s24 =	simm.s32 $0x6000  }
0x3: {  	s28 =	simm.s32 $0x7800;
	s29 =	simm.s32 $0x8;
	s30 =	simm.s32 $0x1  }
0x4: {  	[smem:$0x7FF] =	sst s1;
	s2 =	sadd.s32 $0xA3200, s0;
	s1 =	sand.u32 $0x1, s25  }
0x5: {  	s4 =	sadd.s32 $0x2A00, s0;
	s3 =	ssub.s32 $0x2, s1;
	s1 =	sshll.u32 s1, $0x4  }
0x6: {  	s5 =	sadd.s32 $0x2E00, s0;
	s6 =	sadd.s32 $0x3200, s0;
	s1 =	sor.u32 s7, s1  }
.Ltmp0:
0x7: {  	s7 =	sshll.u32 s1, $0x1;
	s1 =	sshll.u32 s1, $0x5;
	(pc) =	sbr.rel .LBB2_1-.Ltmp0, $4  }
0x8: {  	_ =	strace $0x80000057;
	s26 =	sshrl.u32 s3, $0x1;
	s31 =	sadd.s32 s4, s1  }
0x9: {  	v2 =	vlaneseq.u32;
	s0 =	ssub.s32 s3, s26;
	s1 =	sadd.s32 s5, s1;
	[dreg:$0x2] =	wrdreg s31  }
0xa: {  	vm0 =	vmmov $0xffff;
	s25 =	simm.s32 $0x6800;
	v1 =	vshrl.u32 v2, $0x3;
	s0 =	smax.u32 s0, $0x1;
	[dreg:$0x3] =	wrdreg s1  }
0xb: {  	v0 =	vand.u32 $0x7, v2;
	v2 =	vor.u32 $0x8, v2;
	v1 =	vmul.u32 $0x8, v1;
	s26 =	simm.s32 $0x7000;
	[dreg:$0x4] =	wrdreg s0;
	s1 =	simm.s32 $0x0  }
.LBB2_6:
0xc: {  	s0 =	sand.u32 $0x1, s3  }
0xd: {  	_ =	strace $0x8000005F;
	s0 =	sor.u32 $0x6, s0  }
0xe: {  	_ =	swait.ge [sflag:s0], $0x8000  }
0xf: {  	[sflag:s0] =	ssyncset.done $0x0  }
0x10: {  	[sflag:s0] =	ssyncadd.s32 $0xFFFF8000  }
0x11: {  	_ =	strace $0x9000005F  }
0x12: {  	s22 =	simm.s32 $0x7;
	_ =	strace $0x80000060  }
0x13: {  	_ =	swait.ge [sflag:s22], $0x8000  }
0x14: {  	s1 =	rddreg [dreg:$0x5]  }
0x15: {  	s31 =	rddreg [dreg:$0x4];
	s1 =	sadd.s32 $0x1, s1  }
0x16: {  	p0 =	sne.s32 s1, s31  }
.Ltmp1:
0x17: {  	_ = 	snop;
	(pc) =	sbr.rel @!p0 .LBB2_7-.Ltmp1, $4  }
0x18: {  	_ = 	snop  }
0x19: {  	[sflag:s22] =	ssyncset.done $0x0  }
0x1a: {  	[sflag:s22] =	ssyncadd.s32 $0xFFFF8000  }
0x1b: {  	_ =	strace $0x90000060  }
.LBB2_1:
0x1c: {  	[dreg:$0x5] =	wrdreg s1;
	s0 =	simm.s32 $0x0;
	s3 =	simm.s32 $0x8000  }
0x1d: {  	s31 =	simm.s32 $0x8100;
	p0 =	por $0x1, $0x1;
	p1 =	por $0x0, $0x0  }
0x1e: {  	s9 =	simm.s32 $0x0;
	s11 =	simm.s32 $0x0;
	_ =	strace $0x80000058  }
0x1f: {  	s12 =	simm.s32 $0x1;
	s1 =	simm.s32 $0x0;
	s21 =	rddreg [dreg:$0x2]  }
0x20: {  	[tilespmem:s3], [sflag:$0x2] =	stream.linear.gather [hbm4b:s21+s0], $0x80, $0x200038;
	[tilespmem:$0x18200] =	vst v63  }
0x21: {  	s8 =	simm.s32 $0x1;
	s10 =	simm.s32 $0x0;
	s22 =	rddreg [dreg:$0x3]  }
0x22: {  	[tilespmem:s31], [sflag:$0x4] =	stream.linear.gather [hbm4b:s22+s0], $0x80, $0x200038;
	[tilespmem:$0x18200] =	vst v63  }
0x23: {  	s3 =	simm.s32 $0x0;
	s0 =	simm.s32 $0x0;
	_ =	strace $0x90000058  }
.LBB2_2:
0x24: {  	s31 =	sadd.s32 $0x1, s0  }
0x25: {  	p2 =	seq.s32 s31, $0x2  }
0x26: {  	s31 =	simm.s32 @p2 $0x0  }
0x27: {  	p2 =	seq.s32 @p0 s0, s31  }
0x28: {  	p3 =	por p2, !p0  }
0x29: {  	s13 =	sadd.s32 @!p3 s7, s31  }
0x2a: {  	s14 =	sand.u32 @!p3 $0x1, s8;
	_ =	strace @!p3 $0x80000059;
	s13 =	sshll.u32 @!p3 s13, $0x4  }
0x2b: {  	s17 =	simm.s32 @!p3 $0x0;
	s15 =	sshll.u32 @!p3 s14, $0x7;
	s13 =	sand.u32 @!p3 $0x1FFFFFF0, s13  }
0x2c: {  	s14 =	sor.u32 @!p3 $0x2, s14;
	s15 =	sor.u32 @!p3 $0x8000, s15;
	s16 =	sadd.s32 @!p3 s4, s13  }
0x2d: {  	[tilespmem:s15], [sflag:s14] =	stream.linear.gather @!p3 [hbm4b:s16+s17], $0x80, $0x200038;
	[tilespmem:$0x18200] =	vst v63  }
0x2e: {  	s14 =	sand.u32 @!p3 $0x1, s12  }
0x2f: {  	s13 =	sadd.s32 @!p3 s5, s13;
	_ =	strace @!p3 $0x90000059;
	s15 =	sshll.u32 @!p3 s14, $0x7  }
0x30: {  	s14 =	sor.u32 @!p3 $0x4, s14;
	_ =	strace @!p3 $0x8000005A;
	s15 =	sor.u32 @!p3 $0x8100, s15  }
0x31: {  	[tilespmem:s15], [sflag:s14] =	stream.linear.gather @!p3 [hbm4b:s13+s17], $0x80, $0x200038;
	[tilespmem:$0x18200] =	vst v63  }
0x32: {  	s15 =	sand.u32 $0x1, s1;
	_ =	strace @!p3 $0x9000005A  }
0x33: {  	s13 =	sor.u32 $0x2, s15;
	_ =	strace $0x8000005B  }
0x34: {  	_ =	swait.ge [sflag:s13], $0x80  }
0x35: {  	[sflag:s13] =	ssyncset.done $0x0  }
0x36: {  	[sflag:s13] =	ssyncadd.s32 $0xFFFFFF80  }
0x37: {  	s16 =	sand.u32 $0x1, s11;
	_ =	strace $0x9000005B  }
0x38: {  	s13 =	sor.u32 $0x4, s16;
	_ =	strace $0x8000005C  }
0x39: {  	_ =	swait.ge [sflag:s13], $0x80  }
0x3a: {  	[sflag:s13] =	ssyncset.done $0x0  }
0x3b: {  	[sflag:s13] =	ssyncadd.s32 $0xFFFFFF80  }
0x3c: {  	s17 =	sshll.u32 s11, $0x7;
	_ =	strace $0x9000005C  }
0x3d: {  	s13 =	sand.u32 $0x80, s17;
	_ =	strace $0x8000005D  }
0x3e: {  	v3 =	vld [tilespmem:s13+$0x8100];
	_ =	sdelay $0x4  }
0x3f: {  	v4 =	vshll.u32 v3, $0x1  }
0x40: {  	v3 =	vand.u32 $0x7, v3;
	v4 =	vand.u32 $0xFFFFFFF0, v4  }
0x41: {  	v3 =	vor.u32 v3, v4  }
0x42: {  	v4 =	vperm.xlane v3, v0;
	_ =	sdelay $0x1  }
0x43: {  	v3 =	vperm.xlane v3, v2;
	v4 =	vadd.s32 v1, v4;
	_ =	sdelay $0x1  }
0x44: {  	v3 =	vadd.s32 v1, v3;
	_ =	sdelay $0x1  }
0x45: {  	s15 =	simm.s32 $0x0  }
0x46: {  	[tilespmem:s15], [sflag:$0x1] =	stream.indirect_vreg.gather [hbm4b:s2+s15], $0x80, v4, vm0, $0x2000b8;
	[tilespmem:$0x18200] =	vst v63  }
0x47: {  	s18 =	simm.s32 $0x800  }
0x48: {  	[tilespmem:s18], [sflag:$0x1] =	stream.indirect_vreg.gather [hbm4b:s2+s15], $0x80, v3, vm0, $0x2000b8;
	[tilespmem:$0x18200] =	vst v63  }
0x49: {  	v3 =	vld [tilespmem:s13+$0x8110];
	_ =	sdelay $0x4  }
0x4a: {  	v4 =	vshll.u32 v3, $0x1  }
0x4b: {  	v3 =	vand.u32 $0x7, v3;
	v4 =	vand.u32 $0xFFFFFFF0, v4  }
0x4c: {  	v3 =	vor.u32 v3, v4  }
0x4d: {  	v4 =	vperm.xlane v3, v0;
	_ =	sdelay $0x1  }
0x4e: {  	v3 =	vperm.xlane v3, v2;
	v4 =	vadd.s32 v1, v4;
	_ =	sdelay $0x1  }
0x4f: {  	v3 =	vadd.s32 v1, v3;
	_ =	sdelay $0x1  }
0x50: {  	s19 =	simm.s32 $0x1000  }
0x51: {  	[tilespmem:s19], [sflag:$0x1] =	stream.indirect_vreg.gather [hbm4b:s2+s15], $0x80, v4, vm0, $0x2000b8;
	[tilespmem:$0x18200] =	vst v63  }
0x52: {  	s20 =	simm.s32 $0x1800  }
0x53: {  	[tilespmem:s20], [sflag:$0x1] =	stream.indirect_vreg.gather [hbm4b:s2+s15], $0x80, v3, vm0, $0x2000b8;
	[tilespmem:$0x18200] =	vst v63  }
0x54: {  	v3 =	vld [tilespmem:s13+$0x8120];
	_ =	sdelay $0x4  }
0x55: {  	v4 =	vshll.u32 v3, $0x1  }
0x56: {  	v3 =	vand.u32 $0x7, v3;
	v4 =	vand.u32 $0xFFFFFFF0, v4  }
0x57: {  	v3 =	vor.u32 v3, v4  }
0x58: {  	v4 =	vperm.xlane v3, v0;
	_ =	sdelay $0x1  }
0x59: {  	v3 =	vperm.xlane v3, v2;
	v4 =	vadd.s32 v1, v4;
	_ =	sdelay $0x1  }
0x5a: {  	v3 =	vadd.s32 v1, v3;
	_ =	sdelay $0x1  }
0x5b: {  	s21 =	simm.s32 $0x2000  }
0x5c: {  	[tilespmem:s21], [sflag:$0x1] =	stream.indirect_vreg.gather [hbm4b:s2+s15], $0x80, v4, vm0, $0x2000b8;
	[tilespmem:$0x18200] =	vst v63  }
0x5d: {  	s22 =	simm.s32 $0x2800  }
0x5e: {  	[tilespmem:s22], [sflag:$0x1] =	stream.indirect_vreg.gather [hbm4b:s2+s15], $0x80, v3, vm0, $0x2000b8;
	[tilespmem:$0x18200] =	vst v63  }
0x5f: {  	v3 =	vld [tilespmem:s13+$0x8130];
	_ =	sdelay $0x4  }
0x60: {  	v4 =	vshll.u32 v3, $0x1  }
0x61: {  	v3 =	vand.u32 $0x7, v3;
	v4 =	vand.u32 $0xFFFFFFF0, v4  }
0x62: {  	v3 =	vor.u32 v3, v4  }
0x63: {  	v4 =	vperm.xlane v3, v0;
	_ =	sdelay $0x1  }
0x64: {  	v3 =	vperm.xlane v3, v2;
	v4 =	vadd.s32 v1, v4;
	_ =	sdelay $0x1  }
0x65: {  	v3 =	vadd.s32 v1, v3;
	_ =	sdelay $0x1  }
0x66: {  	s16 =	simm.s32 $0x3000  }
0x67: {  	[tilespmem:s16], [sflag:$0x1] =	stream.indirect_vreg.gather [hbm4b:s2+s15], $0x80, v4, vm0, $0x2000b8;
	[tilespmem:$0x18200] =	vst v63  }
0x68: {  	s17 =	simm.s32 $0x3800  }
0x69: {  	[tilespmem:s17], [sflag:$0x1] =	stream.indirect_vreg.gather [hbm4b:s2+s15], $0x80, v3, vm0, $0x2000b8;
	[tilespmem:$0x18200] =	vst v63  }
0x6a: {  	v3 =	vld [tilespmem:s13+$0x8140];
	_ =	sdelay $0x4  }
0x6b: {  	v4 =	vshll.u32 v3, $0x1  }
0x6c: {  	v3 =	vand.u32 $0x7, v3;
	v4 =	vand.u32 $0xFFFFFFF0, v4  }
0x6d: {  	v3 =	vor.u32 v3, v4  }
0x6e: {  	v4 =	vperm.xlane v3, v0;
	_ =	sdelay $0x1  }
0x6f: {  	v3 =	vperm.xlane v3, v2;
	v4 =	vadd.s32 v1, v4;
	_ =	sdelay $0x1  }
0x70: {  	v3 =	vadd.s32 v1, v3;
	_ =	sdelay $0x1  }
0x71: {  	s18 =	simm.s32 $0x4000  }
0x72: {  	[tilespmem:s18], [sflag:$0x1] =	stream.indirect_vreg.gather [hbm4b:s2+s15], $0x80, v4, vm0, $0x2000b8;
	[tilespmem:$0x18200] =	vst v63  }
0x73: {  	s19 =	simm.s32 $0x4800  }
0x74: {  	[tilespmem:s19], [sflag:$0x1] =	stream.indirect_vreg.gather [hbm4b:s2+s15], $0x80, v3, vm0, $0x2000b8;
	[tilespmem:$0x18200] =	vst v63  }
0x75: {  	v3 =	vld [tilespmem:s13+$0x8150];
	_ =	sdelay $0x4  }
0x76: {  	v4 =	vshll.u32 v3, $0x1  }
0x77: {  	v3 =	vand.u32 $0x7, v3;
	v4 =	vand.u32 $0xFFFFFFF0, v4  }
0x78: {  	v3 =	vor.u32 v3, v4  }
0x79: {  	v4 =	vperm.xlane v3, v0;
	_ =	sdelay $0x1  }
0x7a: {  	v3 =	vperm.xlane v3, v2;
	v4 =	vadd.s32 v1, v4;
	_ =	sdelay $0x1  }
0x7b: {  	v3 =	vadd.s32 v1, v3;
	_ =	sdelay $0x1  }
0x7c: {  	s20 =	simm.s32 $0x5000  }
0x7d: {  	[tilespmem:s20], [sflag:$0x1] =	stream.indirect_vreg.gather [hbm4b:s2+s15], $0x80, v4, vm0, $0x2000b8;
	[tilespmem:$0x18200] =	vst v63  }
0x7e: {  	_ = 	snop  }
0x7f: {  	[tilespmem:s23], [sflag:$0x1] =	stream.indirect_vreg.gather [hbm4b:s2+s15], $0x80, v3, vm0, $0x2000b8;
	[tilespmem:$0x18200] =	vst v63  }
0x80: {  	v3 =	vld [tilespmem:s13+$0x8160];
	_ =	sdelay $0x4  }
0x81: {  	v4 =	vshll.u32 v3, $0x1  }
0x82: {  	v3 =	vand.u32 $0x7, v3;
	v4 =	vand.u32 $0xFFFFFFF0, v4  }
0x83: {  	v3 =	vor.u32 v3, v4  }
0x84: {  	v4 =	vperm.xlane v3, v0;
	_ =	sdelay $0x1  }
0x85: {  	v3 =	vperm.xlane v3, v2;
	v4 =	vadd.s32 v1, v4;
	_ =	sdelay $0x1  }
0x86: {  	v3 =	vadd.s32 v1, v3;
	_ =	sdelay $0x2  }
0x87: {  	[tilespmem:s24], [sflag:$0x1] =	stream.indirect_vreg.gather [hbm4b:s2+s15], $0x80, v4, vm0, $0x2000b8;
	[tilespmem:$0x18200] =	vst v63  }
0x88: {  	_ = 	snop  }
0x89: {  	[tilespmem:s25], [sflag:$0x1] =	stream.indirect_vreg.gather [hbm4b:s2+s15], $0x80, v3, vm0, $0x2000b8;
	[tilespmem:$0x18200] =	vst v63  }
0x8a: {  	v3 =	vld [tilespmem:s13+$0x8170];
	_ =	sdelay $0x4  }
0x8b: {  	v4 =	vshll.u32 v3, $0x1  }
0x8c: {  	v3 =	vand.u32 $0x7, v3;
	v4 =	vand.u32 $0xFFFFFFF0, v4  }
0x8d: {  	v3 =	vor.u32 v3, v4  }
0x8e: {  	v4 =	vperm.xlane v3, v0;
	_ =	sdelay $0x1  }
0x8f: {  	v3 =	vperm.xlane v3, v2;
	v4 =	vadd.s32 v1, v4;
	_ =	sdelay $0x1  }
0x90: {  	v3 =	vadd.s32 v1, v3;
	_ =	sdelay $0x1  }
0x91: {  	s21 =	sshll.u32 s1, $0x7  }
0x92: {  	[tilespmem:s26], [sflag:$0x1] =	stream.indirect_vreg.gather [hbm4b:s2+s15], $0x80, v4, vm0, $0x2000b8;
	[tilespmem:$0x18200] =	vst v63  }
0x93: {  	s17 =	sand.u32 $0x80, s21  }
0x94: {  	[tilespmem:s28], [sflag:$0x1] =	stream.indirect_vreg.gather [hbm4b:s2+s15], $0x80, v3, vm0, $0x2000b8;
	[tilespmem:$0x18200] =	vst v63  }
0x95: {  	v3 =	vld [tilespmem:s17+$0x8000];
	_ =	sdelay $0x4  }
0x96: {  	v4 =	vshll.u32 v3, $0x1  }
0x97: {  	v3 =	vand.u32 $0x7, v3;
	v4 =	vand.u32 $0xFFFFFFF0, v4  }
0x98: {  	v3 =	vor.u32 v3, v4  }
0x99: {  	v4 =	vperm.xlane v3, v0;
	_ =	sdelay $0x1  }
0x9a: {  	v3 =	vperm.xlane v3, v2;
	v4 =	vadd.s32 v1, v4;
	_ =	sdelay $0x1  }
0x9b: {  	s13 =	sand.u32 $0x1, s9;
	v3 =	vadd.s32 v1, v3  }
0x9c: {  	s16 =	sshll.u32 s13, $0xF  }
0x9d: {  	s14 =	sadd.s32 $0x8200, s16  }
0x9e: {  	[tilespmem:s14], [sflag:$0x8] =	stream.indirect_vreg.gather [hbm4b:s2+s15], $0x80, v4, vm0, $0x2000b8;
	[tilespmem:$0x18200] =	vst v63  }
0x9f: {  	s18 =	sadd.s32 $0x8A00, s16  }
0xa0: {  	[tilespmem:s18], [sflag:$0x8] =	stream.indirect_vreg.gather [hbm4b:s2+s15], $0x80, v3, vm0, $0x2000b8;
	[tilespmem:$0x18200] =	vst v63  }
0xa1: {  	v3 =	vld [tilespmem:s17+$0x8010];
	_ =	sdelay $0x4  }
0xa2: {  	v4 =	vshll.u32 v3, $0x1  }
0xa3: {  	v3 =	vand.u32 $0x7, v3;
	v4 =	vand.u32 $0xFFFFFFF0, v4  }
0xa4: {  	v3 =	vor.u32 v3, v4  }
0xa5: {  	v4 =	vperm.xlane v3, v0;
	_ =	sdelay $0x1  }
0xa6: {  	v3 =	vperm.xlane v3, v2;
	v4 =	vadd.s32 v1, v4;
	_ =	sdelay $0x1  }
0xa7: {  	v3 =	vadd.s32 v1, v3;
	_ =	sdelay $0x1  }
0xa8: {  	s22 =	sadd.s32 $0x9200, s16  }
0xa9: {  	[tilespmem:s22], [sflag:$0x8] =	stream.indirect_vreg.gather [hbm4b:s2+s15], $0x80, v4, vm0, $0x2000b8;
	[tilespmem:$0x18200] =	vst v63  }
0xaa: {  	s19 =	sadd.s32 $0x9A00, s16  }
0xab: {  	[tilespmem:s19], [sflag:$0x8] =	stream.indirect_vreg.gather [hbm4b:s2+s15], $0x80, v3, vm0, $0x2000b8;
	[tilespmem:$0x18200] =	vst v63  }
0xac: {  	v3 =	vld [tilespmem:s17+$0x8020];
	_ =	sdelay $0x4  }
0xad: {  	v4 =	vshll.u32 v3, $0x1  }
0xae: {  	v3 =	vand.u32 $0x7, v3;
	v4 =	vand.u32 $0xFFFFFFF0, v4  }
0xaf: {  	v3 =	vor.u32 v3, v4  }
0xb0: {  	v4 =	vperm.xlane v3, v0;
	_ =	sdelay $0x1  }
0xb1: {  	v3 =	vperm.xlane v3, v2;
	v4 =	vadd.s32 v1, v4;
	_ =	sdelay $0x1  }
0xb2: {  	v3 =	vadd.s32 v1, v3;
	_ =	sdelay $0x1  }
0xb3: {  	s20 =	sadd.s32 $0xA200, s16  }
0xb4: {  	[tilespmem:s20], [sflag:$0x8] =	stream.indirect_vreg.gather [hbm4b:s2+s15], $0x80, v4, vm0, $0x2000b8;
	[tilespmem:$0x18200] =	vst v63  }
0xb5: {  	s21 =	sadd.s32 $0xAA00, s16  }
0xb6: {  	[tilespmem:s21], [sflag:$0x8] =	stream.indirect_vreg.gather [hbm4b:s2+s15], $0x80, v3, vm0, $0x2000b8;
	[tilespmem:$0x18200] =	vst v63  }
0xb7: {  	v3 =	vld [tilespmem:s17+$0x8030];
	_ =	sdelay $0x4  }
0xb8: {  	v4 =	vshll.u32 v3, $0x1  }
0xb9: {  	v3 =	vand.u32 $0x7, v3;
	v4 =	vand.u32 $0xFFFFFFF0, v4  }
0xba: {  	v3 =	vor.u32 v3, v4  }
0xbb: {  	v4 =	vperm.xlane v3, v0;
	_ =	sdelay $0x1  }
0xbc: {  	v3 =	vperm.xlane v3, v2;
	v4 =	vadd.s32 v1, v4;
	_ =	sdelay $0x1  }
0xbd: {  	v3 =	vadd.s32 v1, v3;
	_ =	sdelay $0x1  }
0xbe: {  	s22 =	sadd.s32 $0xB200, s16  }
0xbf: {  	[tilespmem:s22], [sflag:$0x8] =	stream.indirect_vreg.gather [hbm4b:s2+s15], $0x80, v4, vm0, $0x2000b8;
	[tilespmem:$0x18200] =	vst v63  }
0xc0: {  	s19 =	sadd.s32 $0xBA00, s16  }
0xc1: {  	[tilespmem:s19], [sflag:$0x8] =	stream.indirect_vreg.gather [hbm4b:s2+s15], $0x80, v3, vm0, $0x2000b8;
	[tilespmem:$0x18200] =	vst v63  }
0xc2: {  	v3 =	vld [tilespmem:s17+$0x8040];
	_ =	sdelay $0x4  }
0xc3: {  	v4 =	vshll.u32 v3, $0x1  }
0xc4: {  	v3 =	vand.u32 $0x7, v3;
	v4 =	vand.u32 $0xFFFFFFF0, v4  }
0xc5: {  	v3 =	vor.u32 v3, v4  }
0xc6: {  	v4 =	vperm.xlane v3, v0;
	_ =	sdelay $0x1  }
0xc7: {  	v3 =	vperm.xlane v3, v2;
	v4 =	vadd.s32 v1, v4;
	_ =	sdelay $0x1  }
0xc8: {  	v3 =	vadd.s32 v1, v3;
	_ =	sdelay $0x1  }
0xc9: {  	s20 =	sadd.s32 $0xC200, s16  }
0xca: {  	[tilespmem:s20], [sflag:$0x8] =	stream.indirect_vreg.gather [hbm4b:s2+s15], $0x80, v4, vm0, $0x2000b8;
	[tilespmem:$0x18200] =	vst v63  }
0xcb: {  	s21 =	sadd.s32 $0xCA00, s16  }
0xcc: {  	[tilespmem:s21], [sflag:$0x8] =	stream.indirect_vreg.gather [hbm4b:s2+s15], $0x80, v3, vm0, $0x2000b8;
	[tilespmem:$0x18200] =	vst v63  }
0xcd: {  	v3 =	vld [tilespmem:s17+$0x8050];
	_ =	sdelay $0x4  }
0xce: {  	v4 =	vshll.u32 v3, $0x1  }
0xcf: {  	v3 =	vand.u32 $0x7, v3;
	v4 =	vand.u32 $0xFFFFFFF0, v4  }
0xd0: {  	v3 =	vor.u32 v3, v4  }
0xd1: {  	v4 =	vperm.xlane v3, v0;
	_ =	sdelay $0x1  }
0xd2: {  	v3 =	vperm.xlane v3, v2;
	v4 =	vadd.s32 v1, v4;
	_ =	sdelay $0x1  }
0xd3: {  	v3 =	vadd.s32 v1, v3;
	_ =	sdelay $0x1  }
0xd4: {  	s22 =	sadd.s32 $0xD200, s16  }
0xd5: {  	[tilespmem:s22], [sflag:$0x8] =	stream.indirect_vreg.gather [hbm4b:s2+s15], $0x80, v4, vm0, $0x2000b8;
	[tilespmem:$0x18200] =	vst v63  }
0xd6: {  	s19 =	sadd.s32 $0xDA00, s16  }
0xd7: {  	[tilespmem:s19], [sflag:$0x8] =	stream.indirect_vreg.gather [hbm4b:s2+s15], $0x80, v3, vm0, $0x2000b8;
	[tilespmem:$0x18200] =	vst v63  }
0xd8: {  	v3 =	vld [tilespmem:s17+$0x8060];
	_ =	sdelay $0x4  }
0xd9: {  	v4 =	vshll.u32 v3, $0x1  }
0xda: {  	v3 =	vand.u32 $0x7, v3;
	v4 =	vand.u32 $0xFFFFFFF0, v4  }
0xdb: {  	v3 =	vor.u32 v3, v4  }
0xdc: {  	v4 =	vperm.xlane v3, v0;
	_ =	sdelay $0x1  }
0xdd: {  	v3 =	vperm.xlane v3, v2;
	v4 =	vadd.s32 v1, v4;
	_ =	sdelay $0x1  }
0xde: {  	v3 =	vadd.s32 v1, v3;
	_ =	sdelay $0x1  }
0xdf: {  	s20 =	sadd.s32 $0xE200, s16  }
0xe0: {  	[tilespmem:s20], [sflag:$0x8] =	stream.indirect_vreg.gather [hbm4b:s2+s15], $0x80, v4, vm0, $0x2000b8;
	[tilespmem:$0x18200] =	vst v63  }
0xe1: {  	s21 =	sadd.s32 $0xEA00, s16  }
0xe2: {  	[tilespmem:s21], [sflag:$0x8] =	stream.indirect_vreg.gather [hbm4b:s2+s15], $0x80, v3, vm0, $0x2000b8;
	[tilespmem:$0x18200] =	vst v63  }
0xe3: {  	v3 =	vld [tilespmem:s17+$0x8070];
	_ =	sdelay $0x4  }
0xe4: {  	v4 =	vshll.u32 v3, $0x1  }
0xe5: {  	v3 =	vand.u32 $0x7, v3;
	v4 =	vand.u32 $0xFFFFFFF0, v4  }
0xe6: {  	v3 =	vor.u32 v3, v4  }
0xe7: {  	v4 =	vperm.xlane v3, v0;
	_ =	sdelay $0x1  }
0xe8: {  	v3 =	vperm.xlane v3, v2;
	v4 =	vadd.s32 v1, v4;
	_ =	sdelay $0x1  }
0xe9: {  	v3 =	vadd.s32 v1, v3;
	_ =	sdelay $0x1  }
0xea: {  	s22 =	sadd.s32 $0xF200, s16  }
0xeb: {  	[tilespmem:s22], [sflag:$0x8] =	stream.indirect_vreg.gather [hbm4b:s2+s15], $0x80, v4, vm0, $0x2000b8;
	[tilespmem:$0x18200] =	vst v63  }
0xec: {  	s16 =	sadd.s32 $0xFA00, s16  }
0xed: {  	[tilespmem:s16], [sflag:$0x8] =	stream.indirect_vreg.gather [hbm4b:s2+s15], $0x80, v3, vm0, $0x2000b8;
	[tilespmem:$0x18200] =	vst v63  }
0xee: {  	_ =	swait.ge [sflag:s29], $0x8000  }
0xef: {  	v3 =	vmov s14;
	[sflag:s29] =	ssyncset.done $0x0  }
0xf0: {  	[sflag:s29] =	ssyncadd.s32 $0xFFFF8000  }
0xf1: {  	_ =	swait.ge [sflag:s30], $0x8000  }
0xf2: {  	s18 =	sand.u32 $0x7800, s15;
	s15 =	sand.u32 $0x380, s15;
	[sflag:s30] =	ssyncset.done $0x0  }
0xf3: {  	s15 =	sor.u32 s15, s18;
	[sflag:s30] =	ssyncadd.s32 $0xFFFF8000  }
0xf4: {  	v4 =	vld.idx.msk [tilespmem:v3+s15+$0x0 ss:$0x1], $0xffff  }
0xf5: {  	v5 =	vld [tilespmem:s15+$0x0];
	_ =	sdelay $0x4  }
0xf6: {  	v4 =	vadd.f32 v5, v4;
	_ =	sdelay $0x1  }
0xf7: {  	s16 =	sor.u32 $0x10, s15;
	[tilespmem:v3+s15+$0x0 ss:$0x1] =	vst.idx.msk $0xffff, v4  }
0xf8: {  	v4 =	vld.idx.msk [tilespmem:v3+s16+$0x0 ss:$0x1], $0xffff  }
0xf9: {  	v5 =	vld [tilespmem:s15+$0x10];
	_ =	sdelay $0x4  }
0xfa: {  	v4 =	vadd.f32 v5, v4;
	_ =	sdelay $0x1  }
0xfb: {  	s19 =	sor.u32 $0x20, s15;
	[tilespmem:v3+s16+$0x0 ss:$0x1] =	vst.idx.msk $0xffff, v4  }
0xfc: {  	v4 =	vld.idx.msk [tilespmem:v3+s19+$0x0 ss:$0x1], $0xffff  }
0xfd: {  	v5 =	vld [tilespmem:s15+$0x20];
	_ =	sdelay $0x4  }
0xfe: {  	v4 =	vadd.f32 v5, v4;
	_ =	sdelay $0x1  }
0xff: {  	s20 =	sor.u32 $0x30, s15;
	[tilespmem:v3+s19+$0x0 ss:$0x1] =	vst.idx.msk $0xffff, v4  }
0x100: {  	v4 =	vld.idx.msk [tilespmem:v3+s20+$0x0 ss:$0x1], $0xffff  }
0x101: {  	v5 =	vld [tilespmem:s15+$0x30];
	_ =	sdelay $0x4  }
0x102: {  	v4 =	vadd.f32 v5, v4;
	_ =	sdelay $0x1  }
0x103: {  	s21 =	sor.u32 $0x40, s15;
	[tilespmem:v3+s20+$0x0 ss:$0x1] =	vst.idx.msk $0xffff, v4  }
0x104: {  	v4 =	vld.idx.msk [tilespmem:v3+s21+$0x0 ss:$0x1], $0xffff  }
0x105: {  	v5 =	vld [tilespmem:s15+$0x40];
	_ =	sdelay $0x4  }
0x106: {  	v4 =	vadd.f32 v5, v4;
	_ =	sdelay $0x1  }
0x107: {  	s22 =	sor.u32 $0x50, s15;
	[tilespmem:v3+s21+$0x0 ss:$0x1] =	vst.idx.msk $0xffff, v4  }
0x108: {  	v4 =	vld.idx.msk [tilespmem:v3+s22+$0x0 ss:$0x1], $0xffff  }
0x109: {  	v5 =	vld [tilespmem:s15+$0x50];
	_ =	sdelay $0x4  }
0x10a: {  	v4 =	vadd.f32 v5, v4;
	_ =	sdelay $0x1  }
0x10b: {  	s17 =	sor.u32 $0x60, s15;
	[tilespmem:v3+s22+$0x0 ss:$0x1] =	vst.idx.msk $0xffff, v4  }
0x10c: {  	v4 =	vld.idx.msk [tilespmem:v3+s17+$0x0 ss:$0x1], $0xffff  }
0x10d: {  	v5 =	vld [tilespmem:s15+$0x60];
	_ =	sdelay $0x4  }
0x10e: {  	v4 =	vadd.f32 v5, v4;
	_ =	sdelay $0x1  }
0x10f: {  	s18 =	sor.u32 $0x70, s15;
	[tilespmem:v3+s17+$0x0 ss:$0x1] =	vst.idx.msk $0xffff, v4  }
0x110: {  	v4 =	vld.idx.msk [tilespmem:v3+s18+$0x0 ss:$0x1], $0xffff  }
0x111: {  	v5 =	vld [tilespmem:s15+$0x70];
	_ =	sdelay $0x4  }
0x112: {  	v4 =	vadd.f32 v5, v4  }
0x113: {  	s19 =	sor.u32 $0x400, s15  }
0x114: {  	[tilespmem:v3+s18+$0x0 ss:$0x1] =	vst.idx.msk $0xffff, v4;
	v4 =	vld.idx.msk [tilespmem:v3+s19+$0x0 ss:$0x1], $0xffff  }
0x115: {  	v5 =	vld [tilespmem:s15+$0x400];
	_ =	sdelay $0x4  }
0x116: {  	v4 =	vadd.f32 v5, v4;
	_ =	sdelay $0x1  }
0x117: {  	s20 =	sor.u32 $0x410, s15;
	[tilespmem:v3+s19+$0x0 ss:$0x1] =	vst.idx.msk $0xffff, v4  }
0x118: {  	v4 =	vld.idx.msk [tilespmem:v3+s20+$0x0 ss:$0x1], $0xffff  }
0x119: {  	v5 =	vld [tilespmem:s15+$0x410];
	_ =	sdelay $0x4  }
0x11a: {  	v4 =	vadd.f32 v5, v4;
	_ =	sdelay $0x1  }
0x11b: {  	s21 =	sor.u32 $0x420, s15;
	[tilespmem:v3+s20+$0x0 ss:$0x1] =	vst.idx.msk $0xffff, v4  }
0x11c: {  	v4 =	vld.idx.msk [tilespmem:v3+s21+$0x0 ss:$0x1], $0xffff  }
0x11d: {  	v5 =	vld [tilespmem:s15+$0x420];
	_ =	sdelay $0x4  }
0x11e: {  	v4 =	vadd.f32 v5, v4;
	_ =	sdelay $0x1  }
0x11f: {  	s22 =	sor.u32 $0x430, s15;
	[tilespmem:v3+s21+$0x0 ss:$0x1] =	vst.idx.msk $0xffff, v4  }
0x120: {  	v4 =	vld.idx.msk [tilespmem:v3+s22+$0x0 ss:$0x1], $0xffff  }
0x121: {  	v5 =	vld [tilespmem:s15+$0x430];
	_ =	sdelay $0x4  }
0x122: {  	v4 =	vadd.f32 v5, v4;
	_ =	sdelay $0x1  }
0x123: {  	s17 =	sor.u32 $0x440, s15;
	[tilespmem:v3+s22+$0x0 ss:$0x1] =	vst.idx.msk $0xffff, v4  }
0x124: {  	v4 =	vld.idx.msk [tilespmem:v3+s17+$0x0 ss:$0x1], $0xffff  }
0x125: {  	v5 =	vld [tilespmem:s15+$0x440];
	_ =	sdelay $0x4  }
0x126: {  	v4 =	vadd.f32 v5, v4;
	_ =	sdelay $0x1  }
0x127: {  	s18 =	sor.u32 $0x450, s15;
	[tilespmem:v3+s17+$0x0 ss:$0x1] =	vst.idx.msk $0xffff, v4  }
0x128: {  	v4 =	vld.idx.msk [tilespmem:v3+s18+$0x0 ss:$0x1], $0xffff  }
0x129: {  	v5 =	vld [tilespmem:s15+$0x450];
	_ =	sdelay $0x4  }
0x12a: {  	v4 =	vadd.f32 v5, v4;
	_ =	sdelay $0x1  }
0x12b: {  	s19 =	sor.u32 $0x460, s15;
	[tilespmem:v3+s18+$0x0 ss:$0x1] =	vst.idx.msk $0xffff, v4  }
0x12c: {  	v4 =	vld.idx.msk [tilespmem:v3+s19+$0x0 ss:$0x1], $0xffff  }
0x12d: {  	v5 =	vld [tilespmem:s15+$0x460];
	_ =	sdelay $0x4  }
0x12e: {  	v4 =	vadd.f32 v5, v4;
	_ =	sdelay $0x1  }
0x12f: {  	s21 =	sor.u32 $0x470, s15;
	[tilespmem:v3+s19+$0x0 ss:$0x1] =	vst.idx.msk $0xffff, v4  }
0x130: {  	v4 =	vld.idx.msk [tilespmem:v3+s21+$0x0 ss:$0x1], $0xffff  }
0x131: {  	v5 =	vld [tilespmem:s15+$0x470];
	_ =	sdelay $0x1  }
0x132: {  	p2 =	por !p2, !p0;
	s16 =	sadd.s32 s7, s0;
	s18 =	simm.s32 $0x80  }
0x133: {  	s17 =	smov.u32 s8;
	s22 =	sand.u32 $0x380, s18;
	s15 =	sadd.s32 @!p3 $0x1, s8  }
0x134: {  	s19 =	simm.s32 $0x100;
	s17 =	smov.u32 @p2 s15;
	s15 =	simm.s32 $0x0  }
0x135: {  	s20 =	sand.u32 $0x7800, s19;
	s19 =	simm.s32 $0x200;
	s15 =	simm.s32 @p2 $0x1;
	v4 =	vadd.f32 v5, v4  }
0x136: {  	s8 =	smov.u32 @p0 s17;
	s17 =	sor.u32 s22, s20;
	s15 =	simm.s32 @!p0 $0x0  }
.LBB2_3:
0x137: {  	p2 =	sne.s32 s19, $0x7F00;
	v5 =	vld.idx.msk [tilespmem:v3+s17+$0x0 ss:$0x1], $0xffff;
	[tilespmem:v3+s21+$0x0 ss:$0x1] =	vst.idx.msk $0xffff, v4;
	s20 =	smov.u32 s19;
	s19 =	sadd.s32 $0x100, s19  }
0x138: {  	v4 =	vld [tilespmem:s17+$0x0];
	_ =	sdelay $0x4  }
0x139: {  	v4 =	vadd.f32 v4, v5;
	_ =	sdelay $0x1  }
0x13a: {  	s21 =	sor.u32 $0x10, s17;
	[tilespmem:v3+s17+$0x0 ss:$0x1] =	vst.idx.msk $0xffff, v4  }
0x13b: {  	v4 =	vld.idx.msk [tilespmem:v3+s21+$0x0 ss:$0x1], $0xffff  }
0x13c: {  	v5 =	vld [tilespmem:s17+$0x10];
	_ =	sdelay $0x4  }
0x13d: {  	v4 =	vadd.f32 v5, v4;
	_ =	sdelay $0x1  }
0x13e: {  	[tilespmem:v3+s21+$0x0 ss:$0x1] =	vst.idx.msk $0xffff, v4;
	s21 =	sor.u32 $0x20, s17  }
0x13f: {  	v4 =	vld.idx.msk [tilespmem:v3+s21+$0x0 ss:$0x1], $0xffff  }
0x140: {  	v5 =	vld [tilespmem:s17+$0x20];
	_ =	sdelay $0x4  }
0x141: {  	v4 =	vadd.f32 v5, v4;
	_ =	sdelay $0x1  }
0x142: {  	[tilespmem:v3+s21+$0x0 ss:$0x1] =	vst.idx.msk $0xffff, v4;
	s21 =	sor.u32 $0x30, s17  }
0x143: {  	v4 =	vld.idx.msk [tilespmem:v3+s21+$0x0 ss:$0x1], $0xffff  }
0x144: {  	v5 =	vld [tilespmem:s17+$0x30];
	_ =	sdelay $0x4  }
0x145: {  	v4 =	vadd.f32 v5, v4;
	_ =	sdelay $0x1  }
0x146: {  	[tilespmem:v3+s21+$0x0 ss:$0x1] =	vst.idx.msk $0xffff, v4;
	s21 =	sor.u32 $0x40, s17  }
0x147: {  	v4 =	vld.idx.msk [tilespmem:v3+s21+$0x0 ss:$0x1], $0xffff  }
0x148: {  	v5 =	vld [tilespmem:s17+$0x40];
	_ =	sdelay $0x4  }
0x149: {  	v4 =	vadd.f32 v5, v4;
	_ =	sdelay $0x1  }
0x14a: {  	[tilespmem:v3+s21+$0x0 ss:$0x1] =	vst.idx.msk $0xffff, v4;
	s21 =	sor.u32 $0x50, s17  }
0x14b: {  	v4 =	vld.idx.msk [tilespmem:v3+s21+$0x0 ss:$0x1], $0xffff  }
0x14c: {  	v5 =	vld [tilespmem:s17+$0x50];
	_ =	sdelay $0x4  }
0x14d: {  	v4 =	vadd.f32 v5, v4;
	_ =	sdelay $0x1  }
0x14e: {  	[tilespmem:v3+s21+$0x0 ss:$0x1] =	vst.idx.msk $0xffff, v4;
	s21 =	sor.u32 $0x60, s17  }
0x14f: {  	v4 =	vld.idx.msk [tilespmem:v3+s21+$0x0 ss:$0x1], $0xffff  }
0x150: {  	v5 =	vld [tilespmem:s17+$0x60];
	_ =	sdelay $0x4  }
0x151: {  	v4 =	vadd.f32 v5, v4;
	_ =	sdelay $0x1  }
0x152: {  	[tilespmem:v3+s21+$0x0 ss:$0x1] =	vst.idx.msk $0xffff, v4;
	s21 =	sor.u32 $0x70, s17  }
0x153: {  	v4 =	vld.idx.msk [tilespmem:v3+s21+$0x0 ss:$0x1], $0xffff  }
0x154: {  	v5 =	vld [tilespmem:s17+$0x70];
	_ =	sdelay $0x4  }
0x155: {  	v4 =	vadd.f32 v5, v4  }
0x156: {  	s22 =	sor.u32 $0x400, s17  }
0x157: {  	[tilespmem:v3+s21+$0x0 ss:$0x1] =	vst.idx.msk $0xffff, v4;
	v4 =	vld.idx.msk [tilespmem:v3+s22+$0x0 ss:$0x1], $0xffff  }
0x158: {  	v5 =	vld [tilespmem:s17+$0x400];
	_ =	sdelay $0x4  }
0x159: {  	v4 =	vadd.f32 v5, v4;
	_ =	sdelay $0x1  }
0x15a: {  	s21 =	sor.u32 $0x410, s17;
	[tilespmem:v3+s22+$0x0 ss:$0x1] =	vst.idx.msk $0xffff, v4  }
0x15b: {  	v4 =	vld.idx.msk [tilespmem:v3+s21+$0x0 ss:$0x1], $0xffff  }
0x15c: {  	v5 =	vld [tilespmem:s17+$0x410];
	_ =	sdelay $0x4  }
0x15d: {  	v4 =	vadd.f32 v5, v4;
	_ =	sdelay $0x1  }
0x15e: {  	[tilespmem:v3+s21+$0x0 ss:$0x1] =	vst.idx.msk $0xffff, v4;
	s21 =	sor.u32 $0x420, s17  }
0x15f: {  	v4 =	vld.idx.msk [tilespmem:v3+s21+$0x0 ss:$0x1], $0xffff  }
0x160: {  	v5 =	vld [tilespmem:s17+$0x420];
	_ =	sdelay $0x4  }
0x161: {  	v4 =	vadd.f32 v5, v4;
	_ =	sdelay $0x1  }
0x162: {  	[tilespmem:v3+s21+$0x0 ss:$0x1] =	vst.idx.msk $0xffff, v4;
	s21 =	sor.u32 $0x430, s17  }
0x163: {  	v4 =	vld.idx.msk [tilespmem:v3+s21+$0x0 ss:$0x1], $0xffff  }
0x164: {  	v5 =	vld [tilespmem:s17+$0x430];
	_ =	sdelay $0x4  }
0x165: {  	v4 =	vadd.f32 v5, v4;
	_ =	sdelay $0x1  }
0x166: {  	[tilespmem:v3+s21+$0x0 ss:$0x1] =	vst.idx.msk $0xffff, v4;
	s21 =	sor.u32 $0x440, s17  }
0x167: {  	v4 =	vld.idx.msk [tilespmem:v3+s21+$0x0 ss:$0x1], $0xffff  }
0x168: {  	v5 =	vld [tilespmem:s17+$0x440];
	_ =	sdelay $0x4  }
0x169: {  	v4 =	vadd.f32 v5, v4;
	_ =	sdelay $0x1  }
0x16a: {  	[tilespmem:v3+s21+$0x0 ss:$0x1] =	vst.idx.msk $0xffff, v4;
	s21 =	sor.u32 $0x450, s17  }
0x16b: {  	v4 =	vld.idx.msk [tilespmem:v3+s21+$0x0 ss:$0x1], $0xffff  }
0x16c: {  	v5 =	vld [tilespmem:s17+$0x450];
	_ =	sdelay $0x4  }
0x16d: {  	v4 =	vadd.f32 v5, v4;
	_ =	sdelay $0x1  }
0x16e: {  	[tilespmem:v3+s21+$0x0 ss:$0x1] =	vst.idx.msk $0xffff, v4;
	s21 =	sor.u32 $0x460, s17  }
0x16f: {  	v4 =	vld.idx.msk [tilespmem:v3+s21+$0x0 ss:$0x1], $0xffff  }
0x170: {  	v5 =	vld [tilespmem:s17+$0x460];
	_ =	sdelay $0x4  }
0x171: {  	v4 =	vadd.f32 v5, v4;
	_ =	sdelay $0x1  }
0x172: {  	[tilespmem:v3+s21+$0x0 ss:$0x1] =	vst.idx.msk $0xffff, v4;
	s21 =	sor.u32 $0x470, s17  }
0x173: {  	v4 =	vld.idx.msk [tilespmem:v3+s21+$0x0 ss:$0x1], $0xffff  }
0x174: {  	v5 =	vld [tilespmem:s17+$0x470];
	_ =	sdelay $0x1  }
.Ltmp2:
0x175: {  	(pc) =	sbr.rel @p2 .LBB2_3-.Ltmp2, $4  }
0x176: {  	_ = 	snop  }
0x177: {  	s18 =	sadd.s32 $0x80, s18  }
0x178: {  	s17 =	sand.u32 $0x7800, s20;
	s20 =	sand.u32 $0x380, s18;
	v4 =	vadd.f32 v5, v4  }
0x179: {  	s17 =	sor.u32 s20, s17  }
0x17a: {  	_ =	sdelay $0x3  }
0x17b: {  	v5 =	vld.idx.msk [tilespmem:v3+s17+$0x0 ss:$0x1], $0xffff;
	[tilespmem:v3+s21+$0x0 ss:$0x1] =	vst.idx.msk $0xffff, v4  }
0x17c: {  	v4 =	vld [tilespmem:s17+$0x0];
	_ =	sdelay $0x4  }
0x17d: {  	v4 =	vadd.f32 v4, v5;
	_ =	sdelay $0x1  }
0x17e: {  	s18 =	sor.u32 $0x10, s17;
	[tilespmem:v3+s17+$0x0 ss:$0x1] =	vst.idx.msk $0xffff, v4  }
0x17f: {  	v4 =	vld.idx.msk [tilespmem:v3+s18+$0x0 ss:$0x1], $0xffff  }
0x180: {  	v48 =	vld [tilespmem:s17+$0x10];
	_ =	sdelay $0x4  }
0x181: {  	v4 =	vadd.f32 v48, v4;
	_ =	sdelay $0x1  }
0x182: {  	s21 =	sor.u32 $0x20, s17;
	[tilespmem:v3+s18+$0x0 ss:$0x1] =	vst.idx.msk $0xffff, v4  }
0x183: {  	v4 =	vld.idx.msk [tilespmem:v3+s21+$0x0 ss:$0x1], $0xffff  }
0x184: {  	v49 =	vld [tilespmem:s17+$0x20];
	_ =	sdelay $0x4  }
0x185: {  	v4 =	vadd.f32 v49, v4;
	_ =	sdelay $0x1  }
0x186: {  	s22 =	sor.u32 $0x30, s17;
	[tilespmem:v3+s21+$0x0 ss:$0x1] =	vst.idx.msk $0xffff, v4  }
0x187: {  	v4 =	vld.idx.msk [tilespmem:v3+s22+$0x0 ss:$0x1], $0xffff  }
0x188: {  	v50 =	vld [tilespmem:s17+$0x30];
	_ =	sdelay $0x4  }
0x189: {  	v4 =	vadd.f32 v50, v4;
	_ =	sdelay $0x1  }
0x18a: {  	s19 =	sor.u32 $0x40, s17;
	[tilespmem:v3+s22+$0x0 ss:$0x1] =	vst.idx.msk $0xffff, v4  }
0x18b: {  	v4 =	vld.idx.msk [tilespmem:v3+s19+$0x0 ss:$0x1], $0xffff  }
0x18c: {  	v51 =	vld [tilespmem:s17+$0x40];
	_ =	sdelay $0x4  }
0x18d: {  	v4 =	vadd.f32 v51, v4;
	_ =	sdelay $0x1  }
0x18e: {  	s20 =	sor.u32 $0x50, s17;
	[tilespmem:v3+s19+$0x0 ss:$0x1] =	vst.idx.msk $0xffff, v4  }
0x18f: {  	v4 =	vld.idx.msk [tilespmem:v3+s20+$0x0 ss:$0x1], $0xffff  }
0x190: {  	v52 =	vld [tilespmem:s17+$0x50];
	_ =	sdelay $0x4  }
0x191: {  	v4 =	vadd.f32 v52, v4;
	_ =	sdelay $0x1  }
0x192: {  	s21 =	sor.u32 $0x60, s17;
	[tilespmem:v3+s20+$0x0 ss:$0x1] =	vst.idx.msk $0xffff, v4  }
0x193: {  	v4 =	vld.idx.msk [tilespmem:v3+s21+$0x0 ss:$0x1], $0xffff  }
0x194: {  	v53 =	vld [tilespmem:s17+$0x60];
	_ =	sdelay $0x4  }
0x195: {  	v4 =	vadd.f32 v53, v4;
	_ =	sdelay $0x1  }
0x196: {  	s22 =	sor.u32 $0x70, s17;
	[tilespmem:v3+s21+$0x0 ss:$0x1] =	vst.idx.msk $0xffff, v4  }
0x197: {  	v4 =	vld.idx.msk [tilespmem:v3+s22+$0x0 ss:$0x1], $0xffff  }
0x198: {  	v54 =	vld [tilespmem:s17+$0x70];
	_ =	sdelay $0x4  }
0x199: {  	v4 =	vadd.f32 v54, v4  }
0x19a: {  	s19 =	sor.u32 $0x400, s17  }
0x19b: {  	v55 =	vld.idx.msk [tilespmem:v3+s19+$0x0 ss:$0x1], $0xffff;
	[tilespmem:v3+s22+$0x0 ss:$0x1] =	vst.idx.msk $0xffff, v4  }
0x19c: {  	v56 =	vld [tilespmem:s17+$0x400];
	_ =	sdelay $0x4  }
0x19d: {  	v4 =	vadd.f32 v56, v55;
	_ =	sdelay $0x1  }
0x19e: {  	s20 =	sor.u32 $0x410, s17;
	[tilespmem:v3+s19+$0x0 ss:$0x1] =	vst.idx.msk $0xffff, v4  }
0x19f: {  	v4 =	vld.idx.msk [tilespmem:v3+s20+$0x0 ss:$0x1], $0xffff  }
0x1a0: {  	v57 =	vld [tilespmem:s17+$0x410];
	_ =	sdelay $0x4  }
0x1a1: {  	v4 =	vadd.f32 v57, v4;
	_ =	sdelay $0x1  }
0x1a2: {  	s21 =	sor.u32 $0x420, s17;
	[tilespmem:v3+s20+$0x0 ss:$0x1] =	vst.idx.msk $0xffff, v4  }
0x1a3: {  	v4 =	vld.idx.msk [tilespmem:v3+s21+$0x0 ss:$0x1], $0xffff  }
0x1a4: {  	v58 =	vld [tilespmem:s17+$0x420];
	_ =	sdelay $0x4  }
0x1a5: {  	v4 =	vadd.f32 v58, v4;
	_ =	sdelay $0x1  }
0x1a6: {  	s22 =	sor.u32 $0x430, s17;
	[tilespmem:v3+s21+$0x0 ss:$0x1] =	vst.idx.msk $0xffff, v4  }
0x1a7: {  	v4 =	vld.idx.msk [tilespmem:v3+s22+$0x0 ss:$0x1], $0xffff  }
0x1a8: {  	v59 =	vld [tilespmem:s17+$0x430];
	_ =	sdelay $0x4  }
0x1a9: {  	v4 =	vadd.f32 v59, v4;
	_ =	sdelay $0x1  }
0x1aa: {  	s19 =	sor.u32 $0x440, s17;
	[tilespmem:v3+s22+$0x0 ss:$0x1] =	vst.idx.msk $0xffff, v4  }
0x1ab: {  	v4 =	vld.idx.msk [tilespmem:v3+s19+$0x0 ss:$0x1], $0xffff  }
0x1ac: {  	v60 =	vld [tilespmem:s17+$0x440];
	_ =	sdelay $0x4  }
0x1ad: {  	v4 =	vadd.f32 v60, v4;
	_ =	sdelay $0x1  }
0x1ae: {  	s20 =	sor.u32 $0x450, s17;
	[tilespmem:v3+s19+$0x0 ss:$0x1] =	vst.idx.msk $0xffff, v4  }
0x1af: {  	v4 =	vld.idx.msk [tilespmem:v3+s20+$0x0 ss:$0x1], $0xffff  }
0x1b0: {  	v61 =	vld [tilespmem:s17+$0x450];
	_ =	sdelay $0x4  }
0x1b1: {  	v4 =	vadd.f32 v61, v4;
	_ =	sdelay $0x1  }
0x1b2: {  	s21 =	sor.u32 $0x460, s17;
	[tilespmem:v3+s20+$0x0 ss:$0x1] =	vst.idx.msk $0xffff, v4  }
0x1b3: {  	v4 =	vld.idx.msk [tilespmem:v3+s21+$0x0 ss:$0x1], $0xffff  }
0x1b4: {  	v62 =	vld [tilespmem:s17+$0x460];
	_ =	sdelay $0x4  }
0x1b5: {  	v4 =	vadd.f32 v62, v4;
	_ =	sdelay $0x1  }
0x1b6: {  	s22 =	sor.u32 $0x470, s17;
	[tilespmem:v3+s21+$0x0 ss:$0x1] =	vst.idx.msk $0xffff, v4  }
0x1b7: {  	v4 =	vld.idx.msk [tilespmem:v3+s22+$0x0 ss:$0x1], $0xffff  }
0x1b8: {  	v63 =	vld [tilespmem:s17+$0x470];
	_ =	sdelay $0x2  }
0x1b9: {  	p2 =	seq.s32 s0, s31;
	p1 =	por !p1, !p1  }
0x1ba: {  	p1 =	por !p1, !p2  }
0x1bb: {  	p1 =	por !p1, !p1;
	v4 =	vadd.f32 v63, v4  }
0x1bc: {  	p0 =	por p1, p0  }
.Ltmp3:
0x1bd: {  	s0 =	sshll.u32 @!p1 s16, $0xC;
	[tilespmem:v3+s22+$0x0 ss:$0x1] =	vst.idx.msk $0xffff, v4;
	(pc) =	sbr.rel @!p0 .LBB2_6-.Ltmp3, $4  }
0x1be: {  	s13 =	sor.u32 @!p1 $0x6, s13;
	s0 =	sand.u32 @!p1 $0x1FFFF000, s0;
	_ =	strace $0x9000005D  }
0x1bf: {  	s16 =	simm.s32 @!p1 $0x0;
	s0 =	sadd.s32 @!p1 s6, s0;
	_ =	strace @!p1 $0x8000005E  }
0x1c0: {  	[hbm4b:s0+s16] =	stream.linear.scatter @!p1 [tilespmem:s14], [sflag:s13], $0x8000, $0x200038;
	[tilespmem:$0x18200] =	vst v63  }
0x1c1: {  	_ =	strace @!p1 $0x9000005E  }
.Ltmp4:
0x1c2: {  	s13 =	sadd.s32 @!p1 $0x1, s9;
	(pc) =	sbr.rel .LBB2_2-.Ltmp4, $4  }
0x1c3: {  	s0 =	simm.s32 @!p1 $0x1;
	s12 =	sadd.s32 s12, s15;
	s3 =	sadd.s32 s10, s3  }
0x1c4: {  	s10 =	simm.s32 $0x1;
	p0 =	por $0x0, $0x0;
	s0 =	simm.s32 @p1 $0x0  }
0x1c5: {  	s13 =	smov.u32 @p1 s9;
	p1 =	por $0x1, $0x1;
	s1 =	sadd.s32 s0, s1  }
0x1c6: {  	s11 =	sadd.s32 s0, s11;
	s0 =	smov.u32 s31;
	s9 =	smov.u32 s13  }
.LBB2_7:
0x1c7: {  	_ =	sfence.sel $0x180000  }
0x1c8: {  	[bflag:$0x0] =	sbarrier.arrive $0xFFFF  }
0x1c9: {  	_ =	strace $0x90000057  }
0x1ca: {  	s0 =	stileid.u32;
	[bflag:$0x2] =	sbarrier.arrive $0xFFFF  }
0x1cb: {  	p0 =	sne.s32 s0, $0x0;
	s0 =	rddreg [dreg:$0x1]  }
0x1cc: {  	s0 =	sadd.s32 @!p0 $0x100000, s0  }
0x1cd: {  	[sflag:s0] =	ssyncadd.tile.s32 @!p0 $0x1;
	_ =	shalt  }
.Lfunc_end2:
_tile_overlayer_lowered:
.L_overlay_start_2:
0x1ce: {  	(tag) =	ssettag $0x2  }
0x1cf: {  	s0 =	rddreg [dreg:$0x0];
	s2 =	stileid.u32  }
0x1d0: {  	s1 =	rddreg [dreg:$0x1];
	p0 =	sne.s32 s2, $0x0  }
0x1d1: {  	s3 =	rddreg [dreg:$0x2];
	[bflag:$0x3] =	sbarrier.arrive $0xFFFF;
	s2 =	simm.s32 @!p0 $0x1C02  }
0x1d2: {  	[timem:s3], [sflag:s2] =	dma.local @!p0 [hbm:s0], s1  }
0x1d3: {  	s0 =	simm.s32 @!p0 $0x2  }
0x1d4: {  	_ =	swait.ge @!p0 [sflag:s0], s1  }
0x1d5: {  	s1 =	ssub.s32 @!p0 $0x0, s1;
	[sflag:s0] =	ssyncset.done @!p0 $0x0  }
0x1d6: {  	[sflag:s0] =	ssyncadd.s32 @!p0 s1  }
0x1d7: {  	[bflag:$0x3] =	sbarrier.arrive $0xFFFF  }
0x1d8: {  	_ =	shalt  }

// kernel: kernel.6.cloned.1.call-start
scs
__scs_entry_jumppad:
0x0: {  	(pc) =	sbr.rel $0x88, $3  }
0x1: {  	(tag) =	ssettag $0x0;
	lr =	simm.s32 $0x1  }
0x2: {  	[smem:$0x3F9C] =	sst lr;
	_ =	strace $0xD0000000  }
0x3: {  	_ = 	snop  }
0x4: {  	_ = 	snop  }
0x5: {  	_ = 	snop  }
0x6: {  	_ = 	snop  }
0x7: {  	_ = 	snop  }
__scs_overlays_trampoline_lowered:
0x8: {  	[smem:$0x3FAB] =	sst s0  }
0x9: {  	[smem:$0x3FAC] =	sst s1  }
0xa: {  	[smem:$0x3FAD] =	sst s2  }
0xb: {  	[smem:$0x3FAE] =	sst s3  }
0xc: {  	[smem:$0x3FAF] =	sst s4  }
0xd: {  	[smem:$0x3FB0] =	sst s5  }
0xe: {  	[smem:$0x3FB1] =	sst s6  }
0xf: {  	[smem:$0x3FB2] =	sst s7  }
0x10: {  	[smem:$0x3FB3] =	sst s8  }
0x11: {  	[smem:$0x3FB4] =	sst s9;
	s0 =	simm.s32 @!p0 $0x0  }
0x12: {  	s1 =	sld [smem:$0x3F9A];
	s0 =	simm.s32 @p0 $0x1  }
0x13: {  	[smem:$0x3FB5] =	sst s0;
	s0 =	simm.s32 @!p1 $0x0  }
0x14: {  	s2 =	sld [smem:$0x3F99];
	s0 =	simm.s32 @p1 $0x1  }
0x15: {  	[smem:$0x3FB6] =	sst s0;
	s0 =	simm.s32 @!p2 $0x0  }
0x16: {  	s3 =	sld [smem:$0x3FDB];
	s0 =	simm.s32 @p2 $0x1  }
0x17: {  	s4 =	simm.s32 $0x1BF5;
	[smem:$0x3FB8] =	sst s0  }
0x18: {  	s0 =	sld [smem:$0x3F9B];
	_ =	swait.ge [sflag:s4], $0x0  }
0x19: {  	s7 =	sld [smem:$0x3F9C]  }
0x1a: {  	s8 =	sadd.s32 $0xFFFFE003, lr  }
0x1b: {  	s9 =	sadd.s32 $0xFFFFFEF7, lr;
	s5 =	simm.s32 $0xFFFFFFFF;
	p2 =	slt.u32 s8, $0xFFFFF086  }
0x1c: {  	p1 =	slt.u32 s9, $0xF7A;
	s5 =	simm.s32 @!p2 $0x0  }
0x1d: {  	s5 =	simm.s32 @p1 $0x1;
	p0 =	seq.s32 s7, s2  }
0x1e: {  	s7 =	smul.u32 @!p0 $0xF7A, s2;
	p2 =	seq.s32 @!p0 s5, $0x0  }
0x1f: {  	s9 =	smul.u32 $0xF7A, s1;
	s8 =	simm.s32 @!p0 $0x1BF5;
	p2 =	por !p2, p0  }
0x20: {  	[sflag:s8] =	ssyncset.s32 @!p0 $0xFFFFF086;
	s6 =	sadd.s32 @!p0 s3, s7;
	s7 =	simm.s32 @!p0 $0x108  }
0x21: {  	s3 =	sadd.s32 s3, s9;
	s6 =	sadd.s32 @!p0 $0x88, s6;
	s7 =	simm.s32 @p2 $0x1082  }
0x22: {  	[simem:s7], [sflag:s8] =	dma.local @!p0 [hbm:s6], $0xF7A  }
0x23: {  	s9 =	sor.u32 $0xD0000000, s2;
	s6 =	simm.s32 $0x108;
	_ =	swait.ge @!p0 [sflag:s8], $0x0  }
0x24: {  	s3 =	sadd.s32 $0x88, s3;
	s6 =	simm.s32 @!p1 $0x1082;
	[sflag:s4] =	ssyncset.s32 $0xFFFFF086  }
0x25: {  	[simem:s6], [sflag:s4] =	dma.local [hbm:s3], $0xF7A  }
0x26: {  	[smem:$0x3F9C] =	sst s1;
	(tag) =	ssettag s2;
	_ =	strace s9  }
0x27: {  	s1 =	sld [smem:$0x3FAC]  }
0x28: {  	s2 =	sld [smem:$0x3FAD]  }
0x29: {  	s4 =	sld [smem:$0x3FAF]  }
0x2a: {  	p0 =	seq.s32 s5, $0x0;
	s5 =	sld [smem:$0x3FB0]  }
0x2b: {  	s6 =	sld [smem:$0x3FB1]  }
0x2c: {  	s7 =	sld [smem:$0x3FB2]  }
0x2d: {  	s3 =	simm.s32 $0x108;
	s8 =	sld [smem:$0x3FB3]  }
0x2e: {  	s3 =	simm.s32 @!p0 $0x1082;
	s9 =	sld [smem:$0x3FB4]  }
0x2f: {  	lr =	sadd.s32 s0, s3;
	s0 =	sld [smem:$0x3FAB]  }
0x30: {  	s3 =	sld [smem:$0x3FAE]  }
0x31: {  	[smem:$0x3FB7] =	sst s10  }
0x32: {  	s10 =	sld [smem:$0x3FB5];
	_ =	sdelay $0x3  }
0x33: {  	p0 =	seq.s32 s10, $0x1;
	s10 =	sld [smem:$0x3FB7];
	_ =	sdelay $0x3  }
0x34: {  	[smem:$0x3FB7] =	sst s10  }
0x35: {  	s10 =	sld [smem:$0x3FB6];
	_ =	sdelay $0x3  }
0x36: {  	p1 =	seq.s32 s10, $0x1;
	s10 =	sld [smem:$0x3FB7];
	_ =	sdelay $0x3  }
0x37: {  	[smem:$0x3FB7] =	sst s10  }
0x38: {  	s10 =	sld [smem:$0x3FB8]  }
0x39: {  	_ = 	snop;
	(pc) =	sbr.ind lr, $3  }
0x3a: {  	_ = 	snop  }
0x3b: {  	_ = 	snop  }
0x3c: {  	p2 =	seq.s32 s10, $0x1;
	s10 =	sld [smem:$0x3FB7]  }
0x3d: {  	_ =	shalt  }
0x3e: {  	_ =	shalt  }
0x3f: {  	_ =	shalt  }
0x40: {  	_ =	shalt  }
0x41: {  	_ =	shalt  }
0x42: {  	_ =	shalt  }
0x43: {  	_ =	shalt  }
0x44: {  	_ =	shalt  }
0x45: {  	_ =	shalt  }
0x46: {  	_ =	shalt  }
0x47: {  	_ =	shalt  }
0x48: {  	_ =	shalt  }
0x49: {  	_ =	shalt  }
0x4a: {  	_ =	shalt  }
0x4b: {  	_ =	shalt  }
0x4c: {  	_ =	shalt  }
0x4d: {  	_ =	shalt  }
0x4e: {  	_ =	shalt  }
0x4f: {  	_ =	shalt  }
0x50: {  	_ =	shalt  }
0x51: {  	_ =	shalt  }
0x52: {  	_ =	shalt  }
0x53: {  	_ =	shalt  }
0x54: {  	_ =	shalt  }
0x55: {  	_ =	shalt  }
0x56: {  	_ =	shalt  }
0x57: {  	_ =	shalt  }
0x58: {  	_ =	shalt  }
0x59: {  	_ =	shalt  }
0x5a: {  	_ =	shalt  }
0x5b: {  	_ =	shalt  }
0x5c: {  	_ =	shalt  }
0x5d: {  	_ =	shalt  }
0x5e: {  	_ =	shalt  }
0x5f: {  	_ =	shalt  }
0x60: {  	_ =	shalt  }
0x61: {  	_ =	shalt  }
0x62: {  	_ =	shalt  }
0x63: {  	_ =	shalt  }
0x64: {  	_ =	shalt  }
0x65: {  	_ =	shalt  }
0x66: {  	_ =	shalt  }
0x67: {  	_ =	shalt  }
0x68: {  	_ =	shalt  }
0x69: {  	_ =	shalt  }
0x6a: {  	_ =	shalt  }
0x6b: {  	_ =	shalt  }
0x6c: {  	_ =	shalt  }
0x6d: {  	_ =	shalt  }
0x6e: {  	_ =	shalt  }
0x6f: {  	_ =	shalt  }
0x70: {  	_ =	shalt  }
0x71: {  	_ =	shalt  }
0x72: {  	_ =	shalt  }
0x73: {  	_ =	shalt  }
0x74: {  	_ =	shalt  }
0x75: {  	_ =	shalt  }
0x76: {  	_ =	shalt  }
0x77: {  	_ =	shalt  }
0x78: {  	_ =	shalt  }
0x79: {  	_ =	shalt  }
0x7a: {  	_ =	shalt  }
0x7b: {  	_ =	shalt  }
0x7c: {  	_ =	shalt  }
0x7d: {  	_ =	shalt  }
0x7e: {  	_ =	shalt  }
0x7f: {  	_ =	shalt  }
0x80: {  	_ =	shalt  }
0x81: {  	_ =	shalt  }
0x82: {  	_ =	shalt  }
0x83: {  	_ =	shalt  }
0x84: {  	_ =	shalt  }
0x85: {  	_ =	shalt  }
0x86: {  	_ =	shalt  }
0x87: {  	_ =	shalt  }
.Lfunc_end0:
.L_simem_size_0:
called_computation.1_lowered:
.L_overlay_start_0:
0x88: {  	s2 =	sld [smem:$0x3FD9]  }
0x89: {  	s3 =	sld [smem:$0x3FFE];
	_ =	sdelay $0x1  }
0x8a: {  	s1 =	srdreg.scid  }
0x8b: {  	s0 =	sand.u32 $0x1, s1  }
0x8c: {  	s16 =	sshll.u32 s0, $0xA;
	s2 =	sadd.s32 s3, s2  }
0x8d: {  	s2 =	sadd.s32 s2, s16  }
0x8e: {  	[smem:$0x3FC3] =	sst s2  }
0x8f: {  	_ = 	snop  }
0x90: {  	(tm) =	ssettm $0x1  }
0x91: {  	s17 =	sld [smem:$0x3FFB];
	_ =	sdelay $0x3  }
0x92: {  	_ =	strace s17  }
0x93: {  	s2 =	sld [smem:$0x3FFC];
	_ =	sdelay $0x3  }
0x94: {  	_ =	strace s2  }
0x95: {  	s2 =	sld [smem:$0x3FFD];
	_ =	sdelay $0x3  }
0x96: {  	_ =	strace s2  }
0x97: {  	_ =	strace $0x8FFFFFFF  }
0x98: {  	s18 =	sld [smem:$0x3FDB];
	_ =	sdelay $0x1  }
0x99: {  	s19 =	simm.s32 $_scs_section_size  }
0x9a: {  	s4 =	simm.s32 $_size__tile_overlayer_lowered;
	s5 =	simm.s32 $_tile_overlayer_lowered  }
0x9b: {  	s22 =	simm.s32 $0x1BFF;
	s21 =	sshll.u32 s5, $0x1;
	s2 =	sadd.s32 s19, s18  }
0x9c: {  	s6 =	simm.s32 $0x0;
	s20 =	sshll.u32 s4, $0x1;
	s4 =	sadd.s32 s21, s2  }
0x9d: {  	[timem:s6], [sflag:s22] =	dma.local [hbm:s4], s20  }
0x9e: {  	_ =	swait.ge [sflag:s22], s20  }
0x9f: {  	s3 =	ssub.s32 $0x0, s20;
	[sflag:s22] =	ssyncset.done $0x0  }
0xa0: {  	[sflag:s22] =	ssyncadd.s32 s3;
	_ =	sdelay $0x1  }
0xa1: {  	s23 =	simm.s32 $0x1B8B  }
0xa2: {  	_ =	swait.ge [sflag:s23], $0x1  }
0xa3: {  	[sflag:s23] =	ssyncset.done $0x0  }
0xa4: {  	s25 =	simm.s32 $0x1B8E;
	s24 =	sld [smem:$0x3FFE];
	[sflag:s23] =	ssyncadd.s32 $0xFFFFFFFF  }
0xa5: {  	s26 =	simm.s32 $execute0_lowered;
	[smem:$0x3FD2] =	sst s25  }
0xa6: {  	s4 =	sshll.u32 s26, $0x1;
	_ =	strace $0x80000049;
	[dreg:$0x1] =	wrdreg $0xFFFFFFFF  }
0xa7: {  	s28 =	simm.s32 $_size_execute0_lowered;
	s2 =	sadd.s32 s2, s4;
	[dreg:$0x0] =	wrdreg $0x0  }
0xa8: {  	s4 =	sshll.u32 s28, $0x1;
	[dreg:$0x2] =	wrdreg s2  }
0xa9: {  	[dreg:$0x3] =	wrdreg s4  }
0xaa: {  	[dreg:$0x4] =	wrdreg $0xC0  }
0xab: {  	_ =	task [dreg:s6], $0x5FFFF  }
0xac: {  	[dreg:$0x1] =	wrdreg $0xFFFFFFFF  }
0xad: {  	[dreg:$0x0] =	wrdreg $0x60  }
0xae: {  	[dreg:$0x2] =	wrdreg s24  }
0xaf: {  	[dreg:$0x3] =	wrdreg $0x9  }
0xb0: {  	_ =	task.clear_ibuf [dreg:s6], $0x4FFFF;
	_ =	strace $0x90000049  }
0xb1: {  	s29 =	simm.s32 $0x9;
	_ =	strace $0x8000004B  }
0xb2: {  	_ =	swait.ge [sflag:s29], $0x1  }
0xb3: {  	[sflag:s29] =	ssyncadd.s32 $0xFFFFFFFF  }
0xb4: {  	_ =	strace $0x9000004B  }
0xb5: {  	_ =	sfence  }
0xb6: {  	s30 =	sld [smem:$0x0];
	_ =	sdelay $0x2  }
0xb7: {  	s31 =	sshll.u32 s1, $0xD;
	s1 =	sshrl.u32 s1, $0x2  }
0xb8: {  	s3 =	sand.u32 $0x4000, s31;
	s1 =	sadd.s32 s1, s30  }
0xb9: {  	s0 =	sor.u32 s3, s0;
	s1 =	sshll.u32 s1, $0x11  }
0xba: {  	s0 =	sor.u32 s1, s0  }
0xbb: {  	s0 =	sadd.s32 $0x8F2B, s0  }
0xbc: {  	[sflag:s0] =	ssyncadd.remote.s32 $0x1  }
0xbd: {  	_ =	sfence.sel $0xFFFF  }
0xbe: {  	[dreg:$0x0] =	wrdreg $0xFFFFFFFF;
	(pc) =	sbr.abs _section_cstart, $3  }
0xbf: {  	[dreg:$0x1] =	wrdreg $0xFFFFFFFF  }
0xc0: {  	_ =	task.clear_ibuf [dreg:s6], $0x2FFFF;
	_ =	strace $0x9FFFFFFF  }
0xc1: {  	(tm) =	ssettm $0x7FFFFFFF  }
tec
execute0_lowered:
.L_overlay_start_1:
0x0: {  	(tag) =	ssettag $0x1  }
0x1: {  	s0 =	srdreg.scid  }
0x2: {  	s2 =	sand.u32 $0x1, s0;
	s0 =	stileid.u32  }
0x3: {  	s3 =	sshll.u32 s0, $0x1;
	s4 =	ssub.s32 $0x0, s2  }
0x4: {  	p0 =	sne.s32 s3, s4  }
.Ltmp0:
0x5: {  	_ = 	snop;
	(pc) =	sbr.rel @p0 .LBB2_7-.Ltmp0, $3  }
0x6: {  	_ =	sdelay $0x1  }
0x7: {  	s5 =	rddreg [dreg:$0x0]  }
0x8: {  	s1 =	rddreg [dreg:$0x1];
	_ =	strace $0x8000004A  }
0x9: {  	s4 =	ssub.s32 $0x2, s2;
	s2 =	sadd.s32 $0x2E00, s5  }
0xa: {  	s3 =	sadd.s32 $0x3000, s5;
	s7 =	simm.s32 $0x0;
	s8 =	simm.s32 $0x1  }
0xb: {  	s9 =	simm.s32 $0x1000;
	s10 =	simm.s32 $0x2000;
	s6 =	sshrl.u32 s4, $0x1  }
0xc: {  	s11 =	simm.s32 $0x3400;
	s12 =	simm.s32 $0x0;
	s6 =	ssub.s32 s4, s6  }
0xd: {  	v0 =	vimm.s32 $0x0;
	v1 =	vimm.f32 $0.0e+00;
	v2 =	vlaneseq.u32;
	s4 =	sadd.s32 $0x2200, s5;
	s5 =	sadd.s32 $0x2600, s5;
	s6 =	smax.u32 s6, $0x1  }
.LBB2_2:
0xe: {  	[tilespmem:s7], [sflag:$0x1] =	stream.linear.gather [hbm4b:s2+s7], $0x1000, $0x38;
	[tilespmem:$0x4800] =	vst v63  }
0xf: {  	_ =	swait.ge [sflag:s8], $0x1000  }
0x10: {  	[sflag:s8] =	ssyncset.done $0x0  }
0x11: {  	[sflag:s8] =	ssyncadd.s32 $0xFFFFF000  }
0x12: {  	[tilespmem:s9], [sflag:$0x1] =	stream.linear.gather [hbm4b:s3+s7], $0x1000, $0x38;
	[tilespmem:$0x4800] =	vst v63  }
0x13: {  	_ =	swait.ge [sflag:s8], $0x1000  }
0x14: {  	[sflag:s8] =	ssyncset.done $0x0  }
0x15: {  	s13 =	simm.s32 $0x0;
	[sflag:s8] =	ssyncadd.s32 $0xFFFFF000  }
.LBB2_3:
0x16: {  	p0 =	sne.s32 s13, $0x4FC0  }
.Ltmp1:
0x17: {  	_ = 	snop;
	(pc) =	sbr.rel @p0 .LBB2_3-.Ltmp1, $4  }
0x18: {  	_ = 	snop  }
0x19: {  	s14 =	sshra.s32 s13, $0x2  }
0x1a: {  	[tilespmem:s14+$0x2000] =	vst v0  }
0x1b: {  	s13 =	sadd.s32 $0x40, s13;
	[tilespmem:s14+$0x3400] =	vst v1  }
0x1c: {  	s13 =	simm.s32 $0x0  }
0x1d: {  	v3 =	vld [tilespmem:s13+$0x0];
	_ =	sdelay $0x5  }
0x1e: {  	v4 =	vor.u32 s13, v2  }
0x1f: {  	v4 =	vshrl.u32 v4, $0x1  }
0x20: {  	s13 =	simm.s32 $0x1000;
	[tilespmem:v3+s10+$0x0] =	vst.idx.msk $0xffff, v4  }
0x21: {  	v4 =	vld [tilespmem:s13+$0x0];
	_ =	sdelay $0x4  }
0x22: {  	s14 =	simm.s32 $0x10;
	[tilespmem:v3+s11+$0x0] =	vst.idx.msk $0xffff, v4  }
0x23: {  	s15 =	simm.s32 $0x20;
	s16 =	simm.s32 $0x10;
	v3 =	vld [tilespmem:s14+$0x0]  }
.LBB2_5:
0x24: {  	p0 =	sne.s32 s15, $0xFF0;
	_ =	sdelay $0x4  }
0x25: {  	v4 =	vor.u32 s14, v2;
	s14 =	smov.u32 s15  }
0x26: {  	v4 =	vshrl.u32 v4, $0x1  }
0x27: {  	s13 =	sadd.s32 $0x10, s13;
	[tilespmem:v3+s10+$0x0] =	vst.idx.msk $0xffff, v4  }
0x28: {  	v4 =	vld [tilespmem:s13+$0x0];
	_ =	sdelay $0x1  }
.Ltmp2:
0x29: {  	(pc) =	sbr.rel @p0 .LBB2_5-.Ltmp2, $3  }
0x2a: {  	_ =	sdelay $0x1  }
0x2b: {  	s16 =	sadd.s32 $0x10, s16;
	[tilespmem:v3+s11+$0x0] =	vst.idx.msk $0xffff, v4  }
0x2c: {  	s15 =	sadd.s32 $0x10, s15;
	v3 =	vld [tilespmem:s16+$0x0]  }
0x2d: {  	_ =	sdelay $0x5  }
0x2e: {  	v4 =	vor.u32 s14, v2  }
0x2f: {  	v4 =	vshrl.u32 v4, $0x1  }
0x30: {  	s13 =	sadd.s32 $0x10, s13;
	[tilespmem:v3+s10+$0x0] =	vst.idx.msk $0xffff, v4  }
0x31: {  	v4 =	vld [tilespmem:s13+$0x0];
	_ =	sdelay $0x4  }
0x32: {  	[tilespmem:v3+s11+$0x0] =	vst.idx.msk $0xffff, v4  }
0x33: {  	[hbm4b:s4+s7] =	stream.linear.scatter [tilespmem:s10], [sflag:$0x1], $0x1400, $0x38;
	[tilespmem:$0x4800] =	vst v63  }
0x34: {  	s12 =	sadd.s32 $0x1, s12;
	_ =	swait.ge [sflag:s8], $0x1400  }
0x35: {  	p0 =	sne.s32 s12, s6;
	[sflag:s8] =	ssyncset.done $0x0  }
.Ltmp3:
0x36: {  	[sflag:s8] =	ssyncadd.s32 $0xFFFFEC00;
	(pc) =	sbr.rel @p0 .LBB2_2-.Ltmp3, $4  }
0x37: {  	[hbm4b:s5+s7] =	stream.linear.scatter [tilespmem:s11], [sflag:$0x1], $0x1400, $0x38;
	[tilespmem:$0x4800] =	vst v63  }
0x38: {  	_ =	swait.ge [sflag:s8], $0x1400  }
0x39: {  	[sflag:s8] =	ssyncset.done $0x0  }
0x3a: {  	[sflag:s8] =	ssyncadd.s32 $0xFFFFEC00  }
.LBB2_7:
0x3b: {  	_ =	sfence.sel $0x180000  }
0x3c: {  	[bflag:$0x0] =	sbarrier.arrive $0xFFFF  }
0x3d: {  	p0 =	sne.s32 s0, $0x0;
	_ =	strace $0x9000004A  }
0x3e: {  	s0 =	sadd.s32 @!p0 $0x100000, s1;
	[bflag:$0x2] =	sbarrier.arrive $0xFFFF  }
0x3f: {  	[sflag:s0] =	ssyncadd.tile.s32 @!p0 $0x1;
	_ =	shalt  }
.Lfunc_end2:
_tile_overlayer_lowered:
.L_overlay_start_2:
0x40: {  	(tag) =	ssettag $0x2  }
0x41: {  	s0 =	rddreg [dreg:$0x0];
	s2 =	stileid.u32  }
0x42: {  	s1 =	rddreg [dreg:$0x1];
	p0 =	sne.s32 s2, $0x0  }
0x43: {  	s3 =	rddreg [dreg:$0x2];
	[bflag:$0x3] =	sbarrier.arrive $0xFFFF;
	s2 =	simm.s32 @!p0 $0x1C01  }
0x44: {  	[timem:s3], [sflag:s2] =	dma.local @!p0 [hbm:s0], s1  }
0x45: {  	s0 =	simm.s32 @!p0 $0x1  }
0x46: {  	_ =	swait.ge @!p0 [sflag:s0], s1  }
0x47: {  	s1 =	ssub.s32 @!p0 $0x0, s1;
	[sflag:s0] =	ssyncset.done @!p0 $0x0  }
0x48: {  	[sflag:s0] =	ssyncadd.s32 @!p0 s1  }
0x49: {  	[bflag:$0x3] =	sbarrier.arrive $0xFFFF  }
0x4a: {  	_ =	shalt  }

// kernel: kernel.9.cloned.1.call-start
scs
__scs_entry_jumppad:
0x0: {  	(pc) =	sbr.rel $0x88, $3  }
0x1: {  	(tag) =	ssettag $0x0;
	lr =	simm.s32 $0x1  }
0x2: {  	[smem:$0x3F9C] =	sst lr;
	_ =	strace $0xD0000000  }
0x3: {  	_ = 	snop  }
0x4: {  	_ = 	snop  }
0x5: {  	_ = 	snop  }
0x6: {  	_ = 	snop  }
0x7: {  	_ = 	snop  }
__scs_overlays_trampoline_lowered:
0x8: {  	[smem:$0x3FAB] =	sst s0  }
0x9: {  	[smem:$0x3FAC] =	sst s1  }
0xa: {  	[smem:$0x3FAD] =	sst s2  }
0xb: {  	[smem:$0x3FAE] =	sst s3  }
0xc: {  	[smem:$0x3FAF] =	sst s4  }
0xd: {  	[smem:$0x3FB0] =	sst s5  }
0xe: {  	[smem:$0x3FB1] =	sst s6  }
0xf: {  	[smem:$0x3FB2] =	sst s7  }
0x10: {  	[smem:$0x3FB3] =	sst s8  }
0x11: {  	[smem:$0x3FB4] =	sst s9;
	s0 =	simm.s32 @!p0 $0x0  }
0x12: {  	s1 =	sld [smem:$0x3F9A];
	s0 =	simm.s32 @p0 $0x1  }
0x13: {  	[smem:$0x3FB5] =	sst s0;
	s0 =	simm.s32 @!p1 $0x0  }
0x14: {  	s2 =	sld [smem:$0x3F99];
	s0 =	simm.s32 @p1 $0x1  }
0x15: {  	[smem:$0x3FB6] =	sst s0;
	s0 =	simm.s32 @!p2 $0x0  }
0x16: {  	s3 =	sld [smem:$0x3FDB];
	s0 =	simm.s32 @p2 $0x1  }
0x17: {  	s4 =	simm.s32 $0x1BF5;
	[smem:$0x3FB8] =	sst s0  }
0x18: {  	s0 =	sld [smem:$0x3F9B];
	_ =	swait.ge [sflag:s4], $0x0  }
0x19: {  	s7 =	sld [smem:$0x3F9C]  }
0x1a: {  	s8 =	sadd.s32 $0xFFFFE003, lr  }
0x1b: {  	s9 =	sadd.s32 $0xFFFFFEF7, lr;
	s5 =	simm.s32 $0xFFFFFFFF;
	p2 =	slt.u32 s8, $0xFFFFF086  }
0x1c: {  	p1 =	slt.u32 s9, $0xF7A;
	s5 =	simm.s32 @!p2 $0x0  }
0x1d: {  	s5 =	simm.s32 @p1 $0x1;
	p0 =	seq.s32 s7, s2  }
0x1e: {  	s7 =	smul.u32 @!p0 $0xF7A, s2;
	p2 =	seq.s32 @!p0 s5, $0x0  }
0x1f: {  	s9 =	smul.u32 $0xF7A, s1;
	s8 =	simm.s32 @!p0 $0x1BF5;
	p2 =	por !p2, p0  }
0x20: {  	[sflag:s8] =	ssyncset.s32 @!p0 $0xFFFFF086;
	s6 =	sadd.s32 @!p0 s3, s7;
	s7 =	simm.s32 @!p0 $0x108  }
0x21: {  	s3 =	sadd.s32 s3, s9;
	s6 =	sadd.s32 @!p0 $0x88, s6;
	s7 =	simm.s32 @p2 $0x1082  }
0x22: {  	[simem:s7], [sflag:s8] =	dma.local @!p0 [hbm:s6], $0xF7A  }
0x23: {  	s9 =	sor.u32 $0xD0000000, s2;
	s6 =	simm.s32 $0x108;
	_ =	swait.ge @!p0 [sflag:s8], $0x0  }
0x24: {  	s3 =	sadd.s32 $0x88, s3;
	s6 =	simm.s32 @!p1 $0x1082;
	[sflag:s4] =	ssyncset.s32 $0xFFFFF086  }
0x25: {  	[simem:s6], [sflag:s4] =	dma.local [hbm:s3], $0xF7A  }
0x26: {  	[smem:$0x3F9C] =	sst s1;
	(tag) =	ssettag s2;
	_ =	strace s9  }
0x27: {  	s1 =	sld [smem:$0x3FAC]  }
0x28: {  	s2 =	sld [smem:$0x3FAD]  }
0x29: {  	s4 =	sld [smem:$0x3FAF]  }
0x2a: {  	p0 =	seq.s32 s5, $0x0;
	s5 =	sld [smem:$0x3FB0]  }
0x2b: {  	s6 =	sld [smem:$0x3FB1]  }
0x2c: {  	s7 =	sld [smem:$0x3FB2]  }
0x2d: {  	s3 =	simm.s32 $0x108;
	s8 =	sld [smem:$0x3FB3]  }
0x2e: {  	s3 =	simm.s32 @!p0 $0x1082;
	s9 =	sld [smem:$0x3FB4]  }
0x2f: {  	lr =	sadd.s32 s0, s3;
	s0 =	sld [smem:$0x3FAB]  }
0x30: {  	s3 =	sld [smem:$0x3FAE]  }
0x31: {  	[smem:$0x3FB7] =	sst s10  }
0x32: {  	s10 =	sld [smem:$0x3FB5];
	_ =	sdelay $0x3  }
0x33: {  	p0 =	seq.s32 s10, $0x1;
	s10 =	sld [smem:$0x3FB7];
	_ =	sdelay $0x3  }
0x34: {  	[smem:$0x3FB7] =	sst s10  }
0x35: {  	s10 =	sld [smem:$0x3FB6];
	_ =	sdelay $0x3  }
0x36: {  	p1 =	seq.s32 s10, $0x1;
	s10 =	sld [smem:$0x3FB7];
	_ =	sdelay $0x3  }
0x37: {  	[smem:$0x3FB7] =	sst s10  }
0x38: {  	s10 =	sld [smem:$0x3FB8]  }
0x39: {  	_ = 	snop;
	(pc) =	sbr.ind lr, $3  }
0x3a: {  	_ = 	snop  }
0x3b: {  	_ = 	snop  }
0x3c: {  	p2 =	seq.s32 s10, $0x1;
	s10 =	sld [smem:$0x3FB7]  }
0x3d: {  	_ =	shalt  }
0x3e: {  	_ =	shalt  }
0x3f: {  	_ =	shalt  }
0x40: {  	_ =	shalt  }
0x41: {  	_ =	shalt  }
0x42: {  	_ =	shalt  }
0x43: {  	_ =	shalt  }
0x44: {  	_ =	shalt  }
0x45: {  	_ =	shalt  }
0x46: {  	_ =	shalt  }
0x47: {  	_ =	shalt  }
0x48: {  	_ =	shalt  }
0x49: {  	_ =	shalt  }
0x4a: {  	_ =	shalt  }
0x4b: {  	_ =	shalt  }
0x4c: {  	_ =	shalt  }
0x4d: {  	_ =	shalt  }
0x4e: {  	_ =	shalt  }
0x4f: {  	_ =	shalt  }
0x50: {  	_ =	shalt  }
0x51: {  	_ =	shalt  }
0x52: {  	_ =	shalt  }
0x53: {  	_ =	shalt  }
0x54: {  	_ =	shalt  }
0x55: {  	_ =	shalt  }
0x56: {  	_ =	shalt  }
0x57: {  	_ =	shalt  }
0x58: {  	_ =	shalt  }
0x59: {  	_ =	shalt  }
0x5a: {  	_ =	shalt  }
0x5b: {  	_ =	shalt  }
0x5c: {  	_ =	shalt  }
0x5d: {  	_ =	shalt  }
0x5e: {  	_ =	shalt  }
0x5f: {  	_ =	shalt  }
0x60: {  	_ =	shalt  }
0x61: {  	_ =	shalt  }
0x62: {  	_ =	shalt  }
0x63: {  	_ =	shalt  }
0x64: {  	_ =	shalt  }
0x65: {  	_ =	shalt  }
0x66: {  	_ =	shalt  }
0x67: {  	_ =	shalt  }
0x68: {  	_ =	shalt  }
0x69: {  	_ =	shalt  }
0x6a: {  	_ =	shalt  }
0x6b: {  	_ =	shalt  }
0x6c: {  	_ =	shalt  }
0x6d: {  	_ =	shalt  }
0x6e: {  	_ =	shalt  }
0x6f: {  	_ =	shalt  }
0x70: {  	_ =	shalt  }
0x71: {  	_ =	shalt  }
0x72: {  	_ =	shalt  }
0x73: {  	_ =	shalt  }
0x74: {  	_ =	shalt  }
0x75: {  	_ =	shalt  }
0x76: {  	_ =	shalt  }
0x77: {  	_ =	shalt  }
0x78: {  	_ =	shalt  }
0x79: {  	_ =	shalt  }
0x7a: {  	_ =	shalt  }
0x7b: {  	_ =	shalt  }
0x7c: {  	_ =	shalt  }
0x7d: {  	_ =	shalt  }
0x7e: {  	_ =	shalt  }
0x7f: {  	_ =	shalt  }
0x80: {  	_ =	shalt  }
0x81: {  	_ =	shalt  }
0x82: {  	_ =	shalt  }
0x83: {  	_ =	shalt  }
0x84: {  	_ =	shalt  }
0x85: {  	_ =	shalt  }
0x86: {  	_ =	shalt  }
0x87: {  	_ =	shalt  }
.Lfunc_end0:
.L_simem_size_0:
called_computation.2_lowered:
.L_overlay_start_0:
0x88: {  	s2 =	sld [smem:$0x3FD9]  }
0x89: {  	s3 =	sld [smem:$0x3FFE];
	_ =	sdelay $0x1  }
0x8a: {  	s1 =	srdreg.scid  }
0x8b: {  	s0 =	sand.u32 $0x1, s1  }
0x8c: {  	s17 =	sshll.u32 s0, $0xA;
	s2 =	sadd.s32 s3, s2  }
0x8d: {  	s2 =	sadd.s32 s2, s17  }
0x8e: {  	[smem:$0x3FC3] =	sst s2  }
0x8f: {  	_ = 	snop  }
0x90: {  	s2 =	sld [smem:$0x3FD0];
	(tm) =	ssettm $0x1  }
0x91: {  	s18 =	sld [smem:$0x3FFB];
	_ =	sdelay $0x3  }
0x92: {  	_ =	strace s18  }
0x93: {  	s3 =	sld [smem:$0x3FFC];
	_ =	sdelay $0x3  }
0x94: {  	_ =	strace s3  }
0x95: {  	s3 =	sld [smem:$0x3FFD];
	_ =	sdelay $0x3  }
0x96: {  	_ =	strace s3  }
0x97: {  	_ =	strace $0x8FFFFFFF  }
0x98: {  	s19 =	sld [smem:$0x3FDB];
	_ =	sdelay $0x1  }
0x99: {  	s4 =	simm.s32 $_scs_section_size  }
0x9a: {  	s5 =	simm.s32 $_size__tile_overlayer_lowered;
	s6 =	simm.s32 $_tile_overlayer_lowered  }
0x9b: {  	s22 =	simm.s32 $0x1BFF;
	s21 =	sshll.u32 s6, $0x1;
	s3 =	sadd.s32 s4, s19  }
0x9c: {  	s7 =	simm.s32 $0x0;
	s20 =	sshll.u32 s5, $0x1;
	s5 =	sadd.s32 s21, s3  }
0x9d: {  	[timem:s7], [sflag:s22] =	dma.local [hbm:s5], s20  }
0x9e: {  	_ =	swait.ge [sflag:s22], s20  }
0x9f: {  	s4 =	ssub.s32 $0x0, s20;
	[sflag:s22] =	ssyncset.done $0x0  }
0xa0: {  	[sflag:s22] =	ssyncadd.s32 s4;
	_ =	sdelay $0x1  }
0xa1: {  	s23 =	simm.s32 $0x1B8B  }
0xa2: {  	_ =	swait.ge [sflag:s23], $0x1  }
0xa3: {  	[sflag:s23] =	ssyncset.done $0x0  }
0xa4: {  	s25 =	simm.s32 $0x1B8E;
	s24 =	sld [smem:$0x3FFE];
	[sflag:s23] =	ssyncadd.s32 $0xFFFFFFFF  }
0xa5: {  	s26 =	simm.s32 $execute0_lowered;
	[smem:$0x3FD2] =	sst s25  }
0xa6: {  	s5 =	sshll.u32 s26, $0x1;
	_ =	strace $0x8000004C;
	[dreg:$0x1] =	wrdreg $0xFFFFFFFF  }
0xa7: {  	s28 =	simm.s32 $_size_execute0_lowered;
	s3 =	sadd.s32 s3, s5;
	[dreg:$0x0] =	wrdreg $0x0  }
0xa8: {  	s5 =	sshll.u32 s28, $0x1;
	[dreg:$0x2] =	wrdreg s3  }
0xa9: {  	[dreg:$0x3] =	wrdreg s5  }
0xaa: {  	[dreg:$0x4] =	wrdreg $0xC0  }
0xab: {  	_ =	task [dreg:s7], $0x5FFFF  }
0xac: {  	[dreg:$0x1] =	wrdreg $0xFFFFFFFF  }
0xad: {  	[dreg:$0x0] =	wrdreg $0x60  }
0xae: {  	[dreg:$0x2] =	wrdreg s2  }
0xaf: {  	[dreg:$0x3] =	wrdreg s24  }
0xb0: {  	[dreg:$0x4] =	wrdreg $0x9  }
0xb1: {  	_ =	task.clear_ibuf [dreg:s7], $0x5FFFF;
	_ =	strace $0x9000004C  }
0xb2: {  	s29 =	simm.s32 $0x9;
	_ =	strace $0x80000055  }
0xb3: {  	_ =	swait.ge [sflag:s29], $0x1  }
0xb4: {  	[sflag:s29] =	ssyncadd.s32 $0xFFFFFFFF  }
0xb5: {  	_ =	strace $0x90000055  }
0xb6: {  	_ =	sfence  }
0xb7: {  	s30 =	sld [smem:$0x0];
	_ =	sdelay $0x2  }
0xb8: {  	s31 =	sshll.u32 s1, $0xD;
	s1 =	sshrl.u32 s1, $0x2  }
0xb9: {  	s3 =	sand.u32 $0x4000, s31;
	s1 =	sadd.s32 s1, s30  }
0xba: {  	s0 =	sor.u32 s3, s0;
	s1 =	sshll.u32 s1, $0x11  }
0xbb: {  	s0 =	sor.u32 s1, s0  }
0xbc: {  	s0 =	sadd.s32 $0x8F2B, s0  }
0xbd: {  	[sflag:s0] =	ssyncadd.remote.s32 $0x1  }
0xbe: {  	_ =	sfence.sel $0xFFFF  }
0xbf: {  	[dreg:$0x0] =	wrdreg $0xFFFFFFFF;
	(pc) =	sbr.abs _section_cstart, $3  }
0xc0: {  	[dreg:$0x1] =	wrdreg $0xFFFFFFFF  }
0xc1: {  	_ =	task.clear_ibuf [dreg:s7], $0x2FFFF;
	_ =	strace $0x9FFFFFFF  }
0xc2: {  	(tm) =	ssettm $0x7FFFFFFF  }
0xc3: {  	_ =	shalt  }
tec
execute0_lowered:
.L_overlay_start_1:
0x0: {  	(tag) =	ssettag $0x1  }
0x1: {  	s1 =	rddreg [dreg:$0x0]  }
0x2: {  	s4 =	rddreg [dreg:$0x1];
	s2 =	srdreg.scid  }
0x3: {  	s0 =	rddreg [dreg:$0x2];
	s3 =	simm.s32 $0x0;
	s10 =	simm.s32 $0x0  }
0x4: {  	s5 =	sand.u32 $0x1, s2;
	[smem:$0x7FF] =	sst s3;
	s2 =	stileid.u32  }
0x5: {  	s7 =	sadd.s32 $0x3E00, s4;
	s4 =	sadd.s32 $0x3400, s4;
	s6 =	sshll.u32 s5, $0x4  }
0x6: {  	_ =	strace $0x8000004D;
	s5 =	ssub.s32 $0x2, s5;
	s6 =	sor.u32 s2, s6  }
0x7: {  	v2 =	vlaneseq.u32;
	[dreg:$0x3] =	wrdreg s7;
	s8 =	sshrl.u32 s5, $0x1;
	s9 =	smul.u32 $0x50, s6  }
0x8: {  	vm0 =	vmmov $0xffff;
	v1 =	vshrl.u32 v2, $0x3;
	s31 =	ssub.s32 s5, s8;
	s5 =	smul.u32 $0x5, s6;
	s8 =	simm.s32 $0x5  }
0x9: {  	v0 =	vand.u32 $0x7, v2;
	v2 =	vor.u32 $0x8, v2;
	v1 =	vmul.u32 $0x8, v1;
	s7 =	smax.u32 s31, $0x1;
	s6 =	sadd.s32 s4, s9;
	s9 =	simm.s32 $0x3  }
.LBB2_1:
0xa: {  	_ =	strace $0x8000004E;
	s11 =	simm.s32 $0x4  }
0xb: {  	s12 =	simm.s32 $0x0;
	s13 =	simm.s32 $0x0;
	s14 =	simm.s32 $0x0  }
0xc: {  	[tilespmem:s3], [sflag:$0x1] =	stream.linear.gather [hbm4b:s6+s3], $0x80, $0x200038;
	[tilespmem:$0x10100] =	vst v63  }
0xd: {  	s15 =	simm.s32 $0x0;
	s16 =	simm.s32 $0x1;
	_ =	strace $0x9000004E  }
.LBB2_2:
0xe: {  	s17 =	smov.u32 s12;
	s12 =	sadd.s32 $0x1, s12  }
0xf: {  	p0 =	seq.s32 s12, $0x5  }
0x10: {  	s12 =	simm.s32 @p0 $0x0  }
0x11: {  	p6 =	sne.s32 s11, $0x0;
	p1 =	sne.s32 s17, s12  }
0x12: {  	p0 =	por !p6, !p1  }
0x13: {  	p0 =	por !p0, !p0  }
0x14: {  	s18 =	sadd.s32 @p0 s5, s12  }
0x15: {  	s19 =	sand.u32 @p0 $0x1, s16;
	s18 =	sshll.u32 @p0 s18, $0x4  }
0x16: {  	_ =	strace @p0 $0x8000004F;
	s21 =	simm.s32 @p0 $0x0;
	s18 =	sand.u32 @p0 $0x1FFFFFF0, s18  }
0x17: {  	s20 =	sshll.u32 @p0 s19, $0x7;
	s19 =	sadd.s32 @p0 $0x1, s19;
	s18 =	sadd.s32 @p0 s4, s18  }
0x18: {  	[tilespmem:s20], [sflag:s19] =	stream.linear.gather @p0 [hbm4b:s18+s21], $0x80, $0x200038;
	[tilespmem:$0x10100] =	vst v63  }
0x19: {  	s24 =	sand.u32 $0x1, s15;
	_ =	strace @p0 $0x9000004F  }
0x1a: {  	s18 =	sadd.s32 $0x1, s24;
	_ =	strace $0x80000050  }
0x1b: {  	_ =	swait.ge [sflag:s18], $0x80  }
0x1c: {  	[sflag:s18] =	ssyncset.done $0x0  }
0x1d: {  	[sflag:s18] =	ssyncadd.s32 $0xFFFFFF80  }
0x1e: {  	s25 =	sshll.u32 s15, $0x7;
	_ =	strace $0x90000050  }
0x1f: {  	s21 =	sand.u32 $0x80, s25;
	_ =	strace $0x80000051  }
0x20: {  	v3 =	vld [tilespmem:s21+$0x0];
	_ =	sdelay $0x4  }
0x21: {  	v4 =	vshll.u32 v3, $0x1  }
0x22: {  	v3 =	vand.u32 $0x7, v3;
	v4 =	vand.u32 $0xFFFFFFF0, v4  }
0x23: {  	v3 =	vor.u32 v3, v4  }
0x24: {  	v4 =	vperm.xlane v3, v0;
	_ =	sdelay $0x1  }
0x25: {  	v3 =	vperm.xlane v3, v2;
	v4 =	vadd.s32 v1, v4;
	_ =	sdelay $0x1  }
0x26: {  	s18 =	sand.u32 $0x1, s14;
	v3 =	vadd.s32 v1, v3  }
0x27: {  	s20 =	sshll.u32 s18, $0xF  }
0x28: {  	s19 =	sor.u32 $0x100, s20  }
0x29: {  	[tilespmem:s19], [sflag:$0x5] =	stream.indirect_vreg.gather [hbm4b:s1+s3], $0x80, v4, vm0, $0x2000b8;
	[tilespmem:$0x10100] =	vst v63  }
0x2a: {  	s22 =	sor.u32 $0x900, s20  }
0x2b: {  	[tilespmem:s22], [sflag:$0x5] =	stream.indirect_vreg.gather [hbm4b:s1+s3], $0x80, v3, vm0, $0x2000b8;
	[tilespmem:$0x10100] =	vst v63  }
0x2c: {  	v3 =	vld [tilespmem:s21+$0x10];
	_ =	sdelay $0x4  }
0x2d: {  	v57 =	vshll.u32 v3, $0x1  }
0x2e: {  	v3 =	vand.u32 $0x7, v3;
	v4 =	vand.u32 $0xFFFFFFF0, v57  }
0x2f: {  	v3 =	vor.u32 v3, v4  }
0x30: {  	v4 =	vperm.xlane v3, v0;
	_ =	sdelay $0x1  }
0x31: {  	v3 =	vperm.xlane v3, v2;
	v4 =	vadd.s32 v1, v4;
	_ =	sdelay $0x1  }
0x32: {  	v3 =	vadd.s32 v1, v3;
	_ =	sdelay $0x1  }
0x33: {  	s26 =	sor.u32 $0x1100, s20  }
0x34: {  	[tilespmem:s26], [sflag:$0x5] =	stream.indirect_vreg.gather [hbm4b:s1+s3], $0x80, v4, vm0, $0x2000b8;
	[tilespmem:$0x10100] =	vst v63  }
0x35: {  	s28 =	sor.u32 $0x1900, s20  }
0x36: {  	[tilespmem:s28], [sflag:$0x5] =	stream.indirect_vreg.gather [hbm4b:s1+s3], $0x80, v3, vm0, $0x2000b8;
	[tilespmem:$0x10100] =	vst v63  }
0x37: {  	v3 =	vld [tilespmem:s21+$0x20];
	_ =	sdelay $0x4  }
0x38: {  	v58 =	vshll.u32 v3, $0x1  }
0x39: {  	v3 =	vand.u32 $0x7, v3;
	v4 =	vand.u32 $0xFFFFFFF0, v58  }
0x3a: {  	v3 =	vor.u32 v3, v4  }
0x3b: {  	v4 =	vperm.xlane v3, v0;
	_ =	sdelay $0x1  }
0x3c: {  	v3 =	vperm.xlane v3, v2;
	v4 =	vadd.s32 v1, v4;
	_ =	sdelay $0x1  }
0x3d: {  	v3 =	vadd.s32 v1, v3;
	_ =	sdelay $0x1  }
0x3e: {  	s29 =	sor.u32 $0x2100, s20  }
0x3f: {  	[tilespmem:s29], [sflag:$0x5] =	stream.indirect_vreg.gather [hbm4b:s1+s3], $0x80, v4, vm0, $0x2000b8;
	[tilespmem:$0x10100] =	vst v63  }
0x40: {  	s30 =	sor.u32 $0x2900, s20  }
0x41: {  	[tilespmem:s30], [sflag:$0x5] =	stream.indirect_vreg.gather [hbm4b:s1+s3], $0x80, v3, vm0, $0x2000b8;
	[tilespmem:$0x10100] =	vst v63  }
0x42: {  	v3 =	vld [tilespmem:s21+$0x30];
	_ =	sdelay $0x4  }
0x43: {  	v59 =	vshll.u32 v3, $0x1  }
0x44: {  	v3 =	vand.u32 $0x7, v3;
	v4 =	vand.u32 $0xFFFFFFF0, v59  }
0x45: {  	v3 =	vor.u32 v3, v4  }
0x46: {  	v4 =	vperm.xlane v3, v0;
	_ =	sdelay $0x1  }
0x47: {  	v3 =	vperm.xlane v3, v2;
	v4 =	vadd.s32 v1, v4;
	_ =	sdelay $0x1  }
0x48: {  	v3 =	vadd.s32 v1, v3;
	_ =	sdelay $0x1  }
0x49: {  	s31 =	sor.u32 $0x3100, s20  }
0x4a: {  	[tilespmem:s31], [sflag:$0x5] =	stream.indirect_vreg.gather [hbm4b:s1+s3], $0x80, v4, vm0, $0x2000b8;
	[tilespmem:$0x10100] =	vst v63  }
0x4b: {  	s23 =	sor.u32 $0x3900, s20  }
0x4c: {  	[tilespmem:s23], [sflag:$0x5] =	stream.indirect_vreg.gather [hbm4b:s1+s3], $0x80, v3, vm0, $0x2000b8;
	[tilespmem:$0x10100] =	vst v63  }
0x4d: {  	v3 =	vld [tilespmem:s21+$0x40];
	_ =	sdelay $0x4  }
0x4e: {  	v60 =	vshll.u32 v3, $0x1  }
0x4f: {  	v3 =	vand.u32 $0x7, v3;
	v4 =	vand.u32 $0xFFFFFFF0, v60  }
0x50: {  	v3 =	vor.u32 v3, v4  }
0x51: {  	v4 =	vperm.xlane v3, v0;
	_ =	sdelay $0x1  }
0x52: {  	v3 =	vperm.xlane v3, v2;
	v4 =	vadd.s32 v1, v4;
	_ =	sdelay $0x1  }
0x53: {  	v3 =	vadd.s32 v1, v3;
	_ =	sdelay $0x1  }
0x54: {  	s24 =	sor.u32 $0x4100, s20  }
0x55: {  	[tilespmem:s24], [sflag:$0x5] =	stream.indirect_vreg.gather [hbm4b:s1+s3], $0x80, v4, vm0, $0x2000b8;
	[tilespmem:$0x10100] =	vst v63  }
0x56: {  	s25 =	sor.u32 $0x4900, s20  }
0x57: {  	[tilespmem:s25], [sflag:$0x5] =	stream.indirect_vreg.gather [hbm4b:s1+s3], $0x80, v3, vm0, $0x2000b8;
	[tilespmem:$0x10100] =	vst v63  }
0x58: {  	v3 =	vld [tilespmem:s21+$0x50];
	_ =	sdelay $0x4  }
0x59: {  	v61 =	vshll.u32 v3, $0x1  }
0x5a: {  	v3 =	vand.u32 $0x7, v3;
	v4 =	vand.u32 $0xFFFFFFF0, v61  }
0x5b: {  	v3 =	vor.u32 v3, v4  }
0x5c: {  	v4 =	vperm.xlane v3, v0;
	_ =	sdelay $0x1  }
0x5d: {  	v3 =	vperm.xlane v3, v2;
	v4 =	vadd.s32 v1, v4;
	_ =	sdelay $0x1  }
0x5e: {  	v3 =	vadd.s32 v1, v3;
	_ =	sdelay $0x1  }
0x5f: {  	s26 =	sor.u32 $0x5100, s20  }
0x60: {  	[tilespmem:s26], [sflag:$0x5] =	stream.indirect_vreg.gather [hbm4b:s1+s3], $0x80, v4, vm0, $0x2000b8;
	[tilespmem:$0x10100] =	vst v63  }
0x61: {  	s28 =	sor.u32 $0x5900, s20  }
0x62: {  	[tilespmem:s28], [sflag:$0x5] =	stream.indirect_vreg.gather [hbm4b:s1+s3], $0x80, v3, vm0, $0x2000b8;
	[tilespmem:$0x10100] =	vst v63  }
0x63: {  	v3 =	vld [tilespmem:s21+$0x60];
	_ =	sdelay $0x4  }
0x64: {  	v62 =	vshll.u32 v3, $0x1  }
0x65: {  	v3 =	vand.u32 $0x7, v3;
	v4 =	vand.u32 $0xFFFFFFF0, v62  }
0x66: {  	v3 =	vor.u32 v3, v4  }
0x67: {  	v4 =	vperm.xlane v3, v0;
	_ =	sdelay $0x1  }
0x68: {  	v3 =	vperm.xlane v3, v2;
	v4 =	vadd.s32 v1, v4;
	_ =	sdelay $0x1  }
0x69: {  	v3 =	vadd.s32 v1, v3;
	_ =	sdelay $0x1  }
0x6a: {  	s29 =	sor.u32 $0x6100, s20  }
0x6b: {  	[tilespmem:s29], [sflag:$0x5] =	stream.indirect_vreg.gather [hbm4b:s1+s3], $0x80, v4, vm0, $0x2000b8;
	[tilespmem:$0x10100] =	vst v63  }
0x6c: {  	s30 =	sor.u32 $0x6900, s20  }
0x6d: {  	[tilespmem:s30], [sflag:$0x5] =	stream.indirect_vreg.gather [hbm4b:s1+s3], $0x80, v3, vm0, $0x2000b8;
	[tilespmem:$0x10100] =	vst v63  }
0x6e: {  	v3 =	vld [tilespmem:s21+$0x70];
	_ =	sdelay $0x4  }
0x6f: {  	v63 =	vshll.u32 v3, $0x1  }
0x70: {  	v3 =	vand.u32 $0x7, v3;
	v4 =	vand.u32 $0xFFFFFFF0, v63  }
0x71: {  	v3 =	vor.u32 v3, v4  }
0x72: {  	v4 =	vperm.xlane v3, v0;
	_ =	sdelay $0x1  }
0x73: {  	v3 =	vperm.xlane v3, v2;
	v4 =	vadd.s32 v1, v4;
	_ =	sdelay $0x1  }
0x74: {  	v3 =	vadd.s32 v1, v3;
	_ =	sdelay $0x1  }
0x75: {  	s31 =	sor.u32 $0x7100, s20  }
0x76: {  	[tilespmem:s31], [sflag:$0x5] =	stream.indirect_vreg.gather [hbm4b:s1+s3], $0x80, v4, vm0, $0x2000b8;
	[tilespmem:$0x10100] =	vst v63  }
0x77: {  	s20 =	sor.u32 $0x7900, s20  }
0x78: {  	[tilespmem:s20], [sflag:$0x5] =	stream.indirect_vreg.gather [hbm4b:s1+s3], $0x80, v3, vm0, $0x2000b8;
	[tilespmem:$0x10100] =	vst v63  }
0x79: {  	_ =	swait.ge [sflag:s8], $0x8000  }
0x7a: {  	p2 =	seq.s32 s11, $0x0;
	[sflag:s8] =	ssyncset.done $0x0  }
0x7b: {  	s17 =	sadd.s32 s5, s17;
	p1 =	por p2, p1;
	[sflag:s8] =	ssyncadd.s32 $0xFFFF8000  }
0x7c: {  	s17 =	sshll.u32 @p1 s17, $0xC;
	_ =	strace $0x90000051  }
0x7d: {  	s17 =	sand.u32 @p1 $0x1FFFF000, s17;
	s21 =	simm.s32 $0x1;
	_ =	strace @p1 $0x80000052  }
0x7e: {  	s18 =	sadd.s32 @p1 $0x3, s18;
	s21 =	simm.s32 @!p0 $0x0;
	s20 =	rddreg [dreg:$0x3]  }
0x7f: {  	p0 =	seq.s32 s11, $0x4;
	s17 =	sadd.s32 @p1 s20, s17;
	s20 =	simm.s32 @p1 $0x0  }
0x80: {  	[hbm4b:s17+s20] =	stream.linear.scatter @p1 [tilespmem:s19], [sflag:s18], $0x8000, $0x200038;
	[tilespmem:$0x10100] =	vst v63  }
0x81: {  	s17 =	simm.s32 $0x1;
	s19 =	simm.s32 $0x1;
	_ =	strace @p1 $0x90000052  }
0x82: {  	s17 =	simm.s32 @!p1 $0x0;
	p1 =	sne.s32 s11, $0x4;
	s11 =	sadd.s32 $0xFFFFFFFF, s11  }
0x83: {  	s18 =	sand.u32 @!p0 $0x1, s13;
	s19 =	simm.s32 @!p1 $0x0;
	p1 =	sne.s32 s11, $0xFFFFFFFF  }
.Ltmp0:
0x84: {  	s18 =	sadd.s32 @!p0 $0x3, s18;
	_ =	strace @!p0 $0x80000053;
	(pc) =	sbr.rel @p1 .LBB2_2-.Ltmp0, $4  }
0x85: {  	_ =	swait.ge @!p0 [sflag:s18], $0x8000  }
0x86: {  	[sflag:s18] =	ssyncset.done @!p0 $0x0  }
0x87: {  	s16 =	sadd.s32 s21, s16;
	s14 =	sadd.s32 s17, s14;
	[sflag:s18] =	ssyncadd.s32 @!p0 $0xFFFF8000  }
0x88: {  	s15 =	sadd.s32 s17, s15;
	s13 =	sadd.s32 s19, s13;
	_ =	strace @!p0 $0x90000053  }
0x89: {  	s10 =	sadd.s32 $0x1, s10  }
0x8a: {  	p0 =	sne.s32 s10, s7  }
.Ltmp1:
0x8b: {  	_ =	strace $0x80000054;
	(pc) =	sbr.rel @p0 .LBB2_1-.Ltmp1, $4  }
0x8c: {  	_ =	swait.ge [sflag:s9], $0x8000  }
0x8d: {  	[sflag:s9] =	ssyncset.done $0x0  }
0x8e: {  	[sflag:s9] =	ssyncadd.s32 $0xFFFF8000  }
0x8f: {  	_ =	strace $0x90000054  }
0x90: {  	_ =	sfence.sel $0x180000  }
0x91: {  	[bflag:$0x0] =	sbarrier.arrive $0xFFFF  }
0x92: {  	p0 =	sne.s32 s2, $0x0;
	_ =	strace $0x9000004D  }
0x93: {  	s0 =	sadd.s32 @!p0 $0x100000, s0;
	[bflag:$0x2] =	sbarrier.arrive $0xFFFF  }
0x94: {  	[sflag:s0] =	ssyncadd.tile.s32 @!p0 $0x1;
	_ =	shalt  }
.Lfunc_end2:
_tile_overlayer_lowered:
.L_overlay_start_2:
0x95: {  	(tag) =	ssettag $0x2  }
0x96: {  	s0 =	rddreg [dreg:$0x0];
	s2 =	stileid.u32  }
0x97: {  	s1 =	rddreg [dreg:$0x1];
	p0 =	sne.s32 s2, $0x0  }
0x98: {  	s3 =	rddreg [dreg:$0x2];
	[bflag:$0x3] =	sbarrier.arrive $0xFFFF;
	s2 =	simm.s32 @!p0 $0x1C01  }
0x99: {  	[timem:s3], [sflag:s2] =	dma.local @!p0 [hbm:s0], s1  }
0x9a: {  	s0 =	simm.s32 @!p0 $0x1  }
0x9b: {  	_ =	swait.ge @!p0 [sflag:s0], s1  }
0x9c: {  	s1 =	ssub.s32 @!p0 $0x0, s1;
	[sflag:s0] =	ssyncset.done @!p0 $0x0  }
0x9d: {  	[sflag:s0] =	ssyncadd.s32 @!p0 s1  }
0x9e: {  	[bflag:$0x3] =	sbarrier.arrive $0xFFFF  }
0x9f: {  	_ =	shalt  }

</sc_bundles>
